<compile_context>
chip_gen: v7x
topology: tpu7x:2x2x1
jax: 0.10.2.dev20260603
libtpu: 0.0.44.dev20260713+nightly
codegen_flags: <defaults>
</compile_context>

<pallas_src>
import functools

import jax
import jax.numpy as jnp
from jax import lax
from jax.experimental import pallas as pl
from jax.experimental.pallas import tpu as pltpu
from jax.experimental.pallas import tpu_sc as plsc

N = 10000
E = 160000
F = 16
H = 16
G = 64
O = 64

NC = 2
NS = 16
L = 16
NW = NC * NS

BPW = E // NW
BPW_UP = 5008
N_PAD = 10240
STRIPE = N_PAD // NS

RP = E // 8
RBE = 400
GE = RP // RBE
BN = 1280
GN = N_PAD // BN

_SC_PARAMS = pltpu.CompilerParams(use_tc_tiling_on_sc=False)


def _mesh():
    return plsc.VectorSubcoreMesh(core_axis_name="c", subcore_axis_name="s",
                                  num_cores=NC, num_subcores=NS)


@functools.cache
def _build_sc_gather_rows():
  RPW = RP // NW
  RCH = 125
  kern = functools.partial(
    pl.kernel,
    out_type=jax.ShapeDtypeStruct((RP, 128), jnp.float32),
    mesh=_mesh(),
    compiler_params=_SC_PARAMS,
    scratch_types=[
        pltpu.VMEM((BPW,), jnp.int32),
        pltpu.VMEM((BPW, F), jnp.float32),
        pltpu.VMEM((RCH, 128), jnp.float32),
        pltpu.SemaphoreType.DMA,
    ],
  )
  @kern
  def _sc_gather_rows(x_hbm, src_hbm, out_hbm, idx_v, rows_v, rp_v, sem):
    wid = lax.axis_index("s") * NC + lax.axis_index("c")
    base = wid * BPW
    rbase = wid * RPW
    pltpu.sync_copy(src_hbm.at[pl.ds(base, BPW)], idx_v)
    pltpu.async_copy(x_hbm.at[idx_v], rows_v, sem).wait()
    for ch in range(RPW // RCH):

        def pack(r, carry):
            for k in range(8):
                rp_v[r, pl.ds(k * L, L)] = rows_v[ch * RCH * 8 + r * 8 + k, :]
            return carry

        lax.fori_loop(0, RCH, pack, 0)
        pltpu.sync_copy(rp_v, out_hbm.at[pl.ds(rbase + ch * RCH, RCH)])

  return _sc_gather_rows


@functools.cache
def _build_sc_scatter_add_rows():
  RPW = RP // NW
  RCH = 125
  kern = functools.partial(
    pl.kernel,
    out_type=jax.ShapeDtypeStruct((NC, N_PAD, F), jnp.float32),
    mesh=_mesh(),
    compiler_params=_SC_PARAMS,
    scratch_types=[
        pltpu.VMEM((BPW,), jnp.int32),
        pltpu.VMEM((BPW, F), jnp.float32),
        pltpu.VMEM((RCH, 128), jnp.float32),
        pltpu.VMEM((STRIPE, F), jnp.float32),
        pltpu.VMEM_SHARED((N_PAD, F), jnp.float32),
        pltpu.SemaphoreType.DMA,
        pltpu.SemaphoreType.DMA,
    ],
  )
  @kern
  def _sc_scatter_add_rows(msg_hbm, dst_hbm, out_hbm, idx_v, rows_v, rp_v,
                           zb_v, acc_sh, sem, sem2):
    c = lax.axis_index("c")
    s = lax.axis_index("s")
    wid = s * NC + c
    base = wid * BPW
    rbase = wid * RPW

    cp_idx = pltpu.async_copy(dst_hbm.at[pl.ds(base, BPW)], idx_v, sem)

    def zrow(i, carry):
        zb_v[i, :] = jnp.zeros((L,), jnp.float32)
        return carry

    lax.fori_loop(0, STRIPE, zrow, 0)
    pltpu.sync_copy(zb_v, acc_sh.at[pl.ds(s * STRIPE, STRIPE)])

    for ch in range(RPW // RCH):
        pltpu.sync_copy(msg_hbm.at[pl.ds(rbase + ch * RCH, RCH)], rp_v)

        def unpack(r, carry):
            for k in range(8):
                rows_v[ch * RCH * 8 + r * 8 + k, :] = rp_v[r, pl.ds(k * L, L)]
            return carry

        lax.fori_loop(0, RCH, unpack, 0)

    cp_idx.wait()
    plsc.subcore_barrier()
    pltpu.sync_copy(rows_v, acc_sh.at[idx_v], add=True)
    plsc.subcore_barrier()
    pltpu.sync_copy(
        acc_sh.at[pl.ds(s * STRIPE, STRIPE)],
        out_hbm.at[c, pl.ds(s * STRIPE, STRIPE)],
    )

  return _sc_scatter_add_rows


@functools.cache
def _build_sc_gat_edges():
  kern = functools.partial(
    pl.kernel,
    out_type=[
        jax.ShapeDtypeStruct((NC, N_PAD, F), jnp.float32),
        jax.ShapeDtypeStruct((NC, N_PAD), jnp.float32),
    ],
    mesh=_mesh(),
    compiler_params=_SC_PARAMS,
    scratch_types=[
        pltpu.VMEM((BPW,), jnp.int32),
        pltpu.VMEM((BPW,), jnp.int32),
        pltpu.VMEM((BPW_UP,), jnp.float32),
        pltpu.VMEM((BPW_UP,), jnp.float32),
        pltpu.VMEM((BPW_UP, F), jnp.float32),
        pltpu.VMEM((STRIPE, F), jnp.float32),
        pltpu.VMEM((STRIPE,), jnp.float32),
        pltpu.VMEM_SHARED((N_PAD, F), jnp.float32),
        pltpu.VMEM_SHARED((N_PAD,), jnp.float32),
        pltpu.SemaphoreType.DMA,
        pltpu.SemaphoreType.DMA,
        pltpu.SemaphoreType.DMA,
    ],
  )
  @kern
  def _sc_gat_edges(asrc_hbm, adst_hbm, xp_hbm, src_hbm, dst_hbm,
                    num_hbm, den_hbm,
                    si_v, di_v, av, bv, rows_v, zb_v, zd_v, num_sh, den_sh,
                    sem_a, sem_b, sem_r):
    c = lax.axis_index("c")
    s = lax.axis_index("s")
    wid = s * NC + c
    base = wid * BPW

    cp_si = pltpu.async_copy(src_hbm.at[pl.ds(base, BPW)], si_v, sem_a)
    cp_di = pltpu.async_copy(dst_hbm.at[pl.ds(base, BPW)], di_v, sem_b)

    def zrow(i, carry):
        zb_v[i, :] = jnp.zeros((L,), jnp.float32)
        return carry

    lax.fori_loop(0, STRIPE, zrow, 0)

    def zrow1(i, carry):
        zd_v[pl.ds(i * L, L)] = jnp.zeros((L,), jnp.float32)
        return carry

    lax.fori_loop(0, STRIPE // L, zrow1, 0)
    pltpu.sync_copy(zb_v, num_sh.at[pl.ds(s * STRIPE, STRIPE)])
    pltpu.sync_copy(zd_v, den_sh.at[pl.ds(s * STRIPE, STRIPE)])
    cp_si.wait()
    cp_di.wait()
    plsc.subcore_barrier()

    cp_a = pltpu.async_copy(asrc_hbm.at[si_v], av.at[pl.ds(0, BPW)], sem_a)
    cp_b = pltpu.async_copy(adst_hbm.at[di_v], bv.at[pl.ds(0, BPW)], sem_b)
    cp_r = pltpu.async_copy(xp_hbm.at[si_v], rows_v.at[pl.ds(0, BPW)], sem_r)
    cp_a.wait()
    cp_b.wait()

    def eechunk(i, carry):
        sl = pl.ds(i * L, L)
        z = av[sl] + bv[sl]
        z = jnp.where(z > 0, z, 0.2 * z)
        av[sl] = jnp.exp(z)
        return carry

    lax.fori_loop(0, BPW_UP // L, eechunk, 0)
    pltpu.sync_copy(av.at[pl.ds(0, BPW)], den_sh.at[di_v], add=True)

    cp_r.wait()

    def scalechunk(i, carry):
        svec = av[pl.ds(i * L, L)]
        for r in range(L):
            j = i * L + r
            rows_v[j, :] = rows_v[j, :] * svec[r]
        return carry

    lax.fori_loop(0, BPW_UP // L, scalechunk, 0)
    pltpu.sync_copy(rows_v.at[pl.ds(0, BPW)], num_sh.at[di_v], add=True)
    plsc.subcore_barrier()
    pltpu.sync_copy(
        num_sh.at[pl.ds(s * STRIPE, STRIPE)],
        num_hbm.at[c, pl.ds(s * STRIPE, STRIPE)],
    )
    pltpu.sync_copy(
        den_sh.at[pl.ds(s * STRIPE, STRIPE)],
        den_hbm.at[c, pl.ds(s * STRIPE, STRIPE)],
    )

  return _sc_gat_edges


def _tc_edge_mlp_body(ea_ref, xs_ref, w1_ref, b1_ref, w2_ref, b2_ref, w3_ref,
                      b3_ref, r_ref, s_ref, msg_ref):
    f32 = jnp.float32
    h = jnp.maximum(jnp.dot(ea_ref[...], w1_ref[...], preferred_element_type=f32)
                    + b1_ref[...], 0.0)
    h = jnp.maximum(jnp.dot(h, w2_ref[...], preferred_element_type=f32)
                    + b2_ref[...], 0.0)
    w = jnp.dot(h, w3_ref[...], preferred_element_type=f32) + b3_ref[...]
    w = w.astype(jnp.bfloat16).astype(f32)
    x2 = jnp.dot(xs_ref[...], r_ref[...], preferred_element_type=f32)
    p = x2 * w
    p_hi = p.astype(jnp.bfloat16).astype(f32)
    p_lo = p - p_hi
    msg_ref[...] = (jnp.dot(p_hi, s_ref[...], preferred_element_type=f32)
                    + jnp.dot(p_lo, s_ref[...], preferred_element_type=f32))


_tc_edge_mlp = pl.pallas_call(
    _tc_edge_mlp_body,
    grid=(GE,),
    in_specs=[
        pl.BlockSpec((RBE, 128), lambda i: (i, 0)),
        pl.BlockSpec((RBE, 128), lambda i: (i, 0)),
        pl.BlockSpec((128, 1024), lambda i: (0, 0)),
        pl.BlockSpec((1, 1024), lambda i: (0, 0)),
        pl.BlockSpec((1024, 512), lambda i: (0, 0)),
        pl.BlockSpec((1, 512), lambda i: (0, 0)),
        pl.BlockSpec((512, 2048), lambda i: (0, 0)),
        pl.BlockSpec((1, 2048), lambda i: (0, 0)),
        pl.BlockSpec((128, 2048), lambda i: (0, 0)),
        pl.BlockSpec((2048, 128), lambda i: (0, 0)),
    ],
    out_specs=pl.BlockSpec((RBE, 128), lambda i: (i, 0)),
    out_shape=jax.ShapeDtypeStruct((RP, 128), jnp.float32),
)


def _tc_node1_body(agg0_ref, agg1_ref, x_ref, root_ref, bias1_ref, wg_ref,
                   ats_ref, atd_ref, xp_ref, as_ref, ad_ref):
    f32 = jnp.float32
    agg = agg0_ref[...] + agg1_ref[...]
    out1 = jnp.maximum(
        agg + jnp.dot(x_ref[...], root_ref[...], preferred_element_type=f32)
        + bias1_ref[...], 0.0)
    xp = jnp.dot(out1, wg_ref[...], preferred_element_type=f32)
    xp_ref[...] = xp
    as_ref[...] = jnp.dot(xp, ats_ref[...], preferred_element_type=f32)
    ad_ref[...] = jnp.dot(xp, atd_ref[...], preferred_element_type=f32)


_tc_node1 = pl.pallas_call(
    _tc_node1_body,
    grid=(GN,),
    in_specs=[
        pl.BlockSpec((BN, F), lambda i: (i, 0)),
        pl.BlockSpec((BN, F), lambda i: (i, 0)),
        pl.BlockSpec((BN, F), lambda i: (i, 0)),
        pl.BlockSpec((F, H), lambda i: (0, 0)),
        pl.BlockSpec((1, H), lambda i: (0, 0)),
        pl.BlockSpec((H, H), lambda i: (0, 0)),
        pl.BlockSpec((H, 1), lambda i: (0, 0)),
        pl.BlockSpec((H, 1), lambda i: (0, 0)),
    ],
    out_specs=[
        pl.BlockSpec((BN, H), lambda i: (i, 0)),
        pl.BlockSpec((BN, 1), lambda i: (i, 0)),
        pl.BlockSpec((BN, 1), lambda i: (i, 0)),
    ],
    out_shape=[
        jax.ShapeDtypeStruct((N_PAD, H), jnp.float32),
        jax.ShapeDtypeStruct((N_PAD, 1), jnp.float32),
        jax.ShapeDtypeStruct((N_PAD, 1), jnp.float32),
    ],
)


def _tc_node2_body(num0_ref, num1_ref, den0_ref, den1_ref, xp_ref, as_ref,
                   ad_ref, batch_ref, biasg_ref, fc1w_ref, fc1b_ref, fc2w_ref,
                   fc2b_ref, out_ref, psum, cnt):
    f32 = jnp.float32
    i = pl.program_id(0)

    @pl.when(i == 0)
    def _init():
        psum[...] = jnp.zeros((G, H), f32)
        cnt[...] = jnp.zeros((G, 1), f32)

    xp = xp_ref[...]
    z = as_ref[...] + ad_ref[...]
    z = jnp.where(z > 0, z, 0.2 * z)
    ee = jnp.exp(z)
    num = num0_ref[...] + num1_ref[...] + ee * xp
    den = den0_ref[...] + den1_ref[...] + ee
    out2 = jnp.maximum(num / den + biasg_ref[...], 0.0)
    b = batch_ref[...]
    oh = (lax.broadcasted_iota(jnp.int32, (G, BN), 0)
          == jnp.broadcast_to(b, (G, BN))).astype(f32)
    psum[...] = psum[...] + jnp.dot(oh, out2, preferred_element_type=f32,
                                    precision=jax.lax.Precision.HIGHEST)
    cnt[...] = cnt[...] + jnp.sum(oh, axis=1, keepdims=True)

    @pl.when(i == GN - 1)
    def _final():
        pooled = psum[...] / jnp.maximum(cnt[...], 1.0)
        hz = jnp.maximum(
            jnp.dot(pooled, fc1w_ref[...], preferred_element_type=f32)
            + fc1b_ref[...], 0.0)
        out_ref[...] = (jnp.dot(hz, fc2w_ref[...], preferred_element_type=f32)
                        + fc2b_ref[...])


_tc_node2 = pl.pallas_call(
    _tc_node2_body,
    grid=(GN,),
    in_specs=[
        pl.BlockSpec((BN, H), lambda i: (i, 0)),
        pl.BlockSpec((BN, H), lambda i: (i, 0)),
        pl.BlockSpec((BN, 1), lambda i: (i, 0)),
        pl.BlockSpec((BN, 1), lambda i: (i, 0)),
        pl.BlockSpec((BN, H), lambda i: (i, 0)),
        pl.BlockSpec((BN, 1), lambda i: (i, 0)),
        pl.BlockSpec((BN, 1), lambda i: (i, 0)),
        pl.BlockSpec((1, BN), lambda i: (0, i)),
        pl.BlockSpec((1, H), lambda i: (0, 0)),
        pl.BlockSpec((H, O), lambda i: (0, 0)),
        pl.BlockSpec((1, O), lambda i: (0, 0)),
        pl.BlockSpec((O, 1), lambda i: (0, 0)),
        pl.BlockSpec((1, 1), lambda i: (0, 0)),
    ],
    out_specs=pl.BlockSpec((G, 1), lambda i: (0, 0)),
    out_shape=jax.ShapeDtypeStruct((G, 1), jnp.float32),
    scratch_shapes=[
        pltpu.VMEM((G, H), jnp.float32),
        pltpu.VMEM((G, 1), jnp.float32),
    ],
)


def kernel(x, edge_index, edge_attr, batch, W1, b1, W2, b2, W3, b3, root,
           bias1, Wg, att_src, att_dst, bias_g, fc1_w, fc1_b, fc2_w, fc2_b):
    src = edge_index[0].astype(jnp.int32)
    dst = edge_index[1].astype(jnp.int32)
    x_p = jnp.pad(x, ((0, N_PAD - N), (0, 0)))
    batch2d = jnp.pad(batch.astype(jnp.int32), (0, N_PAD - N),
                      constant_values=G).reshape(1, N_PAD)

    eye8 = jnp.eye(8, dtype=jnp.float32)
    ri = lax.broadcasted_iota(jnp.int32, (F, F * H), 0)
    rj = lax.broadcasted_iota(jnp.int32, (F, F * H), 1)
    R16 = (rj // H == ri).astype(jnp.float32)
    sj = lax.broadcasted_iota(jnp.int32, (F * H, H), 0)
    so = lax.broadcasted_iota(jnp.int32, (F * H, H), 1)
    S16 = (sj % H == so).astype(jnp.float32)
    ea_p8 = edge_attr.reshape(RP, 128)

    xs = _build_sc_gather_rows()(x, src)
    msgp = _tc_edge_mlp(ea_p8, xs,
                        jnp.kron(eye8, W1), jnp.tile(b1, 8).reshape(1, 1024),
                        jnp.kron(eye8, W2), jnp.tile(b2, 8).reshape(1, 512),
                        jnp.kron(eye8, W3), jnp.tile(b3, 8).reshape(1, 2048),
                        jnp.kron(eye8, R16), jnp.kron(eye8, S16))
    aggp = _build_sc_scatter_add_rows()(msgp, dst)
    xp, asr, adr = _tc_node1(aggp[0], aggp[1], x_p, root, bias1.reshape(1, H),
                             Wg, att_src.reshape(H, 1), att_dst.reshape(H, 1))
    nump, denp = _build_sc_gat_edges()(asr.reshape(N_PAD), adr.reshape(N_PAD),
                                       xp, src, dst)
    out2d = _tc_node2(nump[0], nump[1], denp[0].reshape(N_PAD, 1),
                      denp[1].reshape(N_PAD, 1), xp, asr, adr, batch2d,
                      bias_g.reshape(1, H), fc1_w, fc1_b.reshape(1, O),
                      fc2_w, fc2_b.reshape(1, 1))
    return out2d.reshape(G)

# --- scband reference (transcript-rebuilt; emitter-appended) ---
"""Pipeline reference for scband-supervised-model-19327352832222 (READ-ONLY COPY).

The authoritative reference and input builder live on the scoring server;
editing this copy changes nothing except your own understanding.
"""

import jax, jax.numpy as jnp
import numpy as np

N = 10000
E = 160000
F_IN = 16
F_E = 16
H = 16
O = 64
G = 64


def _lin(key, fan_in, fan_out):
    k1, k2 = jax.random.split(key)
    bound = 1.0 / np.sqrt(fan_in)
    W = jax.random.uniform(k1, (fan_in, fan_out), minval=-bound, maxval=bound)
    b = jax.random.uniform(k2, (fan_out,), minval=-bound, maxval=bound)
    return W, b


def setup_inputs(seed: int = 0) -> dict:
    key = jax.random.key(seed)
    ks = jax.random.split(key, 16)
    x = jax.random.normal(ks[0], (N, F_IN), dtype=jnp.float32)
    edge_index = jax.random.randint(ks[1], (2, E), 0, N, dtype=jnp.int64)
    edge_attr = jax.random.normal(ks[2], (E, F_E), dtype=jnp.float32)
    batch = jnp.sort(jax.random.randint(ks[3], (N,), 0, G, dtype=jnp.int64))
    # Edge MLP: F_E -> 128 -> 64 -> F_IN*H
    W1, b1 = _lin(ks[4], F_E, 128)
    W2, b2 = _lin(ks[5], 128, 64)
    W3, b3 = _lin(ks[6], 64, F_IN * H)
    # NNConv root weight + bias
    root = jax.random.uniform(ks[7], (F_IN, H), minval=-1.0 / np.sqrt(F_IN), maxval=1.0 / np.sqrt(F_IN))
    bias1 = jnp.zeros((H,), dtype=jnp.float32)
    # GATConv (heads=1, concat=False)
    Wg = jax.random.uniform(ks[8], (H, H), minval=-1.0 / np.sqrt(H), maxval=1.0 / np.sqrt(H))
    att_src = jax.random.normal(ks[9], (H,), dtype=jnp.float32) * 0.1
    att_dst = jax.random.normal(ks[10], (H,), dtype=jnp.float32) * 0.1
    bias_g = jnp.zeros((H,), dtype=jnp.float32)
    # heads
    fc1_w, fc1_b = _lin(ks[11], H, O)
    fc2_w, fc2_b = _lin(ks[12], O, 1)
    return {
        "x": x, "edge_index": edge_index, "edge_attr": edge_attr, "batch": batch,
        "W1": W1, "b1": b1, "W2": W2, "b2": b2, "W3": W3, "b3": b3,
        "root": root, "bias1": bias1,
        "Wg": Wg, "att_src": att_src, "att_dst": att_dst, "bias_g": bias_g,
        "fc1_w": fc1_w, "fc1_b": fc1_b, "fc2_w": fc2_w, "fc2_b": fc2_b,
    }


def reference(x, edge_index, edge_attr, batch, W1, b1, W2, b2, W3, b3, root, bias1, Wg, att_src, att_dst, bias_g, fc1_w, fc1_b, fc2_w, fc2_b):
    src = edge_index[0]
    dst = edge_index[1]
    # --- NNConv (edge-conditioned conv, aggr='add', root weight + bias) ---
    h = jax.nn.relu(edge_attr @ W1 + b1)
    h = jax.nn.relu(h @ W2 + b2)
    w_e = (h @ W3 + b3).reshape(-1, F_IN, H)          # [E, F_IN, H]
    msg = jnp.einsum('ei,eio->eo', x[src], w_e)        # gather + per-edge matvec
    agg = jax.ops.segment_sum(msg, dst, num_segments=N)
    out1 = jax.nn.relu(agg + x @ root + bias1)
    # --- GATConv (heads=1, concat=False, add_self_loops=True) ---
    loop = jnp.arange(N, dtype=src.dtype)
    si = jnp.concatenate([src, loop])
    di = jnp.concatenate([dst, loop])
    xp = out1 @ Wg                                     # [N, H]
    a_src = xp @ att_src                               # [N]
    a_dst = xp @ att_dst
    e = jax.nn.leaky_relu(a_src[si] + a_dst[di], 0.2)
    emax = jax.ops.segment_max(e, di, num_segments=N)
    ee = jnp.exp(e - emax[di])
    denom = jax.ops.segment_sum(ee, di, num_segments=N)
    alpha = ee / (denom[di] + 1e-16)
    out2 = jax.ops.segment_sum(alpha[:, None] * xp[si], di, num_segments=N) + bias_g
    out2 = jax.nn.relu(out2)
    # --- global mean pool ---
    s = jax.ops.segment_sum(out2, batch, num_segments=G)
    cnt = jax.ops.segment_sum(jnp.ones((out2.shape[0],), dtype=out2.dtype), batch, num_segments=G)
    pooled = s / jnp.maximum(cnt, 1.0)[:, None]
    # --- heads (classify='binary', head='linear'; dropout is identity in eval) ---
    z = jax.nn.relu(pooled @ fc1_w + fc1_b)
    out = (z @ fc2_w + fc2_b).squeeze(1)               # [G]
    return out

if __name__ == "__main__":
    import jax
    _d = setup_inputs()
    print(jax.jit(kernel)(*tuple(_d.values())))

</pallas_src>

<mosaic_0001>
#map = affine_map<(d0, d1) -> (0)>
#map1 = affine_map<(d0, d1) -> (0, 0)>
#map2 = affine_map<(d0, d1) -> (0, 0, 0)>
module attributes {stable_mosaic.version = 14 : i64} {
  func.func @_sc_gat_edges(%arg0: i32, %arg1: i32, %arg2: memref<10240xf32, #tpu.memory_space<hbm>>, %arg3: memref<10240xf32, #tpu.memory_space<hbm>>, %arg4: memref<10240x16xf32, #tpu.memory_space<hbm>>, %arg5: memref<160000xi32, #tpu.memory_space<hbm>>, %arg6: memref<160000xi32, #tpu.memory_space<hbm>>, %arg7: memref<2x10240x16xf32, #tpu.memory_space<hbm>>, %arg8: memref<2x10240xf32, #tpu.memory_space<hbm>>, %arg9: memref<5000xi32, #tpu.memory_space<vmem>>, %arg10: memref<5000xi32, #tpu.memory_space<vmem>>, %arg11: memref<5008xf32, #tpu.memory_space<vmem>>, %arg12: memref<5008xf32, #tpu.memory_space<vmem>>, %arg13: memref<5008x16xf32, #tpu.memory_space<vmem>>, %arg14: memref<640x16xf32, #tpu.memory_space<vmem>>, %arg15: memref<640xf32, #tpu.memory_space<vmem>>, %arg16: memref<10240x16xf32, #tpu.memory_space<vmem_shared>>, %arg17: memref<10240xf32, #tpu.memory_space<vmem_shared>>, %arg18: memref<!tpu.dma_semaphore, #tpu.memory_space<semaphore_mem>>, %arg19: memref<!tpu.dma_semaphore, #tpu.memory_space<semaphore_mem>>, %arg20: memref<!tpu.dma_semaphore, #tpu.memory_space<semaphore_mem>>) attributes {dimension_semantics = [#tpu.dimension_semantics<core_parallel>, #tpu.dimension_semantics<subcore_parallel>], iteration_bounds = array<i64: 2, 16>, scalar_prefetch = 0 : i64, scratch_operands = 12 : i64, tpu.core_type = #tpu.core_type<sc_vector_subcore>, window_params = [{transform_indices = #map}, {transform_indices = #map}, {transform_indices = #map1}, {transform_indices = #map}, {transform_indices = #map}, {transform_indices = #map2}, {transform_indices = #map1}]} {
    %mul3A = arith.constant 2 : i32
    %mul3A_0 = arith.muli %arg1, %mul3A : i32
    %add3A = arith.addi %mul3A_0, %arg0 : i32
    %mul3A_1 = arith.constant 5000 : i32
    %mul3A_2 = arith.muli %add3A, %mul3A_1 : i32
    %dma_start3A = tpu.memref_slice %arg5[%mul3A_2] : memref<160000xi32, #tpu.memory_space<hbm>> -> memref<5000xi32, #tpu.memory_space<hbm>>
    %dma_start3A_3 = tpu.memref_slice %arg5[%mul3A_2] : memref<160000xi32, #tpu.memory_space<hbm>> -> memref<5000xi32, #tpu.memory_space<hbm>>
    tpu.enqueue_dma source(%dma_start3A_3 : memref<5000xi32, #tpu.memory_space<hbm>>) target(%arg9 : memref<5000xi32, #tpu.memory_space<vmem>>) target_semaphore(%arg18 : memref<!tpu.dma_semaphore, #tpu.memory_space<semaphore_mem>>)
    %dma_start3A_4 = tpu.memref_slice %arg6[%mul3A_2] : memref<160000xi32, #tpu.memory_space<hbm>> -> memref<5000xi32, #tpu.memory_space<hbm>>
    %dma_start3A_5 = tpu.memref_slice %arg6[%mul3A_2] : memref<160000xi32, #tpu.memory_space<hbm>> -> memref<5000xi32, #tpu.memory_space<hbm>>
    tpu.enqueue_dma source(%dma_start3A_5 : memref<5000xi32, #tpu.memory_space<hbm>>) target(%arg10 : memref<5000xi32, #tpu.memory_space<vmem>>) target_semaphore(%arg19 : memref<!tpu.dma_semaphore, #tpu.memory_space<semaphore_mem>>)
    %scan3A = arith.constant 0 : i32
    %scan3A_6 = arith.constant 0 : i32
    %scan3A_7 = arith.constant 640 : i32
    %scan3A_8 = arith.addi %scan3A_6, %scan3A_7 : i32
    %scan3A_9 = arith.constant 1 : i32
    scf.for %scan3A_73 = %scan3A_6 to %scan3A_8 step %scan3A_9  : i32 {
      %broadcast_in_dim3A = arith.constant 0.000000e+00 : f32
      %broadcast_in_dim3A_74 = vector.broadcast %broadcast_in_dim3A : f32 to vector<16xf32>
      %swap3A = arith.index_cast %scan3A_73 : i32 to index
      %swap3A_75 = arith.constant 0 : index
      %swap3A_76 = tpu.vector_load %arg14[%swap3A, %swap3A_75] {strides = array<i32>} : memref<640x16xf32, #tpu.memory_space<vmem>>, vector<1x16xf32>,
      %swap3A_77 = vector.shape_cast %swap3A_76 : vector<1x16xf32> to vector<16xf32>
      %swap3A_78 = vector.shape_cast %broadcast_in_dim3A_74 : vector<16xf32> to vector<1x16xf32>
      tpu.vector_store %arg14[%swap3A, %swap3A_75], %swap3A_78 {strides = array<i32>} : memref<640x16xf32, #tpu.memory_space<vmem>>, vector<1x16xf32>,
    }
    %scan3A_10 = arith.constant 640 : i32
    %scan3A_11 = arith.constant 0 : i32
    %scan3A_12 = arith.constant 0 : i32
    %scan3A_13 = arith.constant 40 : i32
    %scan3A_14 = arith.addi %scan3A_12, %scan3A_13 : i32
    %scan3A_15 = arith.constant 1 : i32
    scf.for %scan3A_73 = %scan3A_12 to %scan3A_14 step %scan3A_15  : i32 {
      %broadcast_in_dim3A = arith.constant 0.000000e+00 : f32
      %broadcast_in_dim3A_74 = vector.broadcast %broadcast_in_dim3A : f32 to vector<16xf32>
      %mul3A_75 = arith.constant 16 : i32
      %mul3A_76 = arith.muli %scan3A_73, %mul3A_75 : i32
      %swap3A = arith.index_cast %mul3A_76 : i32 to index
      %swap3A_77 = tpu.vector_load %arg15[%swap3A] {strides = array<i32>} : memref<640xf32, #tpu.memory_space<vmem>>, vector<16xf32>,
      %swap3A_78 = vector.shape_cast %swap3A_77 : vector<16xf32> to vector<16xf32>
      %swap3A_79 = vector.shape_cast %broadcast_in_dim3A_74 : vector<16xf32> to vector<16xf32>
      tpu.vector_store %arg15[%swap3A], %swap3A_79 {strides = array<i32>} : memref<640xf32, #tpu.memory_space<vmem>>, vector<16xf32>,
    }
    %scan3A_16 = arith.constant 40 : i32
    %mul3A_17 = arith.constant 640 : i32
    %mul3A_18 = arith.muli %arg1, %mul3A_17 : i32
    "tpu.region"() ({
      %run_scoped3A = tpu.sem_alloc : memref<!tpu.dma_semaphore, #tpu.memory_space<semaphore_mem>>
      %dma_start3A_73 = arith.constant 0 : i32
      %dma_start3A_74 = tpu.memref_slice %arg16[%mul3A_18, %dma_start3A_73] : memref<10240x16xf32, #tpu.memory_space<vmem_shared>> -> memref<640x16xf32, #tpu.memory_space<vmem_shared>>
      %dma_start3A_75 = arith.constant 0 : i32
      %dma_start3A_76 = tpu.memref_slice %arg16[%mul3A_18, %dma_start3A_75] : memref<10240x16xf32, #tpu.memory_space<vmem_shared>> -> memref<640x16xf32, #tpu.memory_space<vmem_shared>>
      tpu.enqueue_dma source(%arg14 : memref<640x16xf32, #tpu.memory_space<vmem>>) target(%dma_start3A_76 : memref<640x16xf32, #tpu.memory_space<vmem_shared>>) target_semaphore(%run_scoped3A : memref<!tpu.dma_semaphore, #tpu.memory_space<semaphore_mem>>)
      %dma_wait3A_77 = arith.constant 0 : i32
      %dma_wait3A_78 = tpu.memref_slice %arg16[%mul3A_18, %dma_wait3A_77] : memref<10240x16xf32, #tpu.memory_space<vmem_shared>> -> memref<640x16xf32, #tpu.memory_space<vmem_shared>>
      %dma_wait3A_79 = arith.constant 0 : i32
      %dma_wait3A_80 = tpu.memref_slice %arg16[%mul3A_18, %dma_wait3A_79] : memref<10240x16xf32, #tpu.memory_space<vmem_shared>> -> memref<640x16xf32, #tpu.memory_space<vmem_shared>>
      tpu.wait_dma2 semaphore(%run_scoped3A : memref<!tpu.dma_semaphore, #tpu.memory_space<semaphore_mem>>) src(%arg14 : memref<640x16xf32, #tpu.memory_space<vmem>>) dst(%dma_wait3A_80 : memref<640x16xf32, #tpu.memory_space<vmem_shared>>)
      tpu.yield
    }) : () -> ()
    %mul3A_19 = arith.constant 640 : i32
    %mul3A_20 = arith.muli %arg1, %mul3A_19 : i32
    "tpu.region"() ({
      %run_scoped3A = tpu.sem_alloc : memref<!tpu.dma_semaphore, #tpu.memory_space<semaphore_mem>>
      %dma_start3A_73 = tpu.memref_slice %arg17[%mul3A_20] : memref<10240xf32, #tpu.memory_space<vmem_shared>> -> memref<640xf32, #tpu.memory_space<vmem_shared>>
      %dma_start3A_74 = tpu.memref_slice %arg17[%mul3A_20] : memref<10240xf32, #tpu.memory_space<vmem_shared>> -> memref<640xf32, #tpu.memory_space<vmem_shared>>
      tpu.enqueue_dma source(%arg15 : memref<640xf32, #tpu.memory_space<vmem>>) target(%dma_start3A_74 : memref<640xf32, #tpu.memory_space<vmem_shared>>) target_semaphore(%run_scoped3A : memref<!tpu.dma_semaphore, #tpu.memory_space<semaphore_mem>>)
      %dma_wait3A_75 = tpu.memref_slice %arg17[%mul3A_20] : memref<10240xf32, #tpu.memory_space<vmem_shared>> -> memref<640xf32, #tpu.memory_space<vmem_shared>>
      %dma_wait3A_76 = tpu.memref_slice %arg17[%mul3A_20] : memref<10240xf32, #tpu.memory_space<vmem_shared>> -> memref<640xf32, #tpu.memory_space<vmem_shared>>
      tpu.wait_dma2 semaphore(%run_scoped3A : memref<!tpu.dma_semaphore, #tpu.memory_space<semaphore_mem>>) src(%arg15 : memref<640xf32, #tpu.memory_space<vmem>>) dst(%dma_wait3A_76 : memref<640xf32, #tpu.memory_space<vmem_shared>>)
      tpu.yield
    }) : () -> ()
    %dma_wait3A = tpu.memref_slice %arg5[%mul3A_2] : memref<160000xi32, #tpu.memory_space<hbm>> -> memref<5000xi32, #tpu.memory_space<hbm>>
    %dma_wait3A_21 = tpu.memref_slice %arg5[%mul3A_2] : memref<160000xi32, #tpu.memory_space<hbm>> -> memref<5000xi32, #tpu.memory_space<hbm>>
    tpu.wait_dma2 semaphore(%arg18 : memref<!tpu.dma_semaphore, #tpu.memory_space<semaphore_mem>>) src(%dma_wait3A_21 : memref<5000xi32, #tpu.memory_space<hbm>>) dst(%arg9 : memref<5000xi32, #tpu.memory_space<vmem>>)
    %dma_wait3A_22 = tpu.memref_slice %arg6[%mul3A_2] : memref<160000xi32, #tpu.memory_space<hbm>> -> memref<5000xi32, #tpu.memory_space<hbm>>
    %dma_wait3A_23 = tpu.memref_slice %arg6[%mul3A_2] : memref<160000xi32, #tpu.memory_space<hbm>> -> memref<5000xi32, #tpu.memory_space<hbm>>
    tpu.wait_dma2 semaphore(%arg19 : memref<!tpu.dma_semaphore, #tpu.memory_space<semaphore_mem>>) src(%dma_wait3A_23 : memref<5000xi32, #tpu.memory_space<hbm>>) dst(%arg10 : memref<5000xi32, #tpu.memory_space<vmem>>)
    %barrier3A = arith.constant 0 : index
    tpu.barrier barrier_id(%barrier3A)
    %dma_start3A_24 = arith.constant 0 : i32
    %dma_start3A_25 = tpu.memref_slice %arg11[%dma_start3A_24] : memref<5008xf32, #tpu.memory_space<vmem>> -> memref<5000xf32, #tpu.memory_space<vmem>>
    %dma_start3A_26 = arith.constant 0 : i32
    %dma_start3A_27 = tpu.memref_slice %arg2[%dma_start3A_26] : memref<10240xf32, #tpu.memory_space<hbm>> -> memref<10240xf32, #tpu.memory_space<hbm>>
    tpu.enqueue_indirect_dma source(%dma_start3A_27 : memref<10240xf32, #tpu.memory_space<hbm>>) target(%dma_start3A_25 : memref<5000xf32, #tpu.memory_space<vmem>>) offsets(%arg9 : memref<5000xi32, #tpu.memory_space<vmem>>) semaphore(%arg18 : memref<!tpu.dma_semaphore, #tpu.memory_space<semaphore_mem>>)
    %dma_start3A_28 = arith.constant 0 : i32
    %dma_start3A_29 = tpu.memref_slice %arg12[%dma_start3A_28] : memref<5008xf32, #tpu.memory_space<vmem>> -> memref<5000xf32, #tpu.memory_space<vmem>>
    %dma_start3A_30 = arith.constant 0 : i32
    %dma_start3A_31 = tpu.memref_slice %arg3[%dma_start3A_30] : memref<10240xf32, #tpu.memory_space<hbm>> -> memref<10240xf32, #tpu.memory_space<hbm>>
    tpu.enqueue_indirect_dma source(%dma_start3A_31 : memref<10240xf32, #tpu.memory_space<hbm>>) target(%dma_start3A_29 : memref<5000xf32, #tpu.memory_space<vmem>>) offsets(%arg10 : memref<5000xi32, #tpu.memory_space<vmem>>) semaphore(%arg19 : memref<!tpu.dma_semaphore, #tpu.memory_space<semaphore_mem>>)
    %dma_start3A_32 = arith.constant 0 : i32
    %dma_start3A_33 = arith.constant 0 : i32
    %dma_start3A_34 = tpu.memref_slice %arg13[%dma_start3A_32, %dma_start3A_33] : memref<5008x16xf32, #tpu.memory_space<vmem>> -> memref<5000x16xf32, #tpu.memory_space<vmem>>
    %dma_start3A_35 = arith.constant 0 : i32
    %dma_start3A_36 = arith.constant 0 : i32
    %dma_start3A_37 = tpu.memref_slice %arg4[%dma_start3A_35, %dma_start3A_36] : memref<10240x16xf32, #tpu.memory_space<hbm>> -> memref<10240x16xf32, #tpu.memory_space<hbm>>
    tpu.enqueue_indirect_dma source(%dma_start3A_37 : memref<10240x16xf32, #tpu.memory_space<hbm>>) target(%dma_start3A_34 : memref<5000x16xf32, #tpu.memory_space<vmem>>) offsets(%arg9 : memref<5000xi32, #tpu.memory_space<vmem>>) semaphore(%arg20 : memref<!tpu.dma_semaphore, #tpu.memory_space<semaphore_mem>>)
    %dma_wait3A_38 = arith.constant 0 : i32
    %dma_wait3A_39 = tpu.memref_slice %arg11[%dma_wait3A_38] : memref<5008xf32, #tpu.memory_space<vmem>> -> memref<5000xf32, #tpu.memory_space<vmem>>
    %dma_wait3A_40 = arith.constant 0 : i32
    %dma_wait3A_41 = tpu.memref_slice %arg2[%dma_wait3A_40] : memref<10240xf32, #tpu.memory_space<hbm>> -> memref<10240xf32, #tpu.memory_space<hbm>>
    tpu.wait_indirect_dma semaphore(%arg18 : memref<!tpu.dma_semaphore, #tpu.memory_space<semaphore_mem>>) src(%dma_wait3A_41 : memref<10240xf32, #tpu.memory_space<hbm>>) dst(%dma_wait3A_39 : memref<5000xf32, #tpu.memory_space<vmem>>)
    %dma_wait3A_42 = arith.constant 0 : i32
    %dma_wait3A_43 = tpu.memref_slice %arg12[%dma_wait3A_42] : memref<5008xf32, #tpu.memory_space<vmem>> -> memref<5000xf32, #tpu.memory_space<vmem>>
    %dma_wait3A_44 = arith.constant 0 : i32
    %dma_wait3A_45 = tpu.memref_slice %arg3[%dma_wait3A_44] : memref<10240xf32, #tpu.memory_space<hbm>> -> memref<10240xf32, #tpu.memory_space<hbm>>
    tpu.wait_indirect_dma semaphore(%arg19 : memref<!tpu.dma_semaphore, #tpu.memory_space<semaphore_mem>>) src(%dma_wait3A_45 : memref<10240xf32, #tpu.memory_space<hbm>>) dst(%dma_wait3A_43 : memref<5000xf32, #tpu.memory_space<vmem>>)
    %scan3A_46 = arith.constant 0 : i32
    %scan3A_47 = arith.constant 0 : i32
    %scan3A_48 = arith.constant 313 : i32
    %scan3A_49 = arith.addi %scan3A_47, %scan3A_48 : i32
    %scan3A_50 = arith.constant 1 : i32
    scf.for %scan3A_73 = %scan3A_47 to %scan3A_49 step %scan3A_50  : i32 {
      %mul3A_74 = arith.constant 16 : i32
      %mul3A_75 = arith.muli %scan3A_73, %mul3A_74 : i32
      %get3A = arith.index_cast %mul3A_75 : i32 to index
      %get3A_76 = tpu.vector_load %arg11[%get3A] {strides = array<i32>} : memref<5008xf32, #tpu.memory_space<vmem>>, vector<16xf32>,
      %get3A_77 = vector.shape_cast %get3A_76 : vector<16xf32> to vector<16xf32>
      %get3A_78 = arith.index_cast %mul3A_75 : i32 to index
      %get3A_79 = tpu.vector_load %arg12[%get3A_78] {strides = array<i32>} : memref<5008xf32, #tpu.memory_space<vmem>>, vector<16xf32>,
      %get3A_80 = vector.shape_cast %get3A_79 : vector<16xf32> to vector<16xf32>
      %add3A_81 = arith.addf %get3A_77, %get3A_80 : vector<16xf32>
      %gt3A = arith.constant 0.000000e+00 : f32
      %gt3A_82 = vector.broadcast %gt3A : f32 to vector<16xf32>
      %gt3A_83 = arith.cmpf ogt, %add3A_81, %gt3A_82 : vector<16xf32>
      %mul3A_84 = arith.constant 2.000000e-01 : f32
      %mul3A_85 = vector.broadcast %mul3A_84 : f32 to vector<16xf32>
      %mul3A_86 = arith.mulf %mul3A_85, %add3A_81 : vector<16xf32>
      %select_n3A = arith.select %gt3A_83, %add3A_81, %mul3A_86 : vector<16xi1>, vector<16xf32>
      %exp3A = math.exp %select_n3A : vector<16xf32>
      %swap3A = arith.index_cast %mul3A_75 : i32 to index
      %swap3A_87 = tpu.vector_load %arg11[%swap3A] {strides = array<i32>} : memref<5008xf32, #tpu.memory_space<vmem>>, vector<16xf32>,
      %swap3A_88 = vector.shape_cast %swap3A_87 : vector<16xf32> to vector<16xf32>
      %swap3A_89 = vector.shape_cast %exp3A : vector<16xf32> to vector<16xf32>
      tpu.vector_store %arg11[%swap3A], %swap3A_89 {strides = array<i32>} : memref<5008xf32, #tpu.memory_space<vmem>>, vector<16xf32>,
    }
    %scan3A_51 = arith.constant 313 : i32
    "tpu.region"() ({
      %run_scoped3A = tpu.sem_alloc : memref<!tpu.dma_semaphore, #tpu.memory_space<semaphore_mem>>
      %dma_start3A_73 = arith.constant 0 : i32
      %dma_start3A_74 = tpu.memref_slice %arg11[%dma_start3A_73] : memref<5008xf32, #tpu.memory_space<vmem>> -> memref<5000xf32, #tpu.memory_space<vmem>>
      %dma_start3A_75 = arith.constant 0 : i32
      %dma_start3A_76 = tpu.memref_slice %arg17[%dma_start3A_75] : memref<10240xf32, #tpu.memory_space<vmem_shared>> -> memref<10240xf32, #tpu.memory_space<vmem_shared>>
      tpu.enqueue_indirect_dma source(%dma_start3A_74 : memref<5000xf32, #tpu.memory_space<vmem>>) target(%dma_start3A_76 : memref<10240xf32, #tpu.memory_space<vmem_shared>>) offsets(%arg10 : memref<5000xi32, #tpu.memory_space<vmem>>) semaphore(%run_scoped3A : memref<!tpu.dma_semaphore, #tpu.memory_space<semaphore_mem>>) {add = true}
      %dma_wait3A_77 = arith.constant 0 : i32
      %dma_wait3A_78 = tpu.memref_slice %arg11[%dma_wait3A_77] : memref<5008xf32, #tpu.memory_space<vmem>> -> memref<5000xf32, #tpu.memory_space<vmem>>
      %dma_wait3A_79 = arith.constant 0 : i32
      %dma_wait3A_80 = tpu.memref_slice %arg17[%dma_wait3A_79] : memref<10240xf32, #tpu.memory_space<vmem_shared>> -> memref<10240xf32, #tpu.memory_space<vmem_shared>>
      tpu.wait_indirect_dma semaphore(%run_scoped3A : memref<!tpu.dma_semaphore, #tpu.memory_space<semaphore_mem>>) src(%dma_wait3A_78 : memref<5000xf32, #tpu.memory_space<vmem>>) dst(%dma_wait3A_80 : memref<10240xf32, #tpu.memory_space<vmem_shared>>)
      tpu.yield
    }) : () -> ()
    %dma_wait3A_52 = arith.constant 0 : i32
    %dma_wait3A_53 = arith.constant 0 : i32
    %dma_wait3A_54 = tpu.memref_slice %arg13[%dma_wait3A_52, %dma_wait3A_53] : memref<5008x16xf32, #tpu.memory_space<vmem>> -> memref<5000x16xf32, #tpu.memory_space<vmem>>
    %dma_wait3A_55 = arith.constant 0 : i32
    %dma_wait3A_56 = arith.constant 0 : i32
    %dma_wait3A_57 = tpu.memref_slice %arg4[%dma_wait3A_55, %dma_wait3A_56] : memref<10240x16xf32, #tpu.memory_space<hbm>> -> memref<10240x16xf32, #tpu.memory_space<hbm>>
    tpu.wait_indirect_dma semaphore(%arg20 : memref<!tpu.dma_semaphore, #tpu.memory_space<semaphore_mem>>) src(%dma_wait3A_57 : memref<10240x16xf32, #tpu.memory_space<hbm>>) dst(%dma_wait3A_54 : memref<5000x16xf32, #tpu.memory_space<vmem>>)
    %scan3A_58 = arith.constant 0 : i32
    %scan3A_59 = arith.constant 0 : i32
    %scan3A_60 = arith.constant 313 : i32
    %scan3A_61 = arith.addi %scan3A_59, %scan3A_60 : i32
    %scan3A_62 = arith.constant 1 : i32
    scf.for %scan3A_73 = %scan3A_59 to %scan3A_61 step %scan3A_62  : i32 {
      %mul3A_74 = arith.constant 16 : i32
      %mul3A_75 = arith.muli %scan3A_73, %mul3A_74 : i32
      %get3A = arith.index_cast %mul3A_75 : i32 to index
      %get3A_76 = tpu.vector_load %arg11[%get3A] {strides = array<i32>} : memref<5008xf32, #tpu.memory_space<vmem>>, vector<16xf32>,
      %get3A_77 = vector.shape_cast %get3A_76 : vector<16xf32> to vector<16xf32>
      %mul3A_78 = arith.constant 16 : i32
      %mul3A_79 = arith.muli %scan3A_73, %mul3A_78 : i32
      %add3A_80 = arith.constant 0 : i32
      %add3A_81 = arith.addi %mul3A_79, %add3A_80 : i32
      %get3A_82 = arith.index_cast %add3A_81 : i32 to index
      %get3A_83 = arith.constant 0 : index
      %get3A_84 = tpu.vector_load %arg13[%get3A_82, %get3A_83] {strides = array<i32>} : memref<5008x16xf32, #tpu.memory_space<vmem>>, vector<1x16xf32>,
      %get3A_85 = vector.shape_cast %get3A_84 : vector<1x16xf32> to vector<16xf32>
      %slice3A = vector.extract_strided_slice %get3A_77 {offsets = [0], sizes = [1], strides = [1]} : vector<16xf32> to vector<1xf32>
      %squeeze3A = vector.extract %slice3A[0] : f32 from vector<1xf32>
      %mul3A_86 = vector.broadcast %squeeze3A : f32 to vector<16xf32>
      %mul3A_87 = arith.mulf %get3A_85, %mul3A_86 : vector<16xf32>
      %swap3A = arith.index_cast %add3A_81 : i32 to index
      %swap3A_88 = arith.constant 0 : index
      %swap3A_89 = tpu.vector_load %arg13[%swap3A, %swap3A_88] {strides = array<i32>} : memref<5008x16xf32, #tpu.memory_space<vmem>>, vector<1x16xf32>,
      %swap3A_90 = vector.shape_cast %swap3A_89 : vector<1x16xf32> to vector<16xf32>
      %swap3A_91 = vector.shape_cast %mul3A_87 : vector<16xf32> to vector<1x16xf32>
      tpu.vector_store %arg13[%swap3A, %swap3A_88], %swap3A_91 {strides = array<i32>} : memref<5008x16xf32, #tpu.memory_space<vmem>>, vector<1x16xf32>,
      %mul3A_92 = arith.constant 16 : i32
      %mul3A_93 = arith.muli %scan3A_73, %mul3A_92 : i32
      %add3A_94 = arith.constant 1 : i32
      %add3A_95 = arith.addi %mul3A_93, %add3A_94 : i32
      %get3A_96 = arith.index_cast %add3A_95 : i32 to index
      %get3A_97 = arith.constant 0 : index
      %get3A_98 = tpu.vector_load %arg13[%get3A_96, %get3A_97] {strides = array<i32>} : memref<5008x16xf32, #tpu.memory_space<vmem>>, vector<1x16xf32>,
      %get3A_99 = vector.shape_cast %get3A_98 : vector<1x16xf32> to vector<16xf32>
      %slice3A_100 = vector.extract_strided_slice %get3A_77 {offsets = [1], sizes = [1], strides = [1]} : vector<16xf32> to vector<1xf32>
      %squeeze3A_101 = vector.extract %slice3A_100[0] : f32 from vector<1xf32>
      %mul3A_102 = vector.broadcast %squeeze3A_101 : f32 to vector<16xf32>
      %mul3A_103 = arith.mulf %get3A_99, %mul3A_102 : vector<16xf32>
      %swap3A_104 = arith.index_cast %add3A_95 : i32 to index
      %swap3A_105 = arith.constant 0 : index
      %swap3A_106 = tpu.vector_load %arg13[%swap3A_104, %swap3A_105] {strides = array<i32>} : memref<5008x16xf32, #tpu.memory_space<vmem>>, vector<1x16xf32>,
      %swap3A_107 = vector.shape_cast %swap3A_106 : vector<1x16xf32> to vector<16xf32>
      %swap3A_108 = vector.shape_cast %mul3A_103 : vector<16xf32> to vector<1x16xf32>
      tpu.vector_store %arg13[%swap3A_104, %swap3A_105], %swap3A_108 {strides = array<i32>} : memref<5008x16xf32, #tpu.memory_space<vmem>>, vector<1x16xf32>,
      %mul3A_109 = arith.constant 16 : i32
      %mul3A_110 = arith.muli %scan3A_73, %mul3A_109 : i32
      %add3A_111 = arith.constant 2 : i32
      %add3A_112 = arith.addi %mul3A_110, %add3A_111 : i32
      %get3A_113 = arith.index_cast %add3A_112 : i32 to index
      %get3A_114 = arith.constant 0 : index
      %get3A_115 = tpu.vector_load %arg13[%get3A_113, %get3A_114] {strides = array<i32>} : memref<5008x16xf32, #tpu.memory_space<vmem>>, vector<1x16xf32>,
      %get3A_116 = vector.shape_cast %get3A_115 : vector<1x16xf32> to vector<16xf32>
      %slice3A_117 = vector.extract_strided_slice %get3A_77 {offsets = [2], sizes = [1], strides = [1]} : vector<16xf32> to vector<1xf32>
      %squeeze3A_118 = vector.extract %slice3A_117[0] : f32 from vector<1xf32>
      %mul3A_119 = vector.broadcast %squeeze3A_118 : f32 to vector<16xf32>
      %mul3A_120 = arith.mulf %get3A_116, %mul3A_119 : vector<16xf32>
      %swap3A_121 = arith.index_cast %add3A_112 : i32 to index
      %swap3A_122 = arith.constant 0 : index
      %swap3A_123 = tpu.vector_load %arg13[%swap3A_121, %swap3A_122] {strides = array<i32>} : memref<5008x16xf32, #tpu.memory_space<vmem>>, vector<1x16xf32>,
      %swap3A_124 = vector.shape_cast %swap3A_123 : vector<1x16xf32> to vector<16xf32>
      %swap3A_125 = vector.shape_cast %mul3A_120 : vector<16xf32> to vector<1x16xf32>
      tpu.vector_store %arg13[%swap3A_121, %swap3A_122], %swap3A_125 {strides = array<i32>} : memref<5008x16xf32, #tpu.memory_space<vmem>>, vector<1x16xf32>,
      %mul3A_126 = arith.constant 16 : i32
      %mul3A_127 = arith.muli %scan3A_73, %mul3A_126 : i32
      %add3A_128 = arith.constant 3 : i32
      %add3A_129 = arith.addi %mul3A_127, %add3A_128 : i32
      %get3A_130 = arith.index_cast %add3A_129 : i32 to index
      %get3A_131 = arith.constant 0 : index
      %get3A_132 = tpu.vector_load %arg13[%get3A_130, %get3A_131] {strides = array<i32>} : memref<5008x16xf32, #tpu.memory_space<vmem>>, vector<1x16xf32>,
      %get3A_133 = vector.shape_cast %get3A_132 : vector<1x16xf32> to vector<16xf32>
      %slice3A_134 = vector.extract_strided_slice %get3A_77 {offsets = [3], sizes = [1], strides = [1]} : vector<16xf32> to vector<1xf32>
      %squeeze3A_135 = vector.extract %slice3A_134[0] : f32 from vector<1xf32>
      %mul3A_136 = vector.broadcast %squeeze3A_135 : f32 to vector<16xf32>
      %mul3A_137 = arith.mulf %get3A_133, %mul3A_136 : vector<16xf32>
      %swap3A_138 = arith.index_cast %add3A_129 : i32 to index
      %swap3A_139 = arith.constant 0 : index
      %swap3A_140 = tpu.vector_load %arg13[%swap3A_138, %swap3A_139] {strides = array<i32>} : memref<5008x16xf32, #tpu.memory_space<vmem>>, vector<1x16xf32>,
      %swap3A_141 = vector.shape_cast %swap3A_140 : vector<1x16xf32> to vector<16xf32>
      %swap3A_142 = vector.shape_cast %mul3A_137 : vector<16xf32> to vector<1x16xf32>
      tpu.vector_store %arg13[%swap3A_138, %swap3A_139], %swap3A_142 {strides = array<i32>} : memref<5008x16xf32, #tpu.memory_space<vmem>>, vector<1x16xf32>,
      %mul3A_143 = arith.constant 16 : i32
      %mul3A_144 = arith.muli %scan3A_73, %mul3A_143 : i32
      %add3A_145 = arith.constant 4 : i32
      %add3A_146 = arith.addi %mul3A_144, %add3A_145 : i32
      %get3A_147 = arith.index_cast %add3A_146 : i32 to index
      %get3A_148 = arith.constant 0 : index
      %get3A_149 = tpu.vector_load %arg13[%get3A_147, %get3A_148] {strides = array<i32>} : memref<5008x16xf32, #tpu.memory_space<vmem>>, vector<1x16xf32>,
      %get3A_150 = vector.shape_cast %get3A_149 : vector<1x16xf32> to vector<16xf32>
      %slice3A_151 = vector.extract_strided_slice %get3A_77 {offsets = [4], sizes = [1], strides = [1]} : vector<16xf32> to vector<1xf32>
      %squeeze3A_152 = vector.extract %slice3A_151[0] : f32 from vector<1xf32>
      %mul3A_153 = vector.broadcast %squeeze3A_152 : f32 to vector<16xf32>
      %mul3A_154 = arith.mulf %get3A_150, %mul3A_153 : vector<16xf32>
      %swap3A_155 = arith.index_cast %add3A_146 : i32 to index
      %swap3A_156 = arith.constant 0 : index
      %swap3A_157 = tpu.vector_load %arg13[%swap3A_155, %swap3A_156] {strides = array<i32>} : memref<5008x16xf32, #tpu.memory_space<vmem>>, vector<1x16xf32>,
      %swap3A_158 = vector.shape_cast %swap3A_157 : vector<1x16xf32> to vector<16xf32>
      %swap3A_159 = vector.shape_cast %mul3A_154 : vector<16xf32> to vector<1x16xf32>
      tpu.vector_store %arg13[%swap3A_155, %swap3A_156], %swap3A_159 {strides = array<i32>} : memref<5008x16xf32, #tpu.memory_space<vmem>>, vector<1x16xf32>,
      %mul3A_160 = arith.constant 16 : i32
      %mul3A_161 = arith.muli %scan3A_73, %mul3A_160 : i32
      %add3A_162 = arith.constant 5 : i32
      %add3A_163 = arith.addi %mul3A_161, %add3A_162 : i32
      %get3A_164 = arith.index_cast %add3A_163 : i32 to index
      %get3A_165 = arith.constant 0 : index
      %get3A_166 = tpu.vector_load %arg13[%get3A_164, %get3A_165] {strides = array<i32>} : memref<5008x16xf32, #tpu.memory_space<vmem>>, vector<1x16xf32>,
      %get3A_167 = vector.shape_cast %get3A_166 : vector<1x16xf32> to vector<16xf32>
      %slice3A_168 = vector.extract_strided_slice %get3A_77 {offsets = [5], sizes = [1], strides = [1]} : vector<16xf32> to vector<1xf32>
      %squeeze3A_169 = vector.extract %slice3A_168[0] : f32 from vector<1xf32>
      %mul3A_170 = vector.broadcast %squeeze3A_169 : f32 to vector<16xf32>
      %mul3A_171 = arith.mulf %get3A_167, %mul3A_170 : vector<16xf32>
      %swap3A_172 = arith.index_cast %add3A_163 : i32 to index
      %swap3A_173 = arith.constant 0 : index
      %swap3A_174 = tpu.vector_load %arg13[%swap3A_172, %swap3A_173] {strides = array<i32>} : memref<5008x16xf32, #tpu.memory_space<vmem>>, vector<1x16xf32>,
      %swap3A_175 = vector.shape_cast %swap3A_174 : vector<1x16xf32> to vector<16xf32>
      %swap3A_176 = vector.shape_cast %mul3A_171 : vector<16xf32> to vector<1x16xf32>
      tpu.vector_store %arg13[%swap3A_172, %swap3A_173], %swap3A_176 {strides = array<i32>} : memref<5008x16xf32, #tpu.memory_space<vmem>>, vector<1x16xf32>,
      %mul3A_177 = arith.constant 16 : i32
      %mul3A_178 = arith.muli %scan3A_73, %mul3A_177 : i32
      %add3A_179 = arith.constant 6 : i32
      %add3A_180 = arith.addi %mul3A_178, %add3A_179 : i32
      %get3A_181 = arith.index_cast %add3A_180 : i32 to index
      %get3A_182 = arith.constant 0 : index
      %get3A_183 = tpu.vector_load %arg13[%get3A_181, %get3A_182] {strides = array<i32>} : memref<5008x16xf32, #tpu.memory_space<vmem>>, vector<1x16xf32>,
      %get3A_184 = vector.shape_cast %get3A_183 : vector<1x16xf32> to vector<16xf32>
      %slice3A_185 = vector.extract_strided_slice %get3A_77 {offsets = [6], sizes = [1], strides = [1]} : vector<16xf32> to vector<1xf32>
      %squeeze3A_186 = vector.extract %slice3A_185[0] : f32 from vector<1xf32>
      %mul3A_187 = vector.broadcast %squeeze3A_186 : f32 to vector<16xf32>
      %mul3A_188 = arith.mulf %get3A_184, %mul3A_187 : vector<16xf32>
      %swap3A_189 = arith.index_cast %add3A_180 : i32 to index
      %swap3A_190 = arith.constant 0 : index
      %swap3A_191 = tpu.vector_load %arg13[%swap3A_189, %swap3A_190] {strides = array<i32>} : memref<5008x16xf32, #tpu.memory_space<vmem>>, vector<1x16xf32>,
      %swap3A_192 = vector.shape_cast %swap3A_191 : vector<1x16xf32> to vector<16xf32>
      %swap3A_193 = vector.shape_cast %mul3A_188 : vector<16xf32> to vector<1x16xf32>
      tpu.vector_store %arg13[%swap3A_189, %swap3A_190], %swap3A_193 {strides = array<i32>} : memref<5008x16xf32, #tpu.memory_space<vmem>>, vector<1x16xf32>,
      %mul3A_194 = arith.constant 16 : i32
      %mul3A_195 = arith.muli %scan3A_73, %mul3A_194 : i32
      %add3A_196 = arith.constant 7 : i32
      %add3A_197 = arith.addi %mul3A_195, %add3A_196 : i32
      %get3A_198 = arith.index_cast %add3A_197 : i32 to index
      %get3A_199 = arith.constant 0 : index
      %get3A_200 = tpu.vector_load %arg13[%get3A_198, %get3A_199] {strides = array<i32>} : memref<5008x16xf32, #tpu.memory_space<vmem>>, vector<1x16xf32>,
      %get3A_201 = vector.shape_cast %get3A_200 : vector<1x16xf32> to vector<16xf32>
      %slice3A_202 = vector.extract_strided_slice %get3A_77 {offsets = [7], sizes = [1], strides = [1]} : vector<16xf32> to vector<1xf32>
      %squeeze3A_203 = vector.extract %slice3A_202[0] : f32 from vector<1xf32>
      %mul3A_204 = vector.broadcast %squeeze3A_203 : f32 to vector<16xf32>
      %mul3A_205 = arith.mulf %get3A_201, %mul3A_204 : vector<16xf32>
      %swap3A_206 = arith.index_cast %add3A_197 : i32 to index
      %swap3A_207 = arith.constant 0 : index
      %swap3A_208 = tpu.vector_load %arg13[%swap3A_206, %swap3A_207] {strides = array<i32>} : memref<5008x16xf32, #tpu.memory_space<vmem>>, vector<1x16xf32>,
      %swap3A_209 = vector.shape_cast %swap3A_208 : vector<1x16xf32> to vector<16xf32>
      %swap3A_210 = vector.shape_cast %mul3A_205 : vector<16xf32> to vector<1x16xf32>
      tpu.vector_store %arg13[%swap3A_206, %swap3A_207], %swap3A_210 {strides = array<i32>} : memref<5008x16xf32, #tpu.memory_space<vmem>>, vector<1x16xf32>,
      %mul3A_211 = arith.constant 16 : i32
      %mul3A_212 = arith.muli %scan3A_73, %mul3A_211 : i32
      %add3A_213 = arith.constant 8 : i32
      %add3A_214 = arith.addi %mul3A_212, %add3A_213 : i32
      %get3A_215 = arith.index_cast %add3A_214 : i32 to index
      %get3A_216 = arith.constant 0 : index
      %get3A_217 = tpu.vector_load %arg13[%get3A_215, %get3A_216] {strides = array<i32>} : memref<5008x16xf32, #tpu.memory_space<vmem>>, vector<1x16xf32>,
      %get3A_218 = vector.shape_cast %get3A_217 : vector<1x16xf32> to vector<16xf32>
      %slice3A_219 = vector.extract_strided_slice %get3A_77 {offsets = [8], sizes = [1], strides = [1]} : vector<16xf32> to vector<1xf32>
      %squeeze3A_220 = vector.extract %slice3A_219[0] : f32 from vector<1xf32>
      %mul3A_221 = vector.broadcast %squeeze3A_220 : f32 to vector<16xf32>
      %mul3A_222 = arith.mulf %get3A_218, %mul3A_221 : vector<16xf32>
      %swap3A_223 = arith.index_cast %add3A_214 : i32 to index
      %swap3A_224 = arith.constant 0 : index
      %swap3A_225 = tpu.vector_load %arg13[%swap3A_223, %swap3A_224] {strides = array<i32>} : memref<5008x16xf32, #tpu.memory_space<vmem>>, vector<1x16xf32>,
      %swap3A_226 = vector.shape_cast %swap3A_225 : vector<1x16xf32> to vector<16xf32>
      %swap3A_227 = vector.shape_cast %mul3A_222 : vector<16xf32> to vector<1x16xf32>
      tpu.vector_store %arg13[%swap3A_223, %swap3A_224], %swap3A_227 {strides = array<i32>} : memref<5008x16xf32, #tpu.memory_space<vmem>>, vector<1x16xf32>,
      %mul3A_228 = arith.constant 16 : i32
      %mul3A_229 = arith.muli %scan3A_73, %mul3A_228 : i32
      %add3A_230 = arith.constant 9 : i32
      %add3A_231 = arith.addi %mul3A_229, %add3A_230 : i32
      %get3A_232 = arith.index_cast %add3A_231 : i32 to index
      %get3A_233 = arith.constant 0 : index
      %get3A_234 = tpu.vector_load %arg13[%get3A_232, %get3A_233] {strides = array<i32>} : memref<5008x16xf32, #tpu.memory_space<vmem>>, vector<1x16xf32>,
      %get3A_235 = vector.shape_cast %get3A_234 : vector<1x16xf32> to vector<16xf32>
      %slice3A_236 = vector.extract_strided_slice %get3A_77 {offsets = [9], sizes = [1], strides = [1]} : vector<16xf32> to vector<1xf32>
      %squeeze3A_237 = vector.extract %slice3A_236[0] : f32 from vector<1xf32>
      %mul3A_238 = vector.broadcast %squeeze3A_237 : f32 to vector<16xf32>
      %mul3A_239 = arith.mulf %get3A_235, %mul3A_238 : vector<16xf32>
      %swap3A_240 = arith.index_cast %add3A_231 : i32 to index
      %swap3A_241 = arith.constant 0 : index
      %swap3A_242 = tpu.vector_load %arg13[%swap3A_240, %swap3A_241] {strides = array<i32>} : memref<5008x16xf32, #tpu.memory_space<vmem>>, vector<1x16xf32>,
      %swap3A_243 = vector.shape_cast %swap3A_242 : vector<1x16xf32> to vector<16xf32>
      %swap3A_244 = vector.shape_cast %mul3A_239 : vector<16xf32> to vector<1x16xf32>
      tpu.vector_store %arg13[%swap3A_240, %swap3A_241], %swap3A_244 {strides = array<i32>} : memref<5008x16xf32, #tpu.memory_space<vmem>>, vector<1x16xf32>,
      %mul3A_245 = arith.constant 16 : i32
      %mul3A_246 = arith.muli %scan3A_73, %mul3A_245 : i32
      %add3A_247 = arith.constant 10 : i32
      %add3A_248 = arith.addi %mul3A_246, %add3A_247 : i32
      %get3A_249 = arith.index_cast %add3A_248 : i32 to index
      %get3A_250 = arith.constant 0 : index
      %get3A_251 = tpu.vector_load %arg13[%get3A_249, %get3A_250] {strides = array<i32>} : memref<5008x16xf32, #tpu.memory_space<vmem>>, vector<1x16xf32>,
      %get3A_252 = vector.shape_cast %get3A_251 : vector<1x16xf32> to vector<16xf32>
      %slice3A_253 = vector.extract_strided_slice %get3A_77 {offsets = [10], sizes = [1], strides = [1]} : vector<16xf32> to vector<1xf32>
      %squeeze3A_254 = vector.extract %slice3A_253[0] : f32 from vector<1xf32>
      %mul3A_255 = vector.broadcast %squeeze3A_254 : f32 to vector<16xf32>
      %mul3A_256 = arith.mulf %get3A_252, %mul3A_255 : vector<16xf32>
      %swap3A_257 = arith.index_cast %add3A_248 : i32 to index
      %swap3A_258 = arith.constant 0 : index
      %swap3A_259 = tpu.vector_load %arg13[%swap3A_257, %swap3A_258] {strides = array<i32>} : memref<5008x16xf32, #tpu.memory_space<vmem>>, vector<1x16xf32>,
      %swap3A_260 = vector.shape_cast %swap3A_259 : vector<1x16xf32> to vector<16xf32>
      %swap3A_261 = vector.shape_cast %mul3A_256 : vector<16xf32> to vector<1x16xf32>
      tpu.vector_store %arg13[%swap3A_257, %swap3A_258], %swap3A_261 {strides = array<i32>} : memref<5008x16xf32, #tpu.memory_space<vmem>>, vector<1x16xf32>,
      %mul3A_262 = arith.constant 16 : i32
      %mul3A_263 = arith.muli %scan3A_73, %mul3A_262 : i32
      %add3A_264 = arith.constant 11 : i32
      %add3A_265 = arith.addi %mul3A_263, %add3A_264 : i32
      %get3A_266 = arith.index_cast %add3A_265 : i32 to index
      %get3A_267 = arith.constant 0 : index
      %get3A_268 = tpu.vector_load %arg13[%get3A_266, %get3A_267] {strides = array<i32>} : memref<5008x16xf32, #tpu.memory_space<vmem>>, vector<1x16xf32>,
      %get3A_269 = vector.shape_cast %get3A_268 : vector<1x16xf32> to vector<16xf32>
      %slice3A_270 = vector.extract_strided_slice %get3A_77 {offsets = [11], sizes = [1], strides = [1]} : vector<16xf32> to vector<1xf32>
      %squeeze3A_271 = vector.extract %slice3A_270[0] : f32 from vector<1xf32>
      %mul3A_272 = vector.broadcast %squeeze3A_271 : f32 to vector<16xf32>
      %mul3A_273 = arith.mulf %get3A_269, %mul3A_272 : vector<16xf32>
      %swap3A_274 = arith.index_cast %add3A_265 : i32 to index
      %swap3A_275 = arith.constant 0 : index
      %swap3A_276 = tpu.vector_load %arg13[%swap3A_274, %swap3A_275] {strides = array<i32>} : memref<5008x16xf32, #tpu.memory_space<vmem>>, vector<1x16xf32>,
      %swap3A_277 = vector.shape_cast %swap3A_276 : vector<1x16xf32> to vector<16xf32>
      %swap3A_278 = vector.shape_cast %mul3A_273 : vector<16xf32> to vector<1x16xf32>
      tpu.vector_store %arg13[%swap3A_274, %swap3A_275], %swap3A_278 {strides = array<i32>} : memref<5008x16xf32, #tpu.memory_space<vmem>>, vector<1x16xf32>,
      %mul3A_279 = arith.constant 16 : i32
      %mul3A_280 = arith.muli %scan3A_73, %mul3A_279 : i32
      %add3A_281 = arith.constant 12 : i32
      %add3A_282 = arith.addi %mul3A_280, %add3A_281 : i32
      %get3A_283 = arith.index_cast %add3A_282 : i32 to index
      %get3A_284 = arith.constant 0 : index
      %get3A_285 = tpu.vector_load %arg13[%get3A_283, %get3A_284] {strides = array<i32>} : memref<5008x16xf32, #tpu.memory_space<vmem>>, vector<1x16xf32>,
      %get3A_286 = vector.shape_cast %get3A_285 : vector<1x16xf32> to vector<16xf32>
      %slice3A_287 = vector.extract_strided_slice %get3A_77 {offsets = [12], sizes = [1], strides = [1]} : vector<16xf32> to vector<1xf32>
      %squeeze3A_288 = vector.extract %slice3A_287[0] : f32 from vector<1xf32>
      %mul3A_289 = vector.broadcast %squeeze3A_288 : f32 to vector<16xf32>
      %mul3A_290 = arith.mulf %get3A_286, %mul3A_289 : vector<16xf32>
      %swap3A_291 = arith.index_cast %add3A_282 : i32 to index
      %swap3A_292 = arith.constant 0 : index
      %swap3A_293 = tpu.vector_load %arg13[%swap3A_291, %swap3A_292] {strides = array<i32>} : memref<5008x16xf32, #tpu.memory_space<vmem>>, vector<1x16xf32>,
      %swap3A_294 = vector.shape_cast %swap3A_293 : vector<1x16xf32> to vector<16xf32>
      %swap3A_295 = vector.shape_cast %mul3A_290 : vector<16xf32> to vector<1x16xf32>
      tpu.vector_store %arg13[%swap3A_291, %swap3A_292], %swap3A_295 {strides = array<i32>} : memref<5008x16xf32, #tpu.memory_space<vmem>>, vector<1x16xf32>,
      %mul3A_296 = arith.constant 16 : i32
      %mul3A_297 = arith.muli %scan3A_73, %mul3A_296 : i32
      %add3A_298 = arith.constant 13 : i32
      %add3A_299 = arith.addi %mul3A_297, %add3A_298 : i32
      %get3A_300 = arith.index_cast %add3A_299 : i32 to index
      %get3A_301 = arith.constant 0 : index
      %get3A_302 = tpu.vector_load %arg13[%get3A_300, %get3A_301] {strides = array<i32>} : memref<5008x16xf32, #tpu.memory_space<vmem>>, vector<1x16xf32>,
      %get3A_303 = vector.shape_cast %get3A_302 : vector<1x16xf32> to vector<16xf32>
      %slice3A_304 = vector.extract_strided_slice %get3A_77 {offsets = [13], sizes = [1], strides = [1]} : vector<16xf32> to vector<1xf32>
      %squeeze3A_305 = vector.extract %slice3A_304[0] : f32 from vector<1xf32>
      %mul3A_306 = vector.broadcast %squeeze3A_305 : f32 to vector<16xf32>
      %mul3A_307 = arith.mulf %get3A_303, %mul3A_306 : vector<16xf32>
      %swap3A_308 = arith.index_cast %add3A_299 : i32 to index
      %swap3A_309 = arith.constant 0 : index
      %swap3A_310 = tpu.vector_load %arg13[%swap3A_308, %swap3A_309] {strides = array<i32>} : memref<5008x16xf32, #tpu.memory_space<vmem>>, vector<1x16xf32>,
      %swap3A_311 = vector.shape_cast %swap3A_310 : vector<1x16xf32> to vector<16xf32>
      %swap3A_312 = vector.shape_cast %mul3A_307 : vector<16xf32> to vector<1x16xf32>
      tpu.vector_store %arg13[%swap3A_308, %swap3A_309], %swap3A_312 {strides = array<i32>} : memref<5008x16xf32, #tpu.memory_space<vmem>>, vector<1x16xf32>,
      %mul3A_313 = arith.constant 16 : i32
      %mul3A_314 = arith.muli %scan3A_73, %mul3A_313 : i32
      %add3A_315 = arith.constant 14 : i32
      %add3A_316 = arith.addi %mul3A_314, %add3A_315 : i32
      %get3A_317 = arith.index_cast %add3A_316 : i32 to index
      %get3A_318 = arith.constant 0 : index
      %get3A_319 = tpu.vector_load %arg13[%get3A_317, %get3A_318] {strides = array<i32>} : memref<5008x16xf32, #tpu.memory_space<vmem>>, vector<1x16xf32>,
      %get3A_320 = vector.shape_cast %get3A_319 : vector<1x16xf32> to vector<16xf32>
      %slice3A_321 = vector.extract_strided_slice %get3A_77 {offsets = [14], sizes = [1], strides = [1]} : vector<16xf32> to vector<1xf32>
      %squeeze3A_322 = vector.extract %slice3A_321[0] : f32 from vector<1xf32>
      %mul3A_323 = vector.broadcast %squeeze3A_322 : f32 to vector<16xf32>
      %mul3A_324 = arith.mulf %get3A_320, %mul3A_323 : vector<16xf32>
      %swap3A_325 = arith.index_cast %add3A_316 : i32 to index
      %swap3A_326 = arith.constant 0 : index
      %swap3A_327 = tpu.vector_load %arg13[%swap3A_325, %swap3A_326] {strides = array<i32>} : memref<5008x16xf32, #tpu.memory_space<vmem>>, vector<1x16xf32>,
      %swap3A_328 = vector.shape_cast %swap3A_327 : vector<1x16xf32> to vector<16xf32>
      %swap3A_329 = vector.shape_cast %mul3A_324 : vector<16xf32> to vector<1x16xf32>
      tpu.vector_store %arg13[%swap3A_325, %swap3A_326], %swap3A_329 {strides = array<i32>} : memref<5008x16xf32, #tpu.memory_space<vmem>>, vector<1x16xf32>,
      %mul3A_330 = arith.constant 16 : i32
      %mul3A_331 = arith.muli %scan3A_73, %mul3A_330 : i32
      %add3A_332 = arith.constant 15 : i32
      %add3A_333 = arith.addi %mul3A_331, %add3A_332 : i32
      %get3A_334 = arith.index_cast %add3A_333 : i32 to index
      %get3A_335 = arith.constant 0 : index
      %get3A_336 = tpu.vector_load %arg13[%get3A_334, %get3A_335] {strides = array<i32>} : memref<5008x16xf32, #tpu.memory_space<vmem>>, vector<1x16xf32>,
      %get3A_337 = vector.shape_cast %get3A_336 : vector<1x16xf32> to vector<16xf32>
      %slice3A_338 = vector.extract_strided_slice %get3A_77 {offsets = [15], sizes = [1], strides = [1]} : vector<16xf32> to vector<1xf32>
      %squeeze3A_339 = vector.extract %slice3A_338[0] : f32 from vector<1xf32>
      %mul3A_340 = vector.broadcast %squeeze3A_339 : f32 to vector<16xf32>
      %mul3A_341 = arith.mulf %get3A_337, %mul3A_340 : vector<16xf32>
      %swap3A_342 = arith.index_cast %add3A_333 : i32 to index
      %swap3A_343 = arith.constant 0 : index
      %swap3A_344 = tpu.vector_load %arg13[%swap3A_342, %swap3A_343] {strides = array<i32>} : memref<5008x16xf32, #tpu.memory_space<vmem>>, vector<1x16xf32>,
      %swap3A_345 = vector.shape_cast %swap3A_344 : vector<1x16xf32> to vector<16xf32>
      %swap3A_346 = vector.shape_cast %mul3A_341 : vector<16xf32> to vector<1x16xf32>
      tpu.vector_store %arg13[%swap3A_342, %swap3A_343], %swap3A_346 {strides = array<i32>} : memref<5008x16xf32, #tpu.memory_space<vmem>>, vector<1x16xf32>,
    }
    %scan3A_63 = arith.constant 313 : i32
    "tpu.region"() ({
      %run_scoped3A = tpu.sem_alloc : memref<!tpu.dma_semaphore, #tpu.memory_space<semaphore_mem>>
      %dma_start3A_73 = arith.constant 0 : i32
      %dma_start3A_74 = arith.constant 0 : i32
      %dma_start3A_75 = tpu.memref_slice %arg13[%dma_start3A_73, %dma_start3A_74] : memref<5008x16xf32, #tpu.memory_space<vmem>> -> memref<5000x16xf32, #tpu.memory_space<vmem>>
      %dma_start3A_76 = arith.constant 0 : i32
      %dma_start3A_77 = arith.constant 0 : i32
      %dma_start3A_78 = tpu.memref_slice %arg16[%dma_start3A_76, %dma_start3A_77] : memref<10240x16xf32, #tpu.memory_space<vmem_shared>> -> memref<10240x16xf32, #tpu.memory_space<vmem_shared>>
      tpu.enqueue_indirect_dma source(%dma_start3A_75 : memref<5000x16xf32, #tpu.memory_space<vmem>>) target(%dma_start3A_78 : memref<10240x16xf32, #tpu.memory_space<vmem_shared>>) offsets(%arg10 : memref<5000xi32, #tpu.memory_space<vmem>>) semaphore(%run_scoped3A : memref<!tpu.dma_semaphore, #tpu.memory_space<semaphore_mem>>) {add = true}
      %dma_wait3A_79 = arith.constant 0 : i32
      %dma_wait3A_80 = arith.constant 0 : i32
      %dma_wait3A_81 = tpu.memref_slice %arg13[%dma_wait3A_79, %dma_wait3A_80] : memref<5008x16xf32, #tpu.memory_space<vmem>> -> memref<5000x16xf32, #tpu.memory_space<vmem>>
      %dma_wait3A_82 = arith.constant 0 : i32
      %dma_wait3A_83 = arith.constant 0 : i32
      %dma_wait3A_84 = tpu.memref_slice %arg16[%dma_wait3A_82, %dma_wait3A_83] : memref<10240x16xf32, #tpu.memory_space<vmem_shared>> -> memref<10240x16xf32, #tpu.memory_space<vmem_shared>>
      tpu.wait_indirect_dma semaphore(%run_scoped3A : memref<!tpu.dma_semaphore, #tpu.memory_space<semaphore_mem>>) src(%dma_wait3A_81 : memref<5000x16xf32, #tpu.memory_space<vmem>>) dst(%dma_wait3A_84 : memref<10240x16xf32, #tpu.memory_space<vmem_shared>>)
      tpu.yield
    }) : () -> ()
    %barrier3A_64 = arith.constant 0 : index
    tpu.barrier barrier_id(%barrier3A_64)
    %mul3A_65 = arith.constant 640 : i32
    %mul3A_66 = arith.muli %arg1, %mul3A_65 : i32
    %mul3A_67 = arith.constant 640 : i32
    %mul3A_68 = arith.muli %arg1, %mul3A_67 : i32
    "tpu.region"() ({
      %run_scoped3A = tpu.sem_alloc : memref<!tpu.dma_semaphore, #tpu.memory_space<semaphore_mem>>
      %dma_start3A_73 = arith.constant 0 : i32
      %dma_start3A_74 = tpu.memref_slice %arg7[%arg0, %mul3A_68, %dma_start3A_73] : memref<2x10240x16xf32, #tpu.memory_space<hbm>> -> memref<1x640x16xf32, #tpu.memory_space<hbm>>
      %dma_start3A_75 = tpu.memref_squeeze %dma_start3A_74 : memref<1x640x16xf32, #tpu.memory_space<hbm>> -> memref<640x16xf32, #tpu.memory_space<hbm>>
      %dma_start3A_76 = arith.constant 0 : i32
      %dma_start3A_77 = tpu.memref_slice %arg16[%mul3A_66, %dma_start3A_76] : memref<10240x16xf32, #tpu.memory_space<vmem_shared>> -> memref<640x16xf32, #tpu.memory_space<vmem_shared>>
      tpu.enqueue_dma source(%dma_start3A_77 : memref<640x16xf32, #tpu.memory_space<vmem_shared>>) target(%dma_start3A_75 : memref<640x16xf32, #tpu.memory_space<hbm>>) target_semaphore(%run_scoped3A : memref<!tpu.dma_semaphore, #tpu.memory_space<semaphore_mem>>)
      %dma_wait3A_78 = arith.constant 0 : i32
      %dma_wait3A_79 = tpu.memref_slice %arg7[%arg0, %mul3A_68, %dma_wait3A_78] : memref<2x10240x16xf32, #tpu.memory_space<hbm>> -> memref<1x640x16xf32, #tpu.memory_space<hbm>>
      %dma_wait3A_80 = tpu.memref_squeeze %dma_wait3A_79 : memref<1x640x16xf32, #tpu.memory_space<hbm>> -> memref<640x16xf32, #tpu.memory_space<hbm>>
      %dma_wait3A_81 = arith.constant 0 : i32
      %dma_wait3A_82 = tpu.memref_slice %arg16[%mul3A_66, %dma_wait3A_81] : memref<10240x16xf32, #tpu.memory_space<vmem_shared>> -> memref<640x16xf32, #tpu.memory_space<vmem_shared>>
      tpu.wait_dma2 semaphore(%run_scoped3A : memref<!tpu.dma_semaphore, #tpu.memory_space<semaphore_mem>>) src(%dma_wait3A_82 : memref<640x16xf32, #tpu.memory_space<vmem_shared>>) dst(%dma_wait3A_80 : memref<640x16xf32, #tpu.memory_space<hbm>>)
      tpu.yield
    }) : () -> ()
    %mul3A_69 = arith.constant 640 : i32
    %mul3A_70 = arith.muli %arg1, %mul3A_69 : i32
    %mul3A_71 = arith.constant 640 : i32
    %mul3A_72 = arith.muli %arg1, %mul3A_71 : i32
    "tpu.region"() ({
      %run_scoped3A = tpu.sem_alloc : memref<!tpu.dma_semaphore, #tpu.memory_space<semaphore_mem>>
      %dma_start3A_73 = tpu.memref_slice %arg8[%arg0, %mul3A_72] : memref<2x10240xf32, #tpu.memory_space<hbm>> -> memref<1x640xf32, #tpu.memory_space<hbm>>
      %dma_start3A_74 = tpu.memref_squeeze %dma_start3A_73 : memref<1x640xf32, #tpu.memory_space<hbm>> -> memref<640xf32, #tpu.memory_space<hbm>>
      %dma_start3A_75 = tpu.memref_slice %arg17[%mul3A_70] : memref<10240xf32, #tpu.memory_space<vmem_shared>> -> memref<640xf32, #tpu.memory_space<vmem_shared>>
      tpu.enqueue_dma source(%dma_start3A_75 : memref<640xf32, #tpu.memory_space<vmem_shared>>) target(%dma_start3A_74 : memref<640xf32, #tpu.memory_space<hbm>>) target_semaphore(%run_scoped3A : memref<!tpu.dma_semaphore, #tpu.memory_space<semaphore_mem>>)
      %dma_wait3A_76 = tpu.memref_slice %arg8[%arg0, %mul3A_72] : memref<2x10240xf32, #tpu.memory_space<hbm>> -> memref<1x640xf32, #tpu.memory_space<hbm>>
      %dma_wait3A_77 = tpu.memref_squeeze %dma_wait3A_76 : memref<1x640xf32, #tpu.memory_space<hbm>> -> memref<640xf32, #tpu.memory_space<hbm>>
      %dma_wait3A_78 = tpu.memref_slice %arg17[%mul3A_70] : memref<10240xf32, #tpu.memory_space<vmem_shared>> -> memref<640xf32, #tpu.memory_space<vmem_shared>>
      tpu.wait_dma2 semaphore(%run_scoped3A : memref<!tpu.dma_semaphore, #tpu.memory_space<semaphore_mem>>) src(%dma_wait3A_78 : memref<640xf32, #tpu.memory_space<vmem_shared>>) dst(%dma_wait3A_77 : memref<640xf32, #tpu.memory_space<hbm>>)
      tpu.yield
    }) : () -> ()
    return
  }
}

#map = affine_map<(d0, d1) -> (0, 0)>
#map1 = affine_map<(d0, d1) -> (0)>
module attributes {stable_mosaic.version = 14 : i64} {
  func.func @_sc_gather_rows(%arg0: i32, %arg1: i32, %arg2: memref<10000x16xf32, #tpu.memory_space<hbm>>, %arg3: memref<160000xi32, #tpu.memory_space<hbm>>, %arg4: memref<20000x128xf32, #tpu.memory_space<hbm>>, %arg5: memref<5000xi32, #tpu.memory_space<vmem>>, %arg6: memref<5000x16xf32, #tpu.memory_space<vmem>>, %arg7: memref<125x128xf32, #tpu.memory_space<vmem>>, %arg8: memref<!tpu.dma_semaphore, #tpu.memory_space<semaphore_mem>>) attributes {dimension_semantics = [#tpu.dimension_semantics<core_parallel>, #tpu.dimension_semantics<subcore_parallel>], iteration_bounds = array<i64: 2, 16>, scalar_prefetch = 0 : i64, scratch_operands = 4 : i64, tpu.core_type = #tpu.core_type<sc_vector_subcore>, window_params = [{transform_indices = #map}, {transform_indices = #map1}, {transform_indices = #map}]} {
    %mul3A = arith.constant 2 : i32
    %mul3A_0 = arith.muli %arg1, %mul3A : i32
    %add3A = arith.addi %mul3A_0, %arg0 : i32
    %mul3A_1 = arith.constant 5000 : i32
    %mul3A_2 = arith.muli %add3A, %mul3A_1 : i32
    %mul3A_3 = arith.constant 625 : i32
    %mul3A_4 = arith.muli %add3A, %mul3A_3 : i32
    "tpu.region"() ({
      %run_scoped3A = tpu.sem_alloc : memref<!tpu.dma_semaphore, #tpu.memory_space<semaphore_mem>>
      %dma_start3A_48 = tpu.memref_slice %arg3[%mul3A_2] : memref<160000xi32, #tpu.memory_space<hbm>> -> memref<5000xi32, #tpu.memory_space<hbm>>
      %dma_start3A_49 = tpu.memref_slice %arg3[%mul3A_2] : memref<160000xi32, #tpu.memory_space<hbm>> -> memref<5000xi32, #tpu.memory_space<hbm>>
      tpu.enqueue_dma source(%dma_start3A_49 : memref<5000xi32, #tpu.memory_space<hbm>>) target(%arg5 : memref<5000xi32, #tpu.memory_space<vmem>>) target_semaphore(%run_scoped3A : memref<!tpu.dma_semaphore, #tpu.memory_space<semaphore_mem>>)
      %dma_wait3A_50 = tpu.memref_slice %arg3[%mul3A_2] : memref<160000xi32, #tpu.memory_space<hbm>> -> memref<5000xi32, #tpu.memory_space<hbm>>
      %dma_wait3A_51 = tpu.memref_slice %arg3[%mul3A_2] : memref<160000xi32, #tpu.memory_space<hbm>> -> memref<5000xi32, #tpu.memory_space<hbm>>
      tpu.wait_dma2 semaphore(%run_scoped3A : memref<!tpu.dma_semaphore, #tpu.memory_space<semaphore_mem>>) src(%dma_wait3A_51 : memref<5000xi32, #tpu.memory_space<hbm>>) dst(%arg5 : memref<5000xi32, #tpu.memory_space<vmem>>)
      tpu.yield
    }) : () -> ()
    %dma_start3A = arith.constant 0 : i32
    %dma_start3A_5 = arith.constant 0 : i32
    %dma_start3A_6 = tpu.memref_slice %arg2[%dma_start3A, %dma_start3A_5] : memref<10000x16xf32, #tpu.memory_space<hbm>> -> memref<10000x16xf32, #tpu.memory_space<hbm>>
    tpu.enqueue_indirect_dma source(%dma_start3A_6 : memref<10000x16xf32, #tpu.memory_space<hbm>>) target(%arg6 : memref<5000x16xf32, #tpu.memory_space<vmem>>) offsets(%arg5 : memref<5000xi32, #tpu.memory_space<vmem>>) semaphore(%arg8 : memref<!tpu.dma_semaphore, #tpu.memory_space<semaphore_mem>>)
    %dma_wait3A = arith.constant 0 : i32
    %dma_wait3A_7 = arith.constant 0 : i32
    %dma_wait3A_8 = tpu.memref_slice %arg2[%dma_wait3A, %dma_wait3A_7] : memref<10000x16xf32, #tpu.memory_space<hbm>> -> memref<10000x16xf32, #tpu.memory_space<hbm>>
    tpu.wait_indirect_dma semaphore(%arg8 : memref<!tpu.dma_semaphore, #tpu.memory_space<semaphore_mem>>) src(%dma_wait3A_8 : memref<10000x16xf32, #tpu.memory_space<hbm>>) dst(%arg6 : memref<5000x16xf32, #tpu.memory_space<vmem>>)
    %scan3A = arith.constant 0 : i32
    %scan3A_9 = arith.constant 0 : i32
    %scan3A_10 = arith.constant 125 : i32
    %scan3A_11 = arith.addi %scan3A_9, %scan3A_10 : i32
    %scan3A_12 = arith.constant 1 : i32
    scf.for %scan3A_48 = %scan3A_9 to %scan3A_11 step %scan3A_12  : i32 {
      %mul3A_49 = arith.constant 8 : i32
      %mul3A_50 = arith.muli %scan3A_48, %mul3A_49 : i32
      %add3A_51 = arith.constant 0 : i32
      %add3A_52 = arith.addi %add3A_51, %mul3A_50 : i32
      %add3A_53 = arith.constant 0 : i32
      %add3A_54 = arith.addi %add3A_52, %add3A_53 : i32
      %get3A = arith.index_cast %add3A_54 : i32 to index
      %get3A_55 = arith.constant 0 : index
      %get3A_56 = tpu.vector_load %arg6[%get3A, %get3A_55] {strides = array<i32>} : memref<5000x16xf32, #tpu.memory_space<vmem>>, vector<1x16xf32>,
      %get3A_57 = vector.shape_cast %get3A_56 : vector<1x16xf32> to vector<16xf32>
      %swap3A = arith.index_cast %scan3A_48 : i32 to index
      %swap3A_58 = arith.constant 0 : index
      %swap3A_59 = tpu.vector_load %arg7[%swap3A, %swap3A_58] {strides = array<i32>} : memref<125x128xf32, #tpu.memory_space<vmem>>, vector<1x16xf32>,
      %swap3A_60 = vector.shape_cast %swap3A_59 : vector<1x16xf32> to vector<16xf32>
      %swap3A_61 = vector.shape_cast %get3A_57 : vector<16xf32> to vector<1x16xf32>
      tpu.vector_store %arg7[%swap3A, %swap3A_58], %swap3A_61 {strides = array<i32>} : memref<125x128xf32, #tpu.memory_space<vmem>>, vector<1x16xf32>,
      %mul3A_62 = arith.constant 8 : i32
      %mul3A_63 = arith.muli %scan3A_48, %mul3A_62 : i32
      %add3A_64 = arith.constant 0 : i32
      %add3A_65 = arith.addi %add3A_64, %mul3A_63 : i32
      %add3A_66 = arith.constant 1 : i32
      %add3A_67 = arith.addi %add3A_65, %add3A_66 : i32
      %get3A_68 = arith.index_cast %add3A_67 : i32 to index
      %get3A_69 = arith.constant 0 : index
      %get3A_70 = tpu.vector_load %arg6[%get3A_68, %get3A_69] {strides = array<i32>} : memref<5000x16xf32, #tpu.memory_space<vmem>>, vector<1x16xf32>,
      %get3A_71 = vector.shape_cast %get3A_70 : vector<1x16xf32> to vector<16xf32>
      %swap3A_72 = arith.index_cast %scan3A_48 : i32 to index
      %swap3A_73 = arith.constant 16 : index
      %swap3A_74 = tpu.vector_load %arg7[%swap3A_72, %swap3A_73] {strides = array<i32>} : memref<125x128xf32, #tpu.memory_space<vmem>>, vector<1x16xf32>,
      %swap3A_75 = vector.shape_cast %swap3A_74 : vector<1x16xf32> to vector<16xf32>
      %swap3A_76 = vector.shape_cast %get3A_71 : vector<16xf32> to vector<1x16xf32>
      tpu.vector_store %arg7[%swap3A_72, %swap3A_73], %swap3A_76 {strides = array<i32>} : memref<125x128xf32, #tpu.memory_space<vmem>>, vector<1x16xf32>,
      %mul3A_77 = arith.constant 8 : i32
      %mul3A_78 = arith.muli %scan3A_48, %mul3A_77 : i32
      %add3A_79 = arith.constant 0 : i32
      %add3A_80 = arith.addi %add3A_79, %mul3A_78 : i32
      %add3A_81 = arith.constant 2 : i32
      %add3A_82 = arith.addi %add3A_80, %add3A_81 : i32
      %get3A_83 = arith.index_cast %add3A_82 : i32 to index
      %get3A_84 = arith.constant 0 : index
      %get3A_85 = tpu.vector_load %arg6[%get3A_83, %get3A_84] {strides = array<i32>} : memref<5000x16xf32, #tpu.memory_space<vmem>>, vector<1x16xf32>,
      %get3A_86 = vector.shape_cast %get3A_85 : vector<1x16xf32> to vector<16xf32>
      %swap3A_87 = arith.index_cast %scan3A_48 : i32 to index
      %swap3A_88 = arith.constant 32 : index
      %swap3A_89 = tpu.vector_load %arg7[%swap3A_87, %swap3A_88] {strides = array<i32>} : memref<125x128xf32, #tpu.memory_space<vmem>>, vector<1x16xf32>,
      %swap3A_90 = vector.shape_cast %swap3A_89 : vector<1x16xf32> to vector<16xf32>
      %swap3A_91 = vector.shape_cast %get3A_86 : vector<16xf32> to vector<1x16xf32>
      tpu.vector_store %arg7[%swap3A_87, %swap3A_88], %swap3A_91 {strides = array<i32>} : memref<125x128xf32, #tpu.memory_space<vmem>>, vector<1x16xf32>,
      %mul3A_92 = arith.constant 8 : i32
      %mul3A_93 = arith.muli %scan3A_48, %mul3A_92 : i32
      %add3A_94 = arith.constant 0 : i32
      %add3A_95 = arith.addi %add3A_94, %mul3A_93 : i32
      %add3A_96 = arith.constant 3 : i32
      %add3A_97 = arith.addi %add3A_95, %add3A_96 : i32
      %get3A_98 = arith.index_cast %add3A_97 : i32 to index
      %get3A_99 = arith.constant 0 : index
      %get3A_100 = tpu.vector_load %arg6[%get3A_98, %get3A_99] {strides = array<i32>} : memref<5000x16xf32, #tpu.memory_space<vmem>>, vector<1x16xf32>,
      %get3A_101 = vector.shape_cast %get3A_100 : vector<1x16xf32> to vector<16xf32>
      %swap3A_102 = arith.index_cast %scan3A_48 : i32 to index
      %swap3A_103 = arith.constant 48 : index
      %swap3A_104 = tpu.vector_load %arg7[%swap3A_102, %swap3A_103] {strides = array<i32>} : memref<125x128xf32, #tpu.memory_space<vmem>>, vector<1x16xf32>,
      %swap3A_105 = vector.shape_cast %swap3A_104 : vector<1x16xf32> to vector<16xf32>
      %swap3A_106 = vector.shape_cast %get3A_101 : vector<16xf32> to vector<1x16xf32>
      tpu.vector_store %arg7[%swap3A_102, %swap3A_103], %swap3A_106 {strides = array<i32>} : memref<125x128xf32, #tpu.memory_space<vmem>>, vector<1x16xf32>,
      %mul3A_107 = arith.constant 8 : i32
      %mul3A_108 = arith.muli %scan3A_48, %mul3A_107 : i32
      %add3A_109 = arith.constant 0 : i32
      %add3A_110 = arith.addi %add3A_109, %mul3A_108 : i32
      %add3A_111 = arith.constant 4 : i32
      %add3A_112 = arith.addi %add3A_110, %add3A_111 : i32
      %get3A_113 = arith.index_cast %add3A_112 : i32 to index
      %get3A_114 = arith.constant 0 : index
      %get3A_115 = tpu.vector_load %arg6[%get3A_113, %get3A_114] {strides = array<i32>} : memref<5000x16xf32, #tpu.memory_space<vmem>>, vector<1x16xf32>,
      %get3A_116 = vector.shape_cast %get3A_115 : vector<1x16xf32> to vector<16xf32>
      %swap3A_117 = arith.index_cast %scan3A_48 : i32 to index
      %swap3A_118 = arith.constant 64 : index
      %swap3A_119 = tpu.vector_load %arg7[%swap3A_117, %swap3A_118] {strides = array<i32>} : memref<125x128xf32, #tpu.memory_space<vmem>>, vector<1x16xf32>,
      %swap3A_120 = vector.shape_cast %swap3A_119 : vector<1x16xf32> to vector<16xf32>
      %swap3A_121 = vector.shape_cast %get3A_116 : vector<16xf32> to vector<1x16xf32>
      tpu.vector_store %arg7[%swap3A_117, %swap3A_118], %swap3A_121 {strides = array<i32>} : memref<125x128xf32, #tpu.memory_space<vmem>>, vector<1x16xf32>,
      %mul3A_122 = arith.constant 8 : i32
      %mul3A_123 = arith.muli %scan3A_48, %mul3A_122 : i32
      %add3A_124 = arith.constant 0 : i32
      %add3A_125 = arith.addi %add3A_124, %mul3A_123 : i32
      %add3A_126 = arith.constant 5 : i32
      %add3A_127 = arith.addi %add3A_125, %add3A_126 : i32
      %get3A_128 = arith.index_cast %add3A_127 : i32 to index
      %get3A_129 = arith.constant 0 : index
      %get3A_130 = tpu.vector_load %arg6[%get3A_128, %get3A_129] {strides = array<i32>} : memref<5000x16xf32, #tpu.memory_space<vmem>>, vector<1x16xf32>,
      %get3A_131 = vector.shape_cast %get3A_130 : vector<1x16xf32> to vector<16xf32>
      %swap3A_132 = arith.index_cast %scan3A_48 : i32 to index
      %swap3A_133 = arith.constant 80 : index
      %swap3A_134 = tpu.vector_load %arg7[%swap3A_132, %swap3A_133] {strides = array<i32>} : memref<125x128xf32, #tpu.memory_space<vmem>>, vector<1x16xf32>,
      %swap3A_135 = vector.shape_cast %swap3A_134 : vector<1x16xf32> to vector<16xf32>
      %swap3A_136 = vector.shape_cast %get3A_131 : vector<16xf32> to vector<1x16xf32>
      tpu.vector_store %arg7[%swap3A_132, %swap3A_133], %swap3A_136 {strides = array<i32>} : memref<125x128xf32, #tpu.memory_space<vmem>>, vector<1x16xf32>,
      %mul3A_137 = arith.constant 8 : i32
      %mul3A_138 = arith.muli %scan3A_48, %mul3A_137 : i32
      %add3A_139 = arith.constant 0 : i32
      %add3A_140 = arith.addi %add3A_139, %mul3A_138 : i32
      %add3A_141 = arith.constant 6 : i32
      %add3A_142 = arith.addi %add3A_140, %add3A_141 : i32
      %get3A_143 = arith.index_cast %add3A_142 : i32 to index
      %get3A_144 = arith.constant 0 : index
      %get3A_145 = tpu.vector_load %arg6[%get3A_143, %get3A_144] {strides = array<i32>} : memref<5000x16xf32, #tpu.memory_space<vmem>>, vector<1x16xf32>,
      %get3A_146 = vector.shape_cast %get3A_145 : vector<1x16xf32> to vector<16xf32>
      %swap3A_147 = arith.index_cast %scan3A_48 : i32 to index
      %swap3A_148 = arith.constant 96 : index
      %swap3A_149 = tpu.vector_load %arg7[%swap3A_147, %swap3A_148] {strides = array<i32>} : memref<125x128xf32, #tpu.memory_space<vmem>>, vector<1x16xf32>,
      %swap3A_150 = vector.shape_cast %swap3A_149 : vector<1x16xf32> to vector<16xf32>
      %swap3A_151 = vector.shape_cast %get3A_146 : vector<16xf32> to vector<1x16xf32>
      tpu.vector_store %arg7[%swap3A_147, %swap3A_148], %swap3A_151 {strides = array<i32>} : memref<125x128xf32, #tpu.memory_space<vmem>>, vector<1x16xf32>,
      %mul3A_152 = arith.constant 8 : i32
      %mul3A_153 = arith.muli %scan3A_48, %mul3A_152 : i32
      %add3A_154 = arith.constant 0 : i32
      %add3A_155 = arith.addi %add3A_154, %mul3A_153 : i32
      %add3A_156 = arith.constant 7 : i32
      %add3A_157 = arith.addi %add3A_155, %add3A_156 : i32
      %get3A_158 = arith.index_cast %add3A_157 : i32 to index
      %get3A_159 = arith.constant 0 : index
      %get3A_160 = tpu.vector_load %arg6[%get3A_158, %get3A_159] {strides = array<i32>} : memref<5000x16xf32, #tpu.memory_space<vmem>>, vector<1x16xf32>,
      %get3A_161 = vector.shape_cast %get3A_160 : vector<1x16xf32> to vector<16xf32>
      %swap3A_162 = arith.index_cast %scan3A_48 : i32 to index
      %swap3A_163 = arith.constant 112 : index
      %swap3A_164 = tpu.vector_load %arg7[%swap3A_162, %swap3A_163] {strides = array<i32>} : memref<125x128xf32, #tpu.memory_space<vmem>>, vector<1x16xf32>,
      %swap3A_165 = vector.shape_cast %swap3A_164 : vector<1x16xf32> to vector<16xf32>
      %swap3A_166 = vector.shape_cast %get3A_161 : vector<16xf32> to vector<1x16xf32>
      tpu.vector_store %arg7[%swap3A_162, %swap3A_163], %swap3A_166 {strides = array<i32>} : memref<125x128xf32, #tpu.memory_space<vmem>>, vector<1x16xf32>,
    }
    %scan3A_13 = arith.constant 125 : i32
    %add3A_14 = arith.constant 0 : i32
    %add3A_15 = arith.addi %mul3A_4, %add3A_14 : i32
    "tpu.region"() ({
      %run_scoped3A = tpu.sem_alloc : memref<!tpu.dma_semaphore, #tpu.memory_space<semaphore_mem>>
      %dma_start3A_48 = arith.constant 0 : i32
      %dma_start3A_49 = tpu.memref_slice %arg4[%add3A_15, %dma_start3A_48] : memref<20000x128xf32, #tpu.memory_space<hbm>> -> memref<125x128xf32, #tpu.memory_space<hbm>>
      %dma_start3A_50 = arith.constant 0 : i32
      %dma_start3A_51 = tpu.memref_slice %arg4[%add3A_15, %dma_start3A_50] : memref<20000x128xf32, #tpu.memory_space<hbm>> -> memref<125x128xf32, #tpu.memory_space<hbm>>
      tpu.enqueue_dma source(%arg7 : memref<125x128xf32, #tpu.memory_space<vmem>>) target(%dma_start3A_51 : memref<125x128xf32, #tpu.memory_space<hbm>>) target_semaphore(%run_scoped3A : memref<!tpu.dma_semaphore, #tpu.memory_space<semaphore_mem>>)
      %dma_wait3A_52 = arith.constant 0 : i32
      %dma_wait3A_53 = tpu.memref_slice %arg4[%add3A_15, %dma_wait3A_52] : memref<20000x128xf32, #tpu.memory_space<hbm>> -> memref<125x128xf32, #tpu.memory_space<hbm>>
      %dma_wait3A_54 = arith.constant 0 : i32
      %dma_wait3A_55 = tpu.memref_slice %arg4[%add3A_15, %dma_wait3A_54] : memref<20000x128xf32, #tpu.memory_space<hbm>> -> memref<125x128xf32, #tpu.memory_space<hbm>>
      tpu.wait_dma2 semaphore(%run_scoped3A : memref<!tpu.dma_semaphore, #tpu.memory_space<semaphore_mem>>) src(%arg7 : memref<125x128xf32, #tpu.memory_space<vmem>>) dst(%dma_wait3A_55 : memref<125x128xf32, #tpu.memory_space<hbm>>)
      tpu.yield
    }) : () -> ()
    %scan3A_16 = arith.constant 0 : i32
    %scan3A_17 = arith.constant 0 : i32
    %scan3A_18 = arith.constant 125 : i32
    %scan3A_19 = arith.addi %scan3A_17, %scan3A_18 : i32
    %scan3A_20 = arith.constant 1 : i32
    scf.for %scan3A_48 = %scan3A_17 to %scan3A_19 step %scan3A_20  : i32 {
      %mul3A_49 = arith.constant 8 : i32
      %mul3A_50 = arith.muli %scan3A_48, %mul3A_49 : i32
      %add3A_51 = arith.constant 1000 : i32
      %add3A_52 = arith.addi %add3A_51, %mul3A_50 : i32
      %add3A_53 = arith.constant 0 : i32
      %add3A_54 = arith.addi %add3A_52, %add3A_53 : i32
      %get3A = arith.index_cast %add3A_54 : i32 to index
      %get3A_55 = arith.constant 0 : index
      %get3A_56 = tpu.vector_load %arg6[%get3A, %get3A_55] {strides = array<i32>} : memref<5000x16xf32, #tpu.memory_space<vmem>>, vector<1x16xf32>,
      %get3A_57 = vector.shape_cast %get3A_56 : vector<1x16xf32> to vector<16xf32>
      %swap3A = arith.index_cast %scan3A_48 : i32 to index
      %swap3A_58 = arith.constant 0 : index
      %swap3A_59 = tpu.vector_load %arg7[%swap3A, %swap3A_58] {strides = array<i32>} : memref<125x128xf32, #tpu.memory_space<vmem>>, vector<1x16xf32>,
      %swap3A_60 = vector.shape_cast %swap3A_59 : vector<1x16xf32> to vector<16xf32>
      %swap3A_61 = vector.shape_cast %get3A_57 : vector<16xf32> to vector<1x16xf32>
      tpu.vector_store %arg7[%swap3A, %swap3A_58], %swap3A_61 {strides = array<i32>} : memref<125x128xf32, #tpu.memory_space<vmem>>, vector<1x16xf32>,
      %mul3A_62 = arith.constant 8 : i32
      %mul3A_63 = arith.muli %scan3A_48, %mul3A_62 : i32
      %add3A_64 = arith.constant 1000 : i32
      %add3A_65 = arith.addi %add3A_64, %mul3A_63 : i32
      %add3A_66 = arith.constant 1 : i32
      %add3A_67 = arith.addi %add3A_65, %add3A_66 : i32
      %get3A_68 = arith.index_cast %add3A_67 : i32 to index
      %get3A_69 = arith.constant 0 : index
      %get3A_70 = tpu.vector_load %arg6[%get3A_68, %get3A_69] {strides = array<i32>} : memref<5000x16xf32, #tpu.memory_space<vmem>>, vector<1x16xf32>,
      %get3A_71 = vector.shape_cast %get3A_70 : vector<1x16xf32> to vector<16xf32>
      %swap3A_72 = arith.index_cast %scan3A_48 : i32 to index
      %swap3A_73 = arith.constant 16 : index
      %swap3A_74 = tpu.vector_load %arg7[%swap3A_72, %swap3A_73] {strides = array<i32>} : memref<125x128xf32, #tpu.memory_space<vmem>>, vector<1x16xf32>,
      %swap3A_75 = vector.shape_cast %swap3A_74 : vector<1x16xf32> to vector<16xf32>
      %swap3A_76 = vector.shape_cast %get3A_71 : vector<16xf32> to vector<1x16xf32>
      tpu.vector_store %arg7[%swap3A_72, %swap3A_73], %swap3A_76 {strides = array<i32>} : memref<125x128xf32, #tpu.memory_space<vmem>>, vector<1x16xf32>,
      %mul3A_77 = arith.constant 8 : i32
      %mul3A_78 = arith.muli %scan3A_48, %mul3A_77 : i32
      %add3A_79 = arith.constant 1000 : i32
      %add3A_80 = arith.addi %add3A_79, %mul3A_78 : i32
      %add3A_81 = arith.constant 2 : i32
      %add3A_82 = arith.addi %add3A_80, %add3A_81 : i32
      %get3A_83 = arith.index_cast %add3A_82 : i32 to index
      %get3A_84 = arith.constant 0 : index
      %get3A_85 = tpu.vector_load %arg6[%get3A_83, %get3A_84] {strides = array<i32>} : memref<5000x16xf32, #tpu.memory_space<vmem>>, vector<1x16xf32>,
      %get3A_86 = vector.shape_cast %get3A_85 : vector<1x16xf32> to vector<16xf32>
      %swap3A_87 = arith.index_cast %scan3A_48 : i32 to index
      %swap3A_88 = arith.constant 32 : index
      %swap3A_89 = tpu.vector_load %arg7[%swap3A_87, %swap3A_88] {strides = array<i32>} : memref<125x128xf32, #tpu.memory_space<vmem>>, vector<1x16xf32>,
      %swap3A_90 = vector.shape_cast %swap3A_89 : vector<1x16xf32> to vector<16xf32>
      %swap3A_91 = vector.shape_cast %get3A_86 : vector<16xf32> to vector<1x16xf32>
      tpu.vector_store %arg7[%swap3A_87, %swap3A_88], %swap3A_91 {strides = array<i32>} : memref<125x128xf32, #tpu.memory_space<vmem>>, vector<1x16xf32>,
      %mul3A_92 = arith.constant 8 : i32
      %mul3A_93 = arith.muli %scan3A_48, %mul3A_92 : i32
      %add3A_94 = arith.constant 1000 : i32
      %add3A_95 = arith.addi %add3A_94, %mul3A_93 : i32
      %add3A_96 = arith.constant 3 : i32
      %add3A_97 = arith.addi %add3A_95, %add3A_96 : i32
      %get3A_98 = arith.index_cast %add3A_97 : i32 to index
      %get3A_99 = arith.constant 0 : index
      %get3A_100 = tpu.vector_load %arg6[%get3A_98, %get3A_99] {strides = array<i32>} : memref<5000x16xf32, #tpu.memory_space<vmem>>, vector<1x16xf32>,
      %get3A_101 = vector.shape_cast %get3A_100 : vector<1x16xf32> to vector<16xf32>
      %swap3A_102 = arith.index_cast %scan3A_48 : i32 to index
      %swap3A_103 = arith.constant 48 : index
      %swap3A_104 = tpu.vector_load %arg7[%swap3A_102, %swap3A_103] {strides = array<i32>} : memref<125x128xf32, #tpu.memory_space<vmem>>, vector<1x16xf32>,
      %swap3A_105 = vector.shape_cast %swap3A_104 : vector<1x16xf32> to vector<16xf32>
      %swap3A_106 = vector.shape_cast %get3A_101 : vector<16xf32> to vector<1x16xf32>
      tpu.vector_store %arg7[%swap3A_102, %swap3A_103], %swap3A_106 {strides = array<i32>} : memref<125x128xf32, #tpu.memory_space<vmem>>, vector<1x16xf32>,
      %mul3A_107 = arith.constant 8 : i32
      %mul3A_108 = arith.muli %scan3A_48, %mul3A_107 : i32
      %add3A_109 = arith.constant 1000 : i32
      %add3A_110 = arith.addi %add3A_109, %mul3A_108 : i32
      %add3A_111 = arith.constant 4 : i32
      %add3A_112 = arith.addi %add3A_110, %add3A_111 : i32
      %get3A_113 = arith.index_cast %add3A_112 : i32 to index
      %get3A_114 = arith.constant 0 : index
      %get3A_115 = tpu.vector_load %arg6[%get3A_113, %get3A_114] {strides = array<i32>} : memref<5000x16xf32, #tpu.memory_space<vmem>>, vector<1x16xf32>,
      %get3A_116 = vector.shape_cast %get3A_115 : vector<1x16xf32> to vector<16xf32>
      %swap3A_117 = arith.index_cast %scan3A_48 : i32 to index
      %swap3A_118 = arith.constant 64 : index
      %swap3A_119 = tpu.vector_load %arg7[%swap3A_117, %swap3A_118] {strides = array<i32>} : memref<125x128xf32, #tpu.memory_space<vmem>>, vector<1x16xf32>,
      %swap3A_120 = vector.shape_cast %swap3A_119 : vector<1x16xf32> to vector<16xf32>
      %swap3A_121 = vector.shape_cast %get3A_116 : vector<16xf32> to vector<1x16xf32>
      tpu.vector_store %arg7[%swap3A_117, %swap3A_118], %swap3A_121 {strides = array<i32>} : memref<125x128xf32, #tpu.memory_space<vmem>>, vector<1x16xf32>,
      %mul3A_122 = arith.constant 8 : i32
      %mul3A_123 = arith.muli %scan3A_48, %mul3A_122 : i32
      %add3A_124 = arith.constant 1000 : i32
      %add3A_125 = arith.addi %add3A_124, %mul3A_123 : i32
      %add3A_126 = arith.constant 5 : i32
      %add3A_127 = arith.addi %add3A_125, %add3A_126 : i32
      %get3A_128 = arith.index_cast %add3A_127 : i32 to index
      %get3A_129 = arith.constant 0 : index
      %get3A_130 = tpu.vector_load %arg6[%get3A_128, %get3A_129] {strides = array<i32>} : memref<5000x16xf32, #tpu.memory_space<vmem>>, vector<1x16xf32>,
      %get3A_131 = vector.shape_cast %get3A_130 : vector<1x16xf32> to vector<16xf32>
      %swap3A_132 = arith.index_cast %scan3A_48 : i32 to index
      %swap3A_133 = arith.constant 80 : index
      %swap3A_134 = tpu.vector_load %arg7[%swap3A_132, %swap3A_133] {strides = array<i32>} : memref<125x128xf32, #tpu.memory_space<vmem>>, vector<1x16xf32>,
      %swap3A_135 = vector.shape_cast %swap3A_134 : vector<1x16xf32> to vector<16xf32>
      %swap3A_136 = vector.shape_cast %get3A_131 : vector<16xf32> to vector<1x16xf32>
      tpu.vector_store %arg7[%swap3A_132, %swap3A_133], %swap3A_136 {strides = array<i32>} : memref<125x128xf32, #tpu.memory_space<vmem>>, vector<1x16xf32>,
      %mul3A_137 = arith.constant 8 : i32
      %mul3A_138 = arith.muli %scan3A_48, %mul3A_137 : i32
      %add3A_139 = arith.constant 1000 : i32
      %add3A_140 = arith.addi %add3A_139, %mul3A_138 : i32
      %add3A_141 = arith.constant 6 : i32
      %add3A_142 = arith.addi %add3A_140, %add3A_141 : i32
      %get3A_143 = arith.index_cast %add3A_142 : i32 to index
      %get3A_144 = arith.constant 0 : index
      %get3A_145 = tpu.vector_load %arg6[%get3A_143, %get3A_144] {strides = array<i32>} : memref<5000x16xf32, #tpu.memory_space<vmem>>, vector<1x16xf32>,
      %get3A_146 = vector.shape_cast %get3A_145 : vector<1x16xf32> to vector<16xf32>
      %swap3A_147 = arith.index_cast %scan3A_48 : i32 to index
      %swap3A_148 = arith.constant 96 : index
      %swap3A_149 = tpu.vector_load %arg7[%swap3A_147, %swap3A_148] {strides = array<i32>} : memref<125x128xf32, #tpu.memory_space<vmem>>, vector<1x16xf32>,
      %swap3A_150 = vector.shape_cast %swap3A_149 : vector<1x16xf32> to vector<16xf32>
      %swap3A_151 = vector.shape_cast %get3A_146 : vector<16xf32> to vector<1x16xf32>
      tpu.vector_store %arg7[%swap3A_147, %swap3A_148], %swap3A_151 {strides = array<i32>} : memref<125x128xf32, #tpu.memory_space<vmem>>, vector<1x16xf32>,
      %mul3A_152 = arith.constant 8 : i32
      %mul3A_153 = arith.muli %scan3A_48, %mul3A_152 : i32
      %add3A_154 = arith.constant 1000 : i32
      %add3A_155 = arith.addi %add3A_154, %mul3A_153 : i32
      %add3A_156 = arith.constant 7 : i32
      %add3A_157 = arith.addi %add3A_155, %add3A_156 : i32
      %get3A_158 = arith.index_cast %add3A_157 : i32 to index
      %get3A_159 = arith.constant 0 : index
      %get3A_160 = tpu.vector_load %arg6[%get3A_158, %get3A_159] {strides = array<i32>} : memref<5000x16xf32, #tpu.memory_space<vmem>>, vector<1x16xf32>,
      %get3A_161 = vector.shape_cast %get3A_160 : vector<1x16xf32> to vector<16xf32>
      %swap3A_162 = arith.index_cast %scan3A_48 : i32 to index
      %swap3A_163 = arith.constant 112 : index
      %swap3A_164 = tpu.vector_load %arg7[%swap3A_162, %swap3A_163] {strides = array<i32>} : memref<125x128xf32, #tpu.memory_space<vmem>>, vector<1x16xf32>,
      %swap3A_165 = vector.shape_cast %swap3A_164 : vector<1x16xf32> to vector<16xf32>
      %swap3A_166 = vector.shape_cast %get3A_161 : vector<16xf32> to vector<1x16xf32>
      tpu.vector_store %arg7[%swap3A_162, %swap3A_163], %swap3A_166 {strides = array<i32>} : memref<125x128xf32, #tpu.memory_space<vmem>>, vector<1x16xf32>,
    }
    %scan3A_21 = arith.constant 125 : i32
    %add3A_22 = arith.constant 125 : i32
    %add3A_23 = arith.addi %mul3A_4, %add3A_22 : i32
    "tpu.region"() ({
      %run_scoped3A = tpu.sem_alloc : memref<!tpu.dma_semaphore, #tpu.memory_space<semaphore_mem>>
      %dma_start3A_48 = arith.constant 0 : i32
      %dma_start3A_49 = tpu.memref_slice %arg4[%add3A_23, %dma_start3A_48] : memref<20000x128xf32, #tpu.memory_space<hbm>> -> memref<125x128xf32, #tpu.memory_space<hbm>>
      %dma_start3A_50 = arith.constant 0 : i32
      %dma_start3A_51 = tpu.memref_slice %arg4[%add3A_23, %dma_start3A_50] : memref<20000x128xf32, #tpu.memory_space<hbm>> -> memref<125x128xf32, #tpu.memory_space<hbm>>
      tpu.enqueue_dma source(%arg7 : memref<125x128xf32, #tpu.memory_space<vmem>>) target(%dma_start3A_51 : memref<125x128xf32, #tpu.memory_space<hbm>>) target_semaphore(%run_scoped3A : memref<!tpu.dma_semaphore, #tpu.memory_space<semaphore_mem>>)
      %dma_wait3A_52 = arith.constant 0 : i32
      %dma_wait3A_53 = tpu.memref_slice %arg4[%add3A_23, %dma_wait3A_52] : memref<20000x128xf32, #tpu.memory_space<hbm>> -> memref<125x128xf32, #tpu.memory_space<hbm>>
      %dma_wait3A_54 = arith.constant 0 : i32
      %dma_wait3A_55 = tpu.memref_slice %arg4[%add3A_23, %dma_wait3A_54] : memref<20000x128xf32, #tpu.memory_space<hbm>> -> memref<125x128xf32, #tpu.memory_space<hbm>>
      tpu.wait_dma2 semaphore(%run_scoped3A : memref<!tpu.dma_semaphore, #tpu.memory_space<semaphore_mem>>) src(%arg7 : memref<125x128xf32, #tpu.memory_space<vmem>>) dst(%dma_wait3A_55 : memref<125x128xf32, #tpu.memory_space<hbm>>)
      tpu.yield
    }) : () -> ()
    %scan3A_24 = arith.constant 0 : i32
    %scan3A_25 = arith.constant 0 : i32
    %scan3A_26 = arith.constant 125 : i32
    %scan3A_27 = arith.addi %scan3A_25, %scan3A_26 : i32
    %scan3A_28 = arith.constant 1 : i32
    scf.for %scan3A_48 = %scan3A_25 to %scan3A_27 step %scan3A_28  : i32 {
      %mul3A_49 = arith.constant 8 : i32
      %mul3A_50 = arith.muli %scan3A_48, %mul3A_49 : i32
      %add3A_51 = arith.constant 2000 : i32
      %add3A_52 = arith.addi %add3A_51, %mul3A_50 : i32
      %add3A_53 = arith.constant 0 : i32
      %add3A_54 = arith.addi %add3A_52, %add3A_53 : i32
      %get3A = arith.index_cast %add3A_54 : i32 to index
      %get3A_55 = arith.constant 0 : index
      %get3A_56 = tpu.vector_load %arg6[%get3A, %get3A_55] {strides = array<i32>} : memref<5000x16xf32, #tpu.memory_space<vmem>>, vector<1x16xf32>,
      %get3A_57 = vector.shape_cast %get3A_56 : vector<1x16xf32> to vector<16xf32>
      %swap3A = arith.index_cast %scan3A_48 : i32 to index
      %swap3A_58 = arith.constant 0 : index
      %swap3A_59 = tpu.vector_load %arg7[%swap3A, %swap3A_58] {strides = array<i32>} : memref<125x128xf32, #tpu.memory_space<vmem>>, vector<1x16xf32>,
      %swap3A_60 = vector.shape_cast %swap3A_59 : vector<1x16xf32> to vector<16xf32>
      %swap3A_61 = vector.shape_cast %get3A_57 : vector<16xf32> to vector<1x16xf32>
      tpu.vector_store %arg7[%swap3A, %swap3A_58], %swap3A_61 {strides = array<i32>} : memref<125x128xf32, #tpu.memory_space<vmem>>, vector<1x16xf32>,
      %mul3A_62 = arith.constant 8 : i32
      %mul3A_63 = arith.muli %scan3A_48, %mul3A_62 : i32
      %add3A_64 = arith.constant 2000 : i32
      %add3A_65 = arith.addi %add3A_64, %mul3A_63 : i32
      %add3A_66 = arith.constant 1 : i32
      %add3A_67 = arith.addi %add3A_65, %add3A_66 : i32
      %get3A_68 = arith.index_cast %add3A_67 : i32 to index
      %get3A_69 = arith.constant 0 : index
      %get3A_70 = tpu.vector_load %arg6[%get3A_68, %get3A_69] {strides = array<i32>} : memref<5000x16xf32, #tpu.memory_space<vmem>>, vector<1x16xf32>,
      %get3A_71 = vector.shape_cast %get3A_70 : vector<1x16xf32> to vector<16xf32>
      %swap3A_72 = arith.index_cast %scan3A_48 : i32 to index
      %swap3A_73 = arith.constant 16 : index
      %swap3A_74 = tpu.vector_load %arg7[%swap3A_72, %swap3A_73] {strides = array<i32>} : memref<125x128xf32, #tpu.memory_space<vmem>>, vector<1x16xf32>,
      %swap3A_75 = vector.shape_cast %swap3A_74 : vector<1x16xf32> to vector<16xf32>
      %swap3A_76 = vector.shape_cast %get3A_71 : vector<16xf32> to vector<1x16xf32>
      tpu.vector_store %arg7[%swap3A_72, %swap3A_73], %swap3A_76 {strides = array<i32>} : memref<125x128xf32, #tpu.memory_space<vmem>>, vector<1x16xf32>,
      %mul3A_77 = arith.constant 8 : i32
      %mul3A_78 = arith.muli %scan3A_48, %mul3A_77 : i32
      %add3A_79 = arith.constant 2000 : i32
      %add3A_80 = arith.addi %add3A_79, %mul3A_78 : i32
      %add3A_81 = arith.constant 2 : i32
      %add3A_82 = arith.addi %add3A_80, %add3A_81 : i32
      %get3A_83 = arith.index_cast %add3A_82 : i32 to index
      %get3A_84 = arith.constant 0 : index
      %get3A_85 = tpu.vector_load %arg6[%get3A_83, %get3A_84] {strides = array<i32>} : memref<5000x16xf32, #tpu.memory_space<vmem>>, vector<1x16xf32>,
      %get3A_86 = vector.shape_cast %get3A_85 : vector<1x16xf32> to vector<16xf32>
      %swap3A_87 = arith.index_cast %scan3A_48 : i32 to index
      %swap3A_88 = arith.constant 32 : index
      %swap3A_89 = tpu.vector_load %arg7[%swap3A_87, %swap3A_88] {strides = array<i32>} : memref<125x128xf32, #tpu.memory_space<vmem>>, vector<1x16xf32>,
      %swap3A_90 = vector.shape_cast %swap3A_89 : vector<1x16xf32> to vector<16xf32>
      %swap3A_91 = vector.shape_cast %get3A_86 : vector<16xf32> to vector<1x16xf32>
      tpu.vector_store %arg7[%swap3A_87, %swap3A_88], %swap3A_91 {strides = array<i32>} : memref<125x128xf32, #tpu.memory_space<vmem>>, vector<1x16xf32>,
      %mul3A_92 = arith.constant 8 : i32
      %mul3A_93 = arith.muli %scan3A_48, %mul3A_92 : i32
      %add3A_94 = arith.constant 2000 : i32
      %add3A_95 = arith.addi %add3A_94, %mul3A_93 : i32
      %add3A_96 = arith.constant 3 : i32
      %add3A_97 = arith.addi %add3A_95, %add3A_96 : i32
      %get3A_98 = arith.index_cast %add3A_97 : i32 to index
      %get3A_99 = arith.constant 0 : index
      %get3A_100 = tpu.vector_load %arg6[%get3A_98, %get3A_99] {strides = array<i32>} : memref<5000x16xf32, #tpu.memory_space<vmem>>, vector<1x16xf32>,
      %get3A_101 = vector.shape_cast %get3A_100 : vector<1x16xf32> to vector<16xf32>
      %swap3A_102 = arith.index_cast %scan3A_48 : i32 to index
      %swap3A_103 = arith.constant 48 : index
      %swap3A_104 = tpu.vector_load %arg7[%swap3A_102, %swap3A_103] {strides = array<i32>} : memref<125x128xf32, #tpu.memory_space<vmem>>, vector<1x16xf32>,
      %swap3A_105 = vector.shape_cast %swap3A_104 : vector<1x16xf32> to vector<16xf32>
      %swap3A_106 = vector.shape_cast %get3A_101 : vector<16xf32> to vector<1x16xf32>
      tpu.vector_store %arg7[%swap3A_102, %swap3A_103], %swap3A_106 {strides = array<i32>} : memref<125x128xf32, #tpu.memory_space<vmem>>, vector<1x16xf32>,
      %mul3A_107 = arith.constant 8 : i32
      %mul3A_108 = arith.muli %scan3A_48, %mul3A_107 : i32
      %add3A_109 = arith.constant 2000 : i32
      %add3A_110 = arith.addi %add3A_109, %mul3A_108 : i32
      %add3A_111 = arith.constant 4 : i32
      %add3A_112 = arith.addi %add3A_110, %add3A_111 : i32
      %get3A_113 = arith.index_cast %add3A_112 : i32 to index
      %get3A_114 = arith.constant 0 : index
      %get3A_115 = tpu.vector_load %arg6[%get3A_113, %get3A_114] {strides = array<i32>} : memref<5000x16xf32, #tpu.memory_space<vmem>>, vector<1x16xf32>,
      %get3A_116 = vector.shape_cast %get3A_115 : vector<1x16xf32> to vector<16xf32>
      %swap3A_117 = arith.index_cast %scan3A_48 : i32 to index
      %swap3A_118 = arith.constant 64 : index
      %swap3A_119 = tpu.vector_load %arg7[%swap3A_117, %swap3A_118] {strides = array<i32>} : memref<125x128xf32, #tpu.memory_space<vmem>>, vector<1x16xf32>,
      %swap3A_120 = vector.shape_cast %swap3A_119 : vector<1x16xf32> to vector<16xf32>
      %swap3A_121 = vector.shape_cast %get3A_116 : vector<16xf32> to vector<1x16xf32>
      tpu.vector_store %arg7[%swap3A_117, %swap3A_118], %swap3A_121 {strides = array<i32>} : memref<125x128xf32, #tpu.memory_space<vmem>>, vector<1x16xf32>,
      %mul3A_122 = arith.constant 8 : i32
      %mul3A_123 = arith.muli %scan3A_48, %mul3A_122 : i32
      %add3A_124 = arith.constant 2000 : i32
      %add3A_125 = arith.addi %add3A_124, %mul3A_123 : i32
      %add3A_126 = arith.constant 5 : i32
      %add3A_127 = arith.addi %add3A_125, %add3A_126 : i32
      %get3A_128 = arith.index_cast %add3A_127 : i32 to index
      %get3A_129 = arith.constant 0 : index
      %get3A_130 = tpu.vector_load %arg6[%get3A_128, %get3A_129] {strides = array<i32>} : memref<5000x16xf32, #tpu.memory_space<vmem>>, vector<1x16xf32>,
      %get3A_131 = vector.shape_cast %get3A_130 : vector<1x16xf32> to vector<16xf32>
      %swap3A_132 = arith.index_cast %scan3A_48 : i32 to index
      %swap3A_133 = arith.constant 80 : index
      %swap3A_134 = tpu.vector_load %arg7[%swap3A_132, %swap3A_133] {strides = array<i32>} : memref<125x128xf32, #tpu.memory_space<vmem>>, vector<1x16xf32>,
      %swap3A_135 = vector.shape_cast %swap3A_134 : vector<1x16xf32> to vector<16xf32>
      %swap3A_136 = vector.shape_cast %get3A_131 : vector<16xf32> to vector<1x16xf32>
      tpu.vector_store %arg7[%swap3A_132, %swap3A_133], %swap3A_136 {strides = array<i32>} : memref<125x128xf32, #tpu.memory_space<vmem>>, vector<1x16xf32>,
      %mul3A_137 = arith.constant 8 : i32
      %mul3A_138 = arith.muli %scan3A_48, %mul3A_137 : i32
      %add3A_139 = arith.constant 2000 : i32
      %add3A_140 = arith.addi %add3A_139, %mul3A_138 : i32
      %add3A_141 = arith.constant 6 : i32
      %add3A_142 = arith.addi %add3A_140, %add3A_141 : i32
      %get3A_143 = arith.index_cast %add3A_142 : i32 to index
      %get3A_144 = arith.constant 0 : index
      %get3A_145 = tpu.vector_load %arg6[%get3A_143, %get3A_144] {strides = array<i32>} : memref<5000x16xf32, #tpu.memory_space<vmem>>, vector<1x16xf32>,
      %get3A_146 = vector.shape_cast %get3A_145 : vector<1x16xf32> to vector<16xf32>
      %swap3A_147 = arith.index_cast %scan3A_48 : i32 to index
      %swap3A_148 = arith.constant 96 : index
      %swap3A_149 = tpu.vector_load %arg7[%swap3A_147, %swap3A_148] {strides = array<i32>} : memref<125x128xf32, #tpu.memory_space<vmem>>, vector<1x16xf32>,
      %swap3A_150 = vector.shape_cast %swap3A_149 : vector<1x16xf32> to vector<16xf32>
      %swap3A_151 = vector.shape_cast %get3A_146 : vector<16xf32> to vector<1x16xf32>
      tpu.vector_store %arg7[%swap3A_147, %swap3A_148], %swap3A_151 {strides = array<i32>} : memref<125x128xf32, #tpu.memory_space<vmem>>, vector<1x16xf32>,
      %mul3A_152 = arith.constant 8 : i32
      %mul3A_153 = arith.muli %scan3A_48, %mul3A_152 : i32
      %add3A_154 = arith.constant 2000 : i32
      %add3A_155 = arith.addi %add3A_154, %mul3A_153 : i32
      %add3A_156 = arith.constant 7 : i32
      %add3A_157 = arith.addi %add3A_155, %add3A_156 : i32
      %get3A_158 = arith.index_cast %add3A_157 : i32 to index
      %get3A_159 = arith.constant 0 : index
      %get3A_160 = tpu.vector_load %arg6[%get3A_158, %get3A_159] {strides = array<i32>} : memref<5000x16xf32, #tpu.memory_space<vmem>>, vector<1x16xf32>,
      %get3A_161 = vector.shape_cast %get3A_160 : vector<1x16xf32> to vector<16xf32>
      %swap3A_162 = arith.index_cast %scan3A_48 : i32 to index
      %swap3A_163 = arith.constant 112 : index
      %swap3A_164 = tpu.vector_load %arg7[%swap3A_162, %swap3A_163] {strides = array<i32>} : memref<125x128xf32, #tpu.memory_space<vmem>>, vector<1x16xf32>,
      %swap3A_165 = vector.shape_cast %swap3A_164 : vector<1x16xf32> to vector<16xf32>
      %swap3A_166 = vector.shape_cast %get3A_161 : vector<16xf32> to vector<1x16xf32>
      tpu.vector_store %arg7[%swap3A_162, %swap3A_163], %swap3A_166 {strides = array<i32>} : memref<125x128xf32, #tpu.memory_space<vmem>>, vector<1x16xf32>,
    }
    %scan3A_29 = arith.constant 125 : i32
    %add3A_30 = arith.constant 250 : i32
    %add3A_31 = arith.addi %mul3A_4, %add3A_30 : i32
    "tpu.region"() ({
      %run_scoped3A = tpu.sem_alloc : memref<!tpu.dma_semaphore, #tpu.memory_space<semaphore_mem>>
      %dma_start3A_48 = arith.constant 0 : i32
      %dma_start3A_49 = tpu.memref_slice %arg4[%add3A_31, %dma_start3A_48] : memref<20000x128xf32, #tpu.memory_space<hbm>> -> memref<125x128xf32, #tpu.memory_space<hbm>>
      %dma_start3A_50 = arith.constant 0 : i32
      %dma_start3A_51 = tpu.memref_slice %arg4[%add3A_31, %dma_start3A_50] : memref<20000x128xf32, #tpu.memory_space<hbm>> -> memref<125x128xf32, #tpu.memory_space<hbm>>
      tpu.enqueue_dma source(%arg7 : memref<125x128xf32, #tpu.memory_space<vmem>>) target(%dma_start3A_51 : memref<125x128xf32, #tpu.memory_space<hbm>>) target_semaphore(%run_scoped3A : memref<!tpu.dma_semaphore, #tpu.memory_space<semaphore_mem>>)
      %dma_wait3A_52 = arith.constant 0 : i32
      %dma_wait3A_53 = tpu.memref_slice %arg4[%add3A_31, %dma_wait3A_52] : memref<20000x128xf32, #tpu.memory_space<hbm>> -> memref<125x128xf32, #tpu.memory_space<hbm>>
      %dma_wait3A_54 = arith.constant 0 : i32
      %dma_wait3A_55 = tpu.memref_slice %arg4[%add3A_31, %dma_wait3A_54] : memref<20000x128xf32, #tpu.memory_space<hbm>> -> memref<125x128xf32, #tpu.memory_space<hbm>>
      tpu.wait_dma2 semaphore(%run_scoped3A : memref<!tpu.dma_semaphore, #tpu.memory_space<semaphore_mem>>) src(%arg7 : memref<125x128xf32, #tpu.memory_space<vmem>>) dst(%dma_wait3A_55 : memref<125x128xf32, #tpu.memory_space<hbm>>)
      tpu.yield
    }) : () -> ()
    %scan3A_32 = arith.constant 0 : i32
    %scan3A_33 = arith.constant 0 : i32
    %scan3A_34 = arith.constant 125 : i32
    %scan3A_35 = arith.addi %scan3A_33, %scan3A_34 : i32
    %scan3A_36 = arith.constant 1 : i32
    scf.for %scan3A_48 = %scan3A_33 to %scan3A_35 step %scan3A_36  : i32 {
      %mul3A_49 = arith.constant 8 : i32
      %mul3A_50 = arith.muli %scan3A_48, %mul3A_49 : i32
      %add3A_51 = arith.constant 3000 : i32
      %add3A_52 = arith.addi %add3A_51, %mul3A_50 : i32
      %add3A_53 = arith.constant 0 : i32
      %add3A_54 = arith.addi %add3A_52, %add3A_53 : i32
      %get3A = arith.index_cast %add3A_54 : i32 to index
      %get3A_55 = arith.constant 0 : index
      %get3A_56 = tpu.vector_load %arg6[%get3A, %get3A_55] {strides = array<i32>} : memref<5000x16xf32, #tpu.memory_space<vmem>>, vector<1x16xf32>,
      %get3A_57 = vector.shape_cast %get3A_56 : vector<1x16xf32> to vector<16xf32>
      %swap3A = arith.index_cast %scan3A_48 : i32 to index
      %swap3A_58 = arith.constant 0 : index
      %swap3A_59 = tpu.vector_load %arg7[%swap3A, %swap3A_58] {strides = array<i32>} : memref<125x128xf32, #tpu.memory_space<vmem>>, vector<1x16xf32>,
      %swap3A_60 = vector.shape_cast %swap3A_59 : vector<1x16xf32> to vector<16xf32>
      %swap3A_61 = vector.shape_cast %get3A_57 : vector<16xf32> to vector<1x16xf32>
      tpu.vector_store %arg7[%swap3A, %swap3A_58], %swap3A_61 {strides = array<i32>} : memref<125x128xf32, #tpu.memory_space<vmem>>, vector<1x16xf32>,
      %mul3A_62 = arith.constant 8 : i32
      %mul3A_63 = arith.muli %scan3A_48, %mul3A_62 : i32
      %add3A_64 = arith.constant 3000 : i32
      %add3A_65 = arith.addi %add3A_64, %mul3A_63 : i32
      %add3A_66 = arith.constant 1 : i32
      %add3A_67 = arith.addi %add3A_65, %add3A_66 : i32
      %get3A_68 = arith.index_cast %add3A_67 : i32 to index
      %get3A_69 = arith.constant 0 : index
      %get3A_70 = tpu.vector_load %arg6[%get3A_68, %get3A_69] {strides = array<i32>} : memref<5000x16xf32, #tpu.memory_space<vmem>>, vector<1x16xf32>,
      %get3A_71 = vector.shape_cast %get3A_70 : vector<1x16xf32> to vector<16xf32>
      %swap3A_72 = arith.index_cast %scan3A_48 : i32 to index
      %swap3A_73 = arith.constant 16 : index
      %swap3A_74 = tpu.vector_load %arg7[%swap3A_72, %swap3A_73] {strides = array<i32>} : memref<125x128xf32, #tpu.memory_space<vmem>>, vector<1x16xf32>,
      %swap3A_75 = vector.shape_cast %swap3A_74 : vector<1x16xf32> to vector<16xf32>
      %swap3A_76 = vector.shape_cast %get3A_71 : vector<16xf32> to vector<1x16xf32>
      tpu.vector_store %arg7[%swap3A_72, %swap3A_73], %swap3A_76 {strides = array<i32>} : memref<125x128xf32, #tpu.memory_space<vmem>>, vector<1x16xf32>,
      %mul3A_77 = arith.constant 8 : i32
      %mul3A_78 = arith.muli %scan3A_48, %mul3A_77 : i32
      %add3A_79 = arith.constant 3000 : i32
      %add3A_80 = arith.addi %add3A_79, %mul3A_78 : i32
      %add3A_81 = arith.constant 2 : i32
      %add3A_82 = arith.addi %add3A_80, %add3A_81 : i32
      %get3A_83 = arith.index_cast %add3A_82 : i32 to index
      %get3A_84 = arith.constant 0 : index
      %get3A_85 = tpu.vector_load %arg6[%get3A_83, %get3A_84] {strides = array<i32>} : memref<5000x16xf32, #tpu.memory_space<vmem>>, vector<1x16xf32>,
      %get3A_86 = vector.shape_cast %get3A_85 : vector<1x16xf32> to vector<16xf32>
      %swap3A_87 = arith.index_cast %scan3A_48 : i32 to index
      %swap3A_88 = arith.constant 32 : index
      %swap3A_89 = tpu.vector_load %arg7[%swap3A_87, %swap3A_88] {strides = array<i32>} : memref<125x128xf32, #tpu.memory_space<vmem>>, vector<1x16xf32>,
      %swap3A_90 = vector.shape_cast %swap3A_89 : vector<1x16xf32> to vector<16xf32>
      %swap3A_91 = vector.shape_cast %get3A_86 : vector<16xf32> to vector<1x16xf32>
      tpu.vector_store %arg7[%swap3A_87, %swap3A_88], %swap3A_91 {strides = array<i32>} : memref<125x128xf32, #tpu.memory_space<vmem>>, vector<1x16xf32>,
      %mul3A_92 = arith.constant 8 : i32
      %mul3A_93 = arith.muli %scan3A_48, %mul3A_92 : i32
      %add3A_94 = arith.constant 3000 : i32
      %add3A_95 = arith.addi %add3A_94, %mul3A_93 : i32
      %add3A_96 = arith.constant 3 : i32
      %add3A_97 = arith.addi %add3A_95, %add3A_96 : i32
      %get3A_98 = arith.index_cast %add3A_97 : i32 to index
      %get3A_99 = arith.constant 0 : index
      %get3A_100 = tpu.vector_load %arg6[%get3A_98, %get3A_99] {strides = array<i32>} : memref<5000x16xf32, #tpu.memory_space<vmem>>, vector<1x16xf32>,
      %get3A_101 = vector.shape_cast %get3A_100 : vector<1x16xf32> to vector<16xf32>
      %swap3A_102 = arith.index_cast %scan3A_48 : i32 to index
      %swap3A_103 = arith.constant 48 : index
      %swap3A_104 = tpu.vector_load %arg7[%swap3A_102, %swap3A_103] {strides = array<i32>} : memref<125x128xf32, #tpu.memory_space<vmem>>, vector<1x16xf32>,
      %swap3A_105 = vector.shape_cast %swap3A_104 : vector<1x16xf32> to vector<16xf32>
      %swap3A_106 = vector.shape_cast %get3A_101 : vector<16xf32> to vector<1x16xf32>
      tpu.vector_store %arg7[%swap3A_102, %swap3A_103], %swap3A_106 {strides = array<i32>} : memref<125x128xf32, #tpu.memory_space<vmem>>, vector<1x16xf32>,
      %mul3A_107 = arith.constant 8 : i32
      %mul3A_108 = arith.muli %scan3A_48, %mul3A_107 : i32
      %add3A_109 = arith.constant 3000 : i32
      %add3A_110 = arith.addi %add3A_109, %mul3A_108 : i32
      %add3A_111 = arith.constant 4 : i32
      %add3A_112 = arith.addi %add3A_110, %add3A_111 : i32
      %get3A_113 = arith.index_cast %add3A_112 : i32 to index
      %get3A_114 = arith.constant 0 : index
      %get3A_115 = tpu.vector_load %arg6[%get3A_113, %get3A_114] {strides = array<i32>} : memref<5000x16xf32, #tpu.memory_space<vmem>>, vector<1x16xf32>,
      %get3A_116 = vector.shape_cast %get3A_115 : vector<1x16xf32> to vector<16xf32>
      %swap3A_117 = arith.index_cast %scan3A_48 : i32 to index
      %swap3A_118 = arith.constant 64 : index
      %swap3A_119 = tpu.vector_load %arg7[%swap3A_117, %swap3A_118] {strides = array<i32>} : memref<125x128xf32, #tpu.memory_space<vmem>>, vector<1x16xf32>,
      %swap3A_120 = vector.shape_cast %swap3A_119 : vector<1x16xf32> to vector<16xf32>
      %swap3A_121 = vector.shape_cast %get3A_116 : vector<16xf32> to vector<1x16xf32>
      tpu.vector_store %arg7[%swap3A_117, %swap3A_118], %swap3A_121 {strides = array<i32>} : memref<125x128xf32, #tpu.memory_space<vmem>>, vector<1x16xf32>,
      %mul3A_122 = arith.constant 8 : i32
      %mul3A_123 = arith.muli %scan3A_48, %mul3A_122 : i32
      %add3A_124 = arith.constant 3000 : i32
      %add3A_125 = arith.addi %add3A_124, %mul3A_123 : i32
      %add3A_126 = arith.constant 5 : i32
      %add3A_127 = arith.addi %add3A_125, %add3A_126 : i32
      %get3A_128 = arith.index_cast %add3A_127 : i32 to index
      %get3A_129 = arith.constant 0 : index
      %get3A_130 = tpu.vector_load %arg6[%get3A_128, %get3A_129] {strides = array<i32>} : memref<5000x16xf32, #tpu.memory_space<vmem>>, vector<1x16xf32>,
      %get3A_131 = vector.shape_cast %get3A_130 : vector<1x16xf32> to vector<16xf32>
      %swap3A_132 = arith.index_cast %scan3A_48 : i32 to index
      %swap3A_133 = arith.constant 80 : index
      %swap3A_134 = tpu.vector_load %arg7[%swap3A_132, %swap3A_133] {strides = array<i32>} : memref<125x128xf32, #tpu.memory_space<vmem>>, vector<1x16xf32>,
      %swap3A_135 = vector.shape_cast %swap3A_134 : vector<1x16xf32> to vector<16xf32>
      %swap3A_136 = vector.shape_cast %get3A_131 : vector<16xf32> to vector<1x16xf32>
      tpu.vector_store %arg7[%swap3A_132, %swap3A_133], %swap3A_136 {strides = array<i32>} : memref<125x128xf32, #tpu.memory_space<vmem>>, vector<1x16xf32>,
      %mul3A_137 = arith.constant 8 : i32
      %mul3A_138 = arith.muli %scan3A_48, %mul3A_137 : i32
      %add3A_139 = arith.constant 3000 : i32
      %add3A_140 = arith.addi %add3A_139, %mul3A_138 : i32
      %add3A_141 = arith.constant 6 : i32
      %add3A_142 = arith.addi %add3A_140, %add3A_141 : i32
      %get3A_143 = arith.index_cast %add3A_142 : i32 to index
      %get3A_144 = arith.constant 0 : index
      %get3A_145 = tpu.vector_load %arg6[%get3A_143, %get3A_144] {strides = array<i32>} : memref<5000x16xf32, #tpu.memory_space<vmem>>, vector<1x16xf32>,
      %get3A_146 = vector.shape_cast %get3A_145 : vector<1x16xf32> to vector<16xf32>
      %swap3A_147 = arith.index_cast %scan3A_48 : i32 to index
      %swap3A_148 = arith.constant 96 : index
      %swap3A_149 = tpu.vector_load %arg7[%swap3A_147, %swap3A_148] {strides = array<i32>} : memref<125x128xf32, #tpu.memory_space<vmem>>, vector<1x16xf32>,
      %swap3A_150 = vector.shape_cast %swap3A_149 : vector<1x16xf32> to vector<16xf32>
      %swap3A_151 = vector.shape_cast %get3A_146 : vector<16xf32> to vector<1x16xf32>
      tpu.vector_store %arg7[%swap3A_147, %swap3A_148], %swap3A_151 {strides = array<i32>} : memref<125x128xf32, #tpu.memory_space<vmem>>, vector<1x16xf32>,
      %mul3A_152 = arith.constant 8 : i32
      %mul3A_153 = arith.muli %scan3A_48, %mul3A_152 : i32
      %add3A_154 = arith.constant 3000 : i32
      %add3A_155 = arith.addi %add3A_154, %mul3A_153 : i32
      %add3A_156 = arith.constant 7 : i32
      %add3A_157 = arith.addi %add3A_155, %add3A_156 : i32
      %get3A_158 = arith.index_cast %add3A_157 : i32 to index
      %get3A_159 = arith.constant 0 : index
      %get3A_160 = tpu.vector_load %arg6[%get3A_158, %get3A_159] {strides = array<i32>} : memref<5000x16xf32, #tpu.memory_space<vmem>>, vector<1x16xf32>,
      %get3A_161 = vector.shape_cast %get3A_160 : vector<1x16xf32> to vector<16xf32>
      %swap3A_162 = arith.index_cast %scan3A_48 : i32 to index
      %swap3A_163 = arith.constant 112 : index
      %swap3A_164 = tpu.vector_load %arg7[%swap3A_162, %swap3A_163] {strides = array<i32>} : memref<125x128xf32, #tpu.memory_space<vmem>>, vector<1x16xf32>,
      %swap3A_165 = vector.shape_cast %swap3A_164 : vector<1x16xf32> to vector<16xf32>
      %swap3A_166 = vector.shape_cast %get3A_161 : vector<16xf32> to vector<1x16xf32>
      tpu.vector_store %arg7[%swap3A_162, %swap3A_163], %swap3A_166 {strides = array<i32>} : memref<125x128xf32, #tpu.memory_space<vmem>>, vector<1x16xf32>,
    }
    %scan3A_37 = arith.constant 125 : i32
    %add3A_38 = arith.constant 375 : i32
    %add3A_39 = arith.addi %mul3A_4, %add3A_38 : i32
    "tpu.region"() ({
      %run_scoped3A = tpu.sem_alloc : memref<!tpu.dma_semaphore, #tpu.memory_space<semaphore_mem>>
      %dma_start3A_48 = arith.constant 0 : i32
      %dma_start3A_49 = tpu.memref_slice %arg4[%add3A_39, %dma_start3A_48] : memref<20000x128xf32, #tpu.memory_space<hbm>> -> memref<125x128xf32, #tpu.memory_space<hbm>>
      %dma_start3A_50 = arith.constant 0 : i32
      %dma_start3A_51 = tpu.memref_slice %arg4[%add3A_39, %dma_start3A_50] : memref<20000x128xf32, #tpu.memory_space<hbm>> -> memref<125x128xf32, #tpu.memory_space<hbm>>
      tpu.enqueue_dma source(%arg7 : memref<125x128xf32, #tpu.memory_space<vmem>>) target(%dma_start3A_51 : memref<125x128xf32, #tpu.memory_space<hbm>>) target_semaphore(%run_scoped3A : memref<!tpu.dma_semaphore, #tpu.memory_space<semaphore_mem>>)
      %dma_wait3A_52 = arith.constant 0 : i32
      %dma_wait3A_53 = tpu.memref_slice %arg4[%add3A_39, %dma_wait3A_52] : memref<20000x128xf32, #tpu.memory_space<hbm>> -> memref<125x128xf32, #tpu.memory_space<hbm>>
      %dma_wait3A_54 = arith.constant 0 : i32
      %dma_wait3A_55 = tpu.memref_slice %arg4[%add3A_39, %dma_wait3A_54] : memref<20000x128xf32, #tpu.memory_space<hbm>> -> memref<125x128xf32, #tpu.memory_space<hbm>>
      tpu.wait_dma2 semaphore(%run_scoped3A : memref<!tpu.dma_semaphore, #tpu.memory_space<semaphore_mem>>) src(%arg7 : memref<125x128xf32, #tpu.memory_space<vmem>>) dst(%dma_wait3A_55 : memref<125x128xf32, #tpu.memory_space<hbm>>)
      tpu.yield
    }) : () -> ()
    %scan3A_40 = arith.constant 0 : i32
    %scan3A_41 = arith.constant 0 : i32
    %scan3A_42 = arith.constant 125 : i32
    %scan3A_43 = arith.addi %scan3A_41, %scan3A_42 : i32
    %scan3A_44 = arith.constant 1 : i32
    scf.for %scan3A_48 = %scan3A_41 to %scan3A_43 step %scan3A_44  : i32 {
      %mul3A_49 = arith.constant 8 : i32
      %mul3A_50 = arith.muli %scan3A_48, %mul3A_49 : i32
      %add3A_51 = arith.constant 4000 : i32
      %add3A_52 = arith.addi %add3A_51, %mul3A_50 : i32
      %add3A_53 = arith.constant 0 : i32
      %add3A_54 = arith.addi %add3A_52, %add3A_53 : i32
      %get3A = arith.index_cast %add3A_54 : i32 to index
      %get3A_55 = arith.constant 0 : index
      %get3A_56 = tpu.vector_load %arg6[%get3A, %get3A_55] {strides = array<i32>} : memref<5000x16xf32, #tpu.memory_space<vmem>>, vector<1x16xf32>,
      %get3A_57 = vector.shape_cast %get3A_56 : vector<1x16xf32> to vector<16xf32>
      %swap3A = arith.index_cast %scan3A_48 : i32 to index
      %swap3A_58 = arith.constant 0 : index
      %swap3A_59 = tpu.vector_load %arg7[%swap3A, %swap3A_58] {strides = array<i32>} : memref<125x128xf32, #tpu.memory_space<vmem>>, vector<1x16xf32>,
      %swap3A_60 = vector.shape_cast %swap3A_59 : vector<1x16xf32> to vector<16xf32>
      %swap3A_61 = vector.shape_cast %get3A_57 : vector<16xf32> to vector<1x16xf32>
      tpu.vector_store %arg7[%swap3A, %swap3A_58], %swap3A_61 {strides = array<i32>} : memref<125x128xf32, #tpu.memory_space<vmem>>, vector<1x16xf32>,
      %mul3A_62 = arith.constant 8 : i32
      %mul3A_63 = arith.muli %scan3A_48, %mul3A_62 : i32
      %add3A_64 = arith.constant 4000 : i32
      %add3A_65 = arith.addi %add3A_64, %mul3A_63 : i32
      %add3A_66 = arith.constant 1 : i32
      %add3A_67 = arith.addi %add3A_65, %add3A_66 : i32
      %get3A_68 = arith.index_cast %add3A_67 : i32 to index
      %get3A_69 = arith.constant 0 : index
      %get3A_70 = tpu.vector_load %arg6[%get3A_68, %get3A_69] {strides = array<i32>} : memref<5000x16xf32, #tpu.memory_space<vmem>>, vector<1x16xf32>,
      %get3A_71 = vector.shape_cast %get3A_70 : vector<1x16xf32> to vector<16xf32>
      %swap3A_72 = arith.index_cast %scan3A_48 : i32 to index
      %swap3A_73 = arith.constant 16 : index
      %swap3A_74 = tpu.vector_load %arg7[%swap3A_72, %swap3A_73] {strides = array<i32>} : memref<125x128xf32, #tpu.memory_space<vmem>>, vector<1x16xf32>,
      %swap3A_75 = vector.shape_cast %swap3A_74 : vector<1x16xf32> to vector<16xf32>
      %swap3A_76 = vector.shape_cast %get3A_71 : vector<16xf32> to vector<1x16xf32>
      tpu.vector_store %arg7[%swap3A_72, %swap3A_73], %swap3A_76 {strides = array<i32>} : memref<125x128xf32, #tpu.memory_space<vmem>>, vector<1x16xf32>,
      %mul3A_77 = arith.constant 8 : i32
      %mul3A_78 = arith.muli %scan3A_48, %mul3A_77 : i32
      %add3A_79 = arith.constant 4000 : i32
      %add3A_80 = arith.addi %add3A_79, %mul3A_78 : i32
      %add3A_81 = arith.constant 2 : i32
      %add3A_82 = arith.addi %add3A_80, %add3A_81 : i32
      %get3A_83 = arith.index_cast %add3A_82 : i32 to index
      %get3A_84 = arith.constant 0 : index
      %get3A_85 = tpu.vector_load %arg6[%get3A_83, %get3A_84] {strides = array<i32>} : memref<5000x16xf32, #tpu.memory_space<vmem>>, vector<1x16xf32>,
      %get3A_86 = vector.shape_cast %get3A_85 : vector<1x16xf32> to vector<16xf32>
      %swap3A_87 = arith.index_cast %scan3A_48 : i32 to index
      %swap3A_88 = arith.constant 32 : index
      %swap3A_89 = tpu.vector_load %arg7[%swap3A_87, %swap3A_88] {strides = array<i32>} : memref<125x128xf32, #tpu.memory_space<vmem>>, vector<1x16xf32>,
      %swap3A_90 = vector.shape_cast %swap3A_89 : vector<1x16xf32> to vector<16xf32>
      %swap3A_91 = vector.shape_cast %get3A_86 : vector<16xf32> to vector<1x16xf32>
      tpu.vector_store %arg7[%swap3A_87, %swap3A_88], %swap3A_91 {strides = array<i32>} : memref<125x128xf32, #tpu.memory_space<vmem>>, vector<1x16xf32>,
      %mul3A_92 = arith.constant 8 : i32
      %mul3A_93 = arith.muli %scan3A_48, %mul3A_92 : i32
      %add3A_94 = arith.constant 4000 : i32
      %add3A_95 = arith.addi %add3A_94, %mul3A_93 : i32
      %add3A_96 = arith.constant 3 : i32
      %add3A_97 = arith.addi %add3A_95, %add3A_96 : i32
      %get3A_98 = arith.index_cast %add3A_97 : i32 to index
      %get3A_99 = arith.constant 0 : index
      %get3A_100 = tpu.vector_load %arg6[%get3A_98, %get3A_99] {strides = array<i32>} : memref<5000x16xf32, #tpu.memory_space<vmem>>, vector<1x16xf32>,
      %get3A_101 = vector.shape_cast %get3A_100 : vector<1x16xf32> to vector<16xf32>
      %swap3A_102 = arith.index_cast %scan3A_48 : i32 to index
      %swap3A_103 = arith.constant 48 : index
      %swap3A_104 = tpu.vector_load %arg7[%swap3A_102, %swap3A_103] {strides = array<i32>} : memref<125x128xf32, #tpu.memory_space<vmem>>, vector<1x16xf32>,
      %swap3A_105 = vector.shape_cast %swap3A_104 : vector<1x16xf32> to vector<16xf32>
      %swap3A_106 = vector.shape_cast %get3A_101 : vector<16xf32> to vector<1x16xf32>
      tpu.vector_store %arg7[%swap3A_102, %swap3A_103], %swap3A_106 {strides = array<i32>} : memref<125x128xf32, #tpu.memory_space<vmem>>, vector<1x16xf32>,
      %mul3A_107 = arith.constant 8 : i32
      %mul3A_108 = arith.muli %scan3A_48, %mul3A_107 : i32
      %add3A_109 = arith.constant 4000 : i32
      %add3A_110 = arith.addi %add3A_109, %mul3A_108 : i32
      %add3A_111 = arith.constant 4 : i32
      %add3A_112 = arith.addi %add3A_110, %add3A_111 : i32
      %get3A_113 = arith.index_cast %add3A_112 : i32 to index
      %get3A_114 = arith.constant 0 : index
      %get3A_115 = tpu.vector_load %arg6[%get3A_113, %get3A_114] {strides = array<i32>} : memref<5000x16xf32, #tpu.memory_space<vmem>>, vector<1x16xf32>,
      %get3A_116 = vector.shape_cast %get3A_115 : vector<1x16xf32> to vector<16xf32>
      %swap3A_117 = arith.index_cast %scan3A_48 : i32 to index
      %swap3A_118 = arith.constant 64 : index
      %swap3A_119 = tpu.vector_load %arg7[%swap3A_117, %swap3A_118] {strides = array<i32>} : memref<125x128xf32, #tpu.memory_space<vmem>>, vector<1x16xf32>,
      %swap3A_120 = vector.shape_cast %swap3A_119 : vector<1x16xf32> to vector<16xf32>
      %swap3A_121 = vector.shape_cast %get3A_116 : vector<16xf32> to vector<1x16xf32>
      tpu.vector_store %arg7[%swap3A_117, %swap3A_118], %swap3A_121 {strides = array<i32>} : memref<125x128xf32, #tpu.memory_space<vmem>>, vector<1x16xf32>,
      %mul3A_122 = arith.constant 8 : i32
      %mul3A_123 = arith.muli %scan3A_48, %mul3A_122 : i32
      %add3A_124 = arith.constant 4000 : i32
      %add3A_125 = arith.addi %add3A_124, %mul3A_123 : i32
      %add3A_126 = arith.constant 5 : i32
      %add3A_127 = arith.addi %add3A_125, %add3A_126 : i32
      %get3A_128 = arith.index_cast %add3A_127 : i32 to index
      %get3A_129 = arith.constant 0 : index
      %get3A_130 = tpu.vector_load %arg6[%get3A_128, %get3A_129] {strides = array<i32>} : memref<5000x16xf32, #tpu.memory_space<vmem>>, vector<1x16xf32>,
      %get3A_131 = vector.shape_cast %get3A_130 : vector<1x16xf32> to vector<16xf32>
      %swap3A_132 = arith.index_cast %scan3A_48 : i32 to index
      %swap3A_133 = arith.constant 80 : index
      %swap3A_134 = tpu.vector_load %arg7[%swap3A_132, %swap3A_133] {strides = array<i32>} : memref<125x128xf32, #tpu.memory_space<vmem>>, vector<1x16xf32>,
      %swap3A_135 = vector.shape_cast %swap3A_134 : vector<1x16xf32> to vector<16xf32>
      %swap3A_136 = vector.shape_cast %get3A_131 : vector<16xf32> to vector<1x16xf32>
      tpu.vector_store %arg7[%swap3A_132, %swap3A_133], %swap3A_136 {strides = array<i32>} : memref<125x128xf32, #tpu.memory_space<vmem>>, vector<1x16xf32>,
      %mul3A_137 = arith.constant 8 : i32
      %mul3A_138 = arith.muli %scan3A_48, %mul3A_137 : i32
      %add3A_139 = arith.constant 4000 : i32
      %add3A_140 = arith.addi %add3A_139, %mul3A_138 : i32
      %add3A_141 = arith.constant 6 : i32
      %add3A_142 = arith.addi %add3A_140, %add3A_141 : i32
      %get3A_143 = arith.index_cast %add3A_142 : i32 to index
      %get3A_144 = arith.constant 0 : index
      %get3A_145 = tpu.vector_load %arg6[%get3A_143, %get3A_144] {strides = array<i32>} : memref<5000x16xf32, #tpu.memory_space<vmem>>, vector<1x16xf32>,
      %get3A_146 = vector.shape_cast %get3A_145 : vector<1x16xf32> to vector<16xf32>
      %swap3A_147 = arith.index_cast %scan3A_48 : i32 to index
      %swap3A_148 = arith.constant 96 : index
      %swap3A_149 = tpu.vector_load %arg7[%swap3A_147, %swap3A_148] {strides = array<i32>} : memref<125x128xf32, #tpu.memory_space<vmem>>, vector<1x16xf32>,
      %swap3A_150 = vector.shape_cast %swap3A_149 : vector<1x16xf32> to vector<16xf32>
      %swap3A_151 = vector.shape_cast %get3A_146 : vector<16xf32> to vector<1x16xf32>
      tpu.vector_store %arg7[%swap3A_147, %swap3A_148], %swap3A_151 {strides = array<i32>} : memref<125x128xf32, #tpu.memory_space<vmem>>, vector<1x16xf32>,
      %mul3A_152 = arith.constant 8 : i32
      %mul3A_153 = arith.muli %scan3A_48, %mul3A_152 : i32
      %add3A_154 = arith.constant 4000 : i32
      %add3A_155 = arith.addi %add3A_154, %mul3A_153 : i32
      %add3A_156 = arith.constant 7 : i32
      %add3A_157 = arith.addi %add3A_155, %add3A_156 : i32
      %get3A_158 = arith.index_cast %add3A_157 : i32 to index
      %get3A_159 = arith.constant 0 : index
      %get3A_160 = tpu.vector_load %arg6[%get3A_158, %get3A_159] {strides = array<i32>} : memref<5000x16xf32, #tpu.memory_space<vmem>>, vector<1x16xf32>,
      %get3A_161 = vector.shape_cast %get3A_160 : vector<1x16xf32> to vector<16xf32>
      %swap3A_162 = arith.index_cast %scan3A_48 : i32 to index
      %swap3A_163 = arith.constant 112 : index
      %swap3A_164 = tpu.vector_load %arg7[%swap3A_162, %swap3A_163] {strides = array<i32>} : memref<125x128xf32, #tpu.memory_space<vmem>>, vector<1x16xf32>,
      %swap3A_165 = vector.shape_cast %swap3A_164 : vector<1x16xf32> to vector<16xf32>
      %swap3A_166 = vector.shape_cast %get3A_161 : vector<16xf32> to vector<1x16xf32>
      tpu.vector_store %arg7[%swap3A_162, %swap3A_163], %swap3A_166 {strides = array<i32>} : memref<125x128xf32, #tpu.memory_space<vmem>>, vector<1x16xf32>,
    }
    %scan3A_45 = arith.constant 125 : i32
    %add3A_46 = arith.constant 500 : i32
    %add3A_47 = arith.addi %mul3A_4, %add3A_46 : i32
    "tpu.region"() ({
      %run_scoped3A = tpu.sem_alloc : memref<!tpu.dma_semaphore, #tpu.memory_space<semaphore_mem>>
      %dma_start3A_48 = arith.constant 0 : i32
      %dma_start3A_49 = tpu.memref_slice %arg4[%add3A_47, %dma_start3A_48] : memref<20000x128xf32, #tpu.memory_space<hbm>> -> memref<125x128xf32, #tpu.memory_space<hbm>>
      %dma_start3A_50 = arith.constant 0 : i32
      %dma_start3A_51 = tpu.memref_slice %arg4[%add3A_47, %dma_start3A_50] : memref<20000x128xf32, #tpu.memory_space<hbm>> -> memref<125x128xf32, #tpu.memory_space<hbm>>
      tpu.enqueue_dma source(%arg7 : memref<125x128xf32, #tpu.memory_space<vmem>>) target(%dma_start3A_51 : memref<125x128xf32, #tpu.memory_space<hbm>>) target_semaphore(%run_scoped3A : memref<!tpu.dma_semaphore, #tpu.memory_space<semaphore_mem>>)
      %dma_wait3A_52 = arith.constant 0 : i32
      %dma_wait3A_53 = tpu.memref_slice %arg4[%add3A_47, %dma_wait3A_52] : memref<20000x128xf32, #tpu.memory_space<hbm>> -> memref<125x128xf32, #tpu.memory_space<hbm>>
      %dma_wait3A_54 = arith.constant 0 : i32
      %dma_wait3A_55 = tpu.memref_slice %arg4[%add3A_47, %dma_wait3A_54] : memref<20000x128xf32, #tpu.memory_space<hbm>> -> memref<125x128xf32, #tpu.memory_space<hbm>>
      tpu.wait_dma2 semaphore(%run_scoped3A : memref<!tpu.dma_semaphore, #tpu.memory_space<semaphore_mem>>) src(%arg7 : memref<125x128xf32, #tpu.memory_space<vmem>>) dst(%dma_wait3A_55 : memref<125x128xf32, #tpu.memory_space<hbm>>)
      tpu.yield
    }) : () -> ()
    return
  }
}

#map = affine_map<(d0, d1) -> (0, 0)>
#map1 = affine_map<(d0, d1) -> (0)>
#map2 = affine_map<(d0, d1) -> (0, 0, 0)>
module attributes {stable_mosaic.version = 14 : i64} {
  func.func @_sc_scatter_add_rows(%arg0: i32, %arg1: i32, %arg2: memref<20000x128xf32, #tpu.memory_space<hbm>>, %arg3: memref<160000xi32, #tpu.memory_space<hbm>>, %arg4: memref<2x10240x16xf32, #tpu.memory_space<hbm>>, %arg5: memref<5000xi32, #tpu.memory_space<vmem>>, %arg6: memref<5000x16xf32, #tpu.memory_space<vmem>>, %arg7: memref<125x128xf32, #tpu.memory_space<vmem>>, %arg8: memref<640x16xf32, #tpu.memory_space<vmem>>, %arg9: memref<10240x16xf32, #tpu.memory_space<vmem_shared>>, %arg10: memref<!tpu.dma_semaphore, #tpu.memory_space<semaphore_mem>>, %arg11: memref<!tpu.dma_semaphore, #tpu.memory_space<semaphore_mem>>) attributes {dimension_semantics = [#tpu.dimension_semantics<core_parallel>, #tpu.dimension_semantics<subcore_parallel>], iteration_bounds = array<i64: 2, 16>, scalar_prefetch = 0 : i64, scratch_operands = 7 : i64, tpu.core_type = #tpu.core_type<sc_vector_subcore>, window_params = [{transform_indices = #map}, {transform_indices = #map1}, {transform_indices = #map2}]} {
    %mul3A = arith.constant 2 : i32
    %mul3A_0 = arith.muli %arg1, %mul3A : i32
    %add3A = arith.addi %mul3A_0, %arg0 : i32
    %mul3A_1 = arith.constant 5000 : i32
    %mul3A_2 = arith.muli %add3A, %mul3A_1 : i32
    %mul3A_3 = arith.constant 625 : i32
    %mul3A_4 = arith.muli %add3A, %mul3A_3 : i32
    %dma_start3A = tpu.memref_slice %arg3[%mul3A_2] : memref<160000xi32, #tpu.memory_space<hbm>> -> memref<5000xi32, #tpu.memory_space<hbm>>
    %dma_start3A_5 = tpu.memref_slice %arg3[%mul3A_2] : memref<160000xi32, #tpu.memory_space<hbm>> -> memref<5000xi32, #tpu.memory_space<hbm>>
    tpu.enqueue_dma source(%dma_start3A_5 : memref<5000xi32, #tpu.memory_space<hbm>>) target(%arg5 : memref<5000xi32, #tpu.memory_space<vmem>>) target_semaphore(%arg10 : memref<!tpu.dma_semaphore, #tpu.memory_space<semaphore_mem>>)
    %scan3A = arith.constant 0 : i32
    %scan3A_6 = arith.constant 0 : i32
    %scan3A_7 = arith.constant 640 : i32
    %scan3A_8 = arith.addi %scan3A_6, %scan3A_7 : i32
    %scan3A_9 = arith.constant 1 : i32
    scf.for %scan3A_59 = %scan3A_6 to %scan3A_8 step %scan3A_9  : i32 {
      %broadcast_in_dim3A = arith.constant 0.000000e+00 : f32
      %broadcast_in_dim3A_60 = vector.broadcast %broadcast_in_dim3A : f32 to vector<16xf32>
      %swap3A = arith.index_cast %scan3A_59 : i32 to index
      %swap3A_61 = arith.constant 0 : index
      %swap3A_62 = tpu.vector_load %arg8[%swap3A, %swap3A_61] {strides = array<i32>} : memref<640x16xf32, #tpu.memory_space<vmem>>, vector<1x16xf32>,
      %swap3A_63 = vector.shape_cast %swap3A_62 : vector<1x16xf32> to vector<16xf32>
      %swap3A_64 = vector.shape_cast %broadcast_in_dim3A_60 : vector<16xf32> to vector<1x16xf32>
      tpu.vector_store %arg8[%swap3A, %swap3A_61], %swap3A_64 {strides = array<i32>} : memref<640x16xf32, #tpu.memory_space<vmem>>, vector<1x16xf32>,
    }
    %scan3A_10 = arith.constant 640 : i32
    %mul3A_11 = arith.constant 640 : i32
    %mul3A_12 = arith.muli %arg1, %mul3A_11 : i32
    "tpu.region"() ({
      %run_scoped3A = tpu.sem_alloc : memref<!tpu.dma_semaphore, #tpu.memory_space<semaphore_mem>>
      %dma_start3A_59 = arith.constant 0 : i32
      %dma_start3A_60 = tpu.memref_slice %arg9[%mul3A_12, %dma_start3A_59] : memref<10240x16xf32, #tpu.memory_space<vmem_shared>> -> memref<640x16xf32, #tpu.memory_space<vmem_shared>>
      %dma_start3A_61 = arith.constant 0 : i32
      %dma_start3A_62 = tpu.memref_slice %arg9[%mul3A_12, %dma_start3A_61] : memref<10240x16xf32, #tpu.memory_space<vmem_shared>> -> memref<640x16xf32, #tpu.memory_space<vmem_shared>>
      tpu.enqueue_dma source(%arg8 : memref<640x16xf32, #tpu.memory_space<vmem>>) target(%dma_start3A_62 : memref<640x16xf32, #tpu.memory_space<vmem_shared>>) target_semaphore(%run_scoped3A : memref<!tpu.dma_semaphore, #tpu.memory_space<semaphore_mem>>)
      %dma_wait3A_63 = arith.constant 0 : i32
      %dma_wait3A_64 = tpu.memref_slice %arg9[%mul3A_12, %dma_wait3A_63] : memref<10240x16xf32, #tpu.memory_space<vmem_shared>> -> memref<640x16xf32, #tpu.memory_space<vmem_shared>>
      %dma_wait3A_65 = arith.constant 0 : i32
      %dma_wait3A_66 = tpu.memref_slice %arg9[%mul3A_12, %dma_wait3A_65] : memref<10240x16xf32, #tpu.memory_space<vmem_shared>> -> memref<640x16xf32, #tpu.memory_space<vmem_shared>>
      tpu.wait_dma2 semaphore(%run_scoped3A : memref<!tpu.dma_semaphore, #tpu.memory_space<semaphore_mem>>) src(%arg8 : memref<640x16xf32, #tpu.memory_space<vmem>>) dst(%dma_wait3A_66 : memref<640x16xf32, #tpu.memory_space<vmem_shared>>)
      tpu.yield
    }) : () -> ()
    %add3A_13 = arith.constant 0 : i32
    %add3A_14 = arith.addi %mul3A_4, %add3A_13 : i32
    "tpu.region"() ({
      %run_scoped3A = tpu.sem_alloc : memref<!tpu.dma_semaphore, #tpu.memory_space<semaphore_mem>>
      %dma_start3A_59 = arith.constant 0 : i32
      %dma_start3A_60 = tpu.memref_slice %arg2[%add3A_14, %dma_start3A_59] : memref<20000x128xf32, #tpu.memory_space<hbm>> -> memref<125x128xf32, #tpu.memory_space<hbm>>
      %dma_start3A_61 = arith.constant 0 : i32
      %dma_start3A_62 = tpu.memref_slice %arg2[%add3A_14, %dma_start3A_61] : memref<20000x128xf32, #tpu.memory_space<hbm>> -> memref<125x128xf32, #tpu.memory_space<hbm>>
      tpu.enqueue_dma source(%dma_start3A_62 : memref<125x128xf32, #tpu.memory_space<hbm>>) target(%arg7 : memref<125x128xf32, #tpu.memory_space<vmem>>) target_semaphore(%run_scoped3A : memref<!tpu.dma_semaphore, #tpu.memory_space<semaphore_mem>>)
      %dma_wait3A_63 = arith.constant 0 : i32
      %dma_wait3A_64 = tpu.memref_slice %arg2[%add3A_14, %dma_wait3A_63] : memref<20000x128xf32, #tpu.memory_space<hbm>> -> memref<125x128xf32, #tpu.memory_space<hbm>>
      %dma_wait3A_65 = arith.constant 0 : i32
      %dma_wait3A_66 = tpu.memref_slice %arg2[%add3A_14, %dma_wait3A_65] : memref<20000x128xf32, #tpu.memory_space<hbm>> -> memref<125x128xf32, #tpu.memory_space<hbm>>
      tpu.wait_dma2 semaphore(%run_scoped3A : memref<!tpu.dma_semaphore, #tpu.memory_space<semaphore_mem>>) src(%dma_wait3A_66 : memref<125x128xf32, #tpu.memory_space<hbm>>) dst(%arg7 : memref<125x128xf32, #tpu.memory_space<vmem>>)
      tpu.yield
    }) : () -> ()
    %scan3A_15 = arith.constant 0 : i32
    %scan3A_16 = arith.constant 0 : i32
    %scan3A_17 = arith.constant 125 : i32
    %scan3A_18 = arith.addi %scan3A_16, %scan3A_17 : i32
    %scan3A_19 = arith.constant 1 : i32
    scf.for %scan3A_59 = %scan3A_16 to %scan3A_18 step %scan3A_19  : i32 {
      %get3A = arith.index_cast %scan3A_59 : i32 to index
      %get3A_60 = arith.constant 0 : index
      %get3A_61 = tpu.vector_load %arg7[%get3A, %get3A_60] {strides = array<i32>} : memref<125x128xf32, #tpu.memory_space<vmem>>, vector<1x16xf32>,
      %get3A_62 = vector.shape_cast %get3A_61 : vector<1x16xf32> to vector<16xf32>
      %mul3A_63 = arith.constant 8 : i32
      %mul3A_64 = arith.muli %scan3A_59, %mul3A_63 : i32
      %add3A_65 = arith.constant 0 : i32
      %add3A_66 = arith.addi %add3A_65, %mul3A_64 : i32
      %add3A_67 = arith.constant 0 : i32
      %add3A_68 = arith.addi %add3A_66, %add3A_67 : i32
      %swap3A = arith.index_cast %add3A_68 : i32 to index
      %swap3A_69 = arith.constant 0 : index
      %swap3A_70 = tpu.vector_load %arg6[%swap3A, %swap3A_69] {strides = array<i32>} : memref<5000x16xf32, #tpu.memory_space<vmem>>, vector<1x16xf32>,
      %swap3A_71 = vector.shape_cast %swap3A_70 : vector<1x16xf32> to vector<16xf32>
      %swap3A_72 = vector.shape_cast %get3A_62 : vector<16xf32> to vector<1x16xf32>
      tpu.vector_store %arg6[%swap3A, %swap3A_69], %swap3A_72 {strides = array<i32>} : memref<5000x16xf32, #tpu.memory_space<vmem>>, vector<1x16xf32>,
      %get3A_73 = arith.index_cast %scan3A_59 : i32 to index
      %get3A_74 = arith.constant 16 : index
      %get3A_75 = tpu.vector_load %arg7[%get3A_73, %get3A_74] {strides = array<i32>} : memref<125x128xf32, #tpu.memory_space<vmem>>, vector<1x16xf32>,
      %get3A_76 = vector.shape_cast %get3A_75 : vector<1x16xf32> to vector<16xf32>
      %mul3A_77 = arith.constant 8 : i32
      %mul3A_78 = arith.muli %scan3A_59, %mul3A_77 : i32
      %add3A_79 = arith.constant 0 : i32
      %add3A_80 = arith.addi %add3A_79, %mul3A_78 : i32
      %add3A_81 = arith.constant 1 : i32
      %add3A_82 = arith.addi %add3A_80, %add3A_81 : i32
      %swap3A_83 = arith.index_cast %add3A_82 : i32 to index
      %swap3A_84 = arith.constant 0 : index
      %swap3A_85 = tpu.vector_load %arg6[%swap3A_83, %swap3A_84] {strides = array<i32>} : memref<5000x16xf32, #tpu.memory_space<vmem>>, vector<1x16xf32>,
      %swap3A_86 = vector.shape_cast %swap3A_85 : vector<1x16xf32> to vector<16xf32>
      %swap3A_87 = vector.shape_cast %get3A_76 : vector<16xf32> to vector<1x16xf32>
      tpu.vector_store %arg6[%swap3A_83, %swap3A_84], %swap3A_87 {strides = array<i32>} : memref<5000x16xf32, #tpu.memory_space<vmem>>, vector<1x16xf32>,
      %get3A_88 = arith.index_cast %scan3A_59 : i32 to index
      %get3A_89 = arith.constant 32 : index
      %get3A_90 = tpu.vector_load %arg7[%get3A_88, %get3A_89] {strides = array<i32>} : memref<125x128xf32, #tpu.memory_space<vmem>>, vector<1x16xf32>,
      %get3A_91 = vector.shape_cast %get3A_90 : vector<1x16xf32> to vector<16xf32>
      %mul3A_92 = arith.constant 8 : i32
      %mul3A_93 = arith.muli %scan3A_59, %mul3A_92 : i32
      %add3A_94 = arith.constant 0 : i32
      %add3A_95 = arith.addi %add3A_94, %mul3A_93 : i32
      %add3A_96 = arith.constant 2 : i32
      %add3A_97 = arith.addi %add3A_95, %add3A_96 : i32
      %swap3A_98 = arith.index_cast %add3A_97 : i32 to index
      %swap3A_99 = arith.constant 0 : index
      %swap3A_100 = tpu.vector_load %arg6[%swap3A_98, %swap3A_99] {strides = array<i32>} : memref<5000x16xf32, #tpu.memory_space<vmem>>, vector<1x16xf32>,
      %swap3A_101 = vector.shape_cast %swap3A_100 : vector<1x16xf32> to vector<16xf32>
      %swap3A_102 = vector.shape_cast %get3A_91 : vector<16xf32> to vector<1x16xf32>
      tpu.vector_store %arg6[%swap3A_98, %swap3A_99], %swap3A_102 {strides = array<i32>} : memref<5000x16xf32, #tpu.memory_space<vmem>>, vector<1x16xf32>,
      %get3A_103 = arith.index_cast %scan3A_59 : i32 to index
      %get3A_104 = arith.constant 48 : index
      %get3A_105 = tpu.vector_load %arg7[%get3A_103, %get3A_104] {strides = array<i32>} : memref<125x128xf32, #tpu.memory_space<vmem>>, vector<1x16xf32>,
      %get3A_106 = vector.shape_cast %get3A_105 : vector<1x16xf32> to vector<16xf32>
      %mul3A_107 = arith.constant 8 : i32
      %mul3A_108 = arith.muli %scan3A_59, %mul3A_107 : i32
      %add3A_109 = arith.constant 0 : i32
      %add3A_110 = arith.addi %add3A_109, %mul3A_108 : i32
      %add3A_111 = arith.constant 3 : i32
      %add3A_112 = arith.addi %add3A_110, %add3A_111 : i32
      %swap3A_113 = arith.index_cast %add3A_112 : i32 to index
      %swap3A_114 = arith.constant 0 : index
      %swap3A_115 = tpu.vector_load %arg6[%swap3A_113, %swap3A_114] {strides = array<i32>} : memref<5000x16xf32, #tpu.memory_space<vmem>>, vector<1x16xf32>,
      %swap3A_116 = vector.shape_cast %swap3A_115 : vector<1x16xf32> to vector<16xf32>
      %swap3A_117 = vector.shape_cast %get3A_106 : vector<16xf32> to vector<1x16xf32>
      tpu.vector_store %arg6[%swap3A_113, %swap3A_114], %swap3A_117 {strides = array<i32>} : memref<5000x16xf32, #tpu.memory_space<vmem>>, vector<1x16xf32>,
      %get3A_118 = arith.index_cast %scan3A_59 : i32 to index
      %get3A_119 = arith.constant 64 : index
      %get3A_120 = tpu.vector_load %arg7[%get3A_118, %get3A_119] {strides = array<i32>} : memref<125x128xf32, #tpu.memory_space<vmem>>, vector<1x16xf32>,
      %get3A_121 = vector.shape_cast %get3A_120 : vector<1x16xf32> to vector<16xf32>
      %mul3A_122 = arith.constant 8 : i32
      %mul3A_123 = arith.muli %scan3A_59, %mul3A_122 : i32
      %add3A_124 = arith.constant 0 : i32
      %add3A_125 = arith.addi %add3A_124, %mul3A_123 : i32
      %add3A_126 = arith.constant 4 : i32
      %add3A_127 = arith.addi %add3A_125, %add3A_126 : i32
      %swap3A_128 = arith.index_cast %add3A_127 : i32 to index
      %swap3A_129 = arith.constant 0 : index
      %swap3A_130 = tpu.vector_load %arg6[%swap3A_128, %swap3A_129] {strides = array<i32>} : memref<5000x16xf32, #tpu.memory_space<vmem>>, vector<1x16xf32>,
      %swap3A_131 = vector.shape_cast %swap3A_130 : vector<1x16xf32> to vector<16xf32>
      %swap3A_132 = vector.shape_cast %get3A_121 : vector<16xf32> to vector<1x16xf32>
      tpu.vector_store %arg6[%swap3A_128, %swap3A_129], %swap3A_132 {strides = array<i32>} : memref<5000x16xf32, #tpu.memory_space<vmem>>, vector<1x16xf32>,
      %get3A_133 = arith.index_cast %scan3A_59 : i32 to index
      %get3A_134 = arith.constant 80 : index
      %get3A_135 = tpu.vector_load %arg7[%get3A_133, %get3A_134] {strides = array<i32>} : memref<125x128xf32, #tpu.memory_space<vmem>>, vector<1x16xf32>,
      %get3A_136 = vector.shape_cast %get3A_135 : vector<1x16xf32> to vector<16xf32>
      %mul3A_137 = arith.constant 8 : i32
      %mul3A_138 = arith.muli %scan3A_59, %mul3A_137 : i32
      %add3A_139 = arith.constant 0 : i32
      %add3A_140 = arith.addi %add3A_139, %mul3A_138 : i32
      %add3A_141 = arith.constant 5 : i32
      %add3A_142 = arith.addi %add3A_140, %add3A_141 : i32
      %swap3A_143 = arith.index_cast %add3A_142 : i32 to index
      %swap3A_144 = arith.constant 0 : index
      %swap3A_145 = tpu.vector_load %arg6[%swap3A_143, %swap3A_144] {strides = array<i32>} : memref<5000x16xf32, #tpu.memory_space<vmem>>, vector<1x16xf32>,
      %swap3A_146 = vector.shape_cast %swap3A_145 : vector<1x16xf32> to vector<16xf32>
      %swap3A_147 = vector.shape_cast %get3A_136 : vector<16xf32> to vector<1x16xf32>
      tpu.vector_store %arg6[%swap3A_143, %swap3A_144], %swap3A_147 {strides = array<i32>} : memref<5000x16xf32, #tpu.memory_space<vmem>>, vector<1x16xf32>,
      %get3A_148 = arith.index_cast %scan3A_59 : i32 to index
      %get3A_149 = arith.constant 96 : index
      %get3A_150 = tpu.vector_load %arg7[%get3A_148, %get3A_149] {strides = array<i32>} : memref<125x128xf32, #tpu.memory_space<vmem>>, vector<1x16xf32>,
      %get3A_151 = vector.shape_cast %get3A_150 : vector<1x16xf32> to vector<16xf32>
      %mul3A_152 = arith.constant 8 : i32
      %mul3A_153 = arith.muli %scan3A_59, %mul3A_152 : i32
      %add3A_154 = arith.constant 0 : i32
      %add3A_155 = arith.addi %add3A_154, %mul3A_153 : i32
      %add3A_156 = arith.constant 6 : i32
      %add3A_157 = arith.addi %add3A_155, %add3A_156 : i32
      %swap3A_158 = arith.index_cast %add3A_157 : i32 to index
      %swap3A_159 = arith.constant 0 : index
      %swap3A_160 = tpu.vector_load %arg6[%swap3A_158, %swap3A_159] {strides = array<i32>} : memref<5000x16xf32, #tpu.memory_space<vmem>>, vector<1x16xf32>,
      %swap3A_161 = vector.shape_cast %swap3A_160 : vector<1x16xf32> to vector<16xf32>
      %swap3A_162 = vector.shape_cast %get3A_151 : vector<16xf32> to vector<1x16xf32>
      tpu.vector_store %arg6[%swap3A_158, %swap3A_159], %swap3A_162 {strides = array<i32>} : memref<5000x16xf32, #tpu.memory_space<vmem>>, vector<1x16xf32>,
      %get3A_163 = arith.index_cast %scan3A_59 : i32 to index
      %get3A_164 = arith.constant 112 : index
      %get3A_165 = tpu.vector_load %arg7[%get3A_163, %get3A_164] {strides = array<i32>} : memref<125x128xf32, #tpu.memory_space<vmem>>, vector<1x16xf32>,
      %get3A_166 = vector.shape_cast %get3A_165 : vector<1x16xf32> to vector<16xf32>
      %mul3A_167 = arith.constant 8 : i32
      %mul3A_168 = arith.muli %scan3A_59, %mul3A_167 : i32
      %add3A_169 = arith.constant 0 : i32
      %add3A_170 = arith.addi %add3A_169, %mul3A_168 : i32
      %add3A_171 = arith.constant 7 : i32
      %add3A_172 = arith.addi %add3A_170, %add3A_171 : i32
      %swap3A_173 = arith.index_cast %add3A_172 : i32 to index
      %swap3A_174 = arith.constant 0 : index
      %swap3A_175 = tpu.vector_load %arg6[%swap3A_173, %swap3A_174] {strides = array<i32>} : memref<5000x16xf32, #tpu.memory_space<vmem>>, vector<1x16xf32>,
      %swap3A_176 = vector.shape_cast %swap3A_175 : vector<1x16xf32> to vector<16xf32>
      %swap3A_177 = vector.shape_cast %get3A_166 : vector<16xf32> to vector<1x16xf32>
      tpu.vector_store %arg6[%swap3A_173, %swap3A_174], %swap3A_177 {strides = array<i32>} : memref<5000x16xf32, #tpu.memory_space<vmem>>, vector<1x16xf32>,
    }
    %scan3A_20 = arith.constant 125 : i32
    %add3A_21 = arith.constant 125 : i32
    %add3A_22 = arith.addi %mul3A_4, %add3A_21 : i32
    "tpu.region"() ({
      %run_scoped3A = tpu.sem_alloc : memref<!tpu.dma_semaphore, #tpu.memory_space<semaphore_mem>>
      %dma_start3A_59 = arith.constant 0 : i32
      %dma_start3A_60 = tpu.memref_slice %arg2[%add3A_22, %dma_start3A_59] : memref<20000x128xf32, #tpu.memory_space<hbm>> -> memref<125x128xf32, #tpu.memory_space<hbm>>
      %dma_start3A_61 = arith.constant 0 : i32
      %dma_start3A_62 = tpu.memref_slice %arg2[%add3A_22, %dma_start3A_61] : memref<20000x128xf32, #tpu.memory_space<hbm>> -> memref<125x128xf32, #tpu.memory_space<hbm>>
      tpu.enqueue_dma source(%dma_start3A_62 : memref<125x128xf32, #tpu.memory_space<hbm>>) target(%arg7 : memref<125x128xf32, #tpu.memory_space<vmem>>) target_semaphore(%run_scoped3A : memref<!tpu.dma_semaphore, #tpu.memory_space<semaphore_mem>>)
      %dma_wait3A_63 = arith.constant 0 : i32
      %dma_wait3A_64 = tpu.memref_slice %arg2[%add3A_22, %dma_wait3A_63] : memref<20000x128xf32, #tpu.memory_space<hbm>> -> memref<125x128xf32, #tpu.memory_space<hbm>>
      %dma_wait3A_65 = arith.constant 0 : i32
      %dma_wait3A_66 = tpu.memref_slice %arg2[%add3A_22, %dma_wait3A_65] : memref<20000x128xf32, #tpu.memory_space<hbm>> -> memref<125x128xf32, #tpu.memory_space<hbm>>
      tpu.wait_dma2 semaphore(%run_scoped3A : memref<!tpu.dma_semaphore, #tpu.memory_space<semaphore_mem>>) src(%dma_wait3A_66 : memref<125x128xf32, #tpu.memory_space<hbm>>) dst(%arg7 : memref<125x128xf32, #tpu.memory_space<vmem>>)
      tpu.yield
    }) : () -> ()
    %scan3A_23 = arith.constant 0 : i32
    %scan3A_24 = arith.constant 0 : i32
    %scan3A_25 = arith.constant 125 : i32
    %scan3A_26 = arith.addi %scan3A_24, %scan3A_25 : i32
    %scan3A_27 = arith.constant 1 : i32
    scf.for %scan3A_59 = %scan3A_24 to %scan3A_26 step %scan3A_27  : i32 {
      %get3A = arith.index_cast %scan3A_59 : i32 to index
      %get3A_60 = arith.constant 0 : index
      %get3A_61 = tpu.vector_load %arg7[%get3A, %get3A_60] {strides = array<i32>} : memref<125x128xf32, #tpu.memory_space<vmem>>, vector<1x16xf32>,
      %get3A_62 = vector.shape_cast %get3A_61 : vector<1x16xf32> to vector<16xf32>
      %mul3A_63 = arith.constant 8 : i32
      %mul3A_64 = arith.muli %scan3A_59, %mul3A_63 : i32
      %add3A_65 = arith.constant 1000 : i32
      %add3A_66 = arith.addi %add3A_65, %mul3A_64 : i32
      %add3A_67 = arith.constant 0 : i32
      %add3A_68 = arith.addi %add3A_66, %add3A_67 : i32
      %swap3A = arith.index_cast %add3A_68 : i32 to index
      %swap3A_69 = arith.constant 0 : index
      %swap3A_70 = tpu.vector_load %arg6[%swap3A, %swap3A_69] {strides = array<i32>} : memref<5000x16xf32, #tpu.memory_space<vmem>>, vector<1x16xf32>,
      %swap3A_71 = vector.shape_cast %swap3A_70 : vector<1x16xf32> to vector<16xf32>
      %swap3A_72 = vector.shape_cast %get3A_62 : vector<16xf32> to vector<1x16xf32>
      tpu.vector_store %arg6[%swap3A, %swap3A_69], %swap3A_72 {strides = array<i32>} : memref<5000x16xf32, #tpu.memory_space<vmem>>, vector<1x16xf32>,
      %get3A_73 = arith.index_cast %scan3A_59 : i32 to index
      %get3A_74 = arith.constant 16 : index
      %get3A_75 = tpu.vector_load %arg7[%get3A_73, %get3A_74] {strides = array<i32>} : memref<125x128xf32, #tpu.memory_space<vmem>>, vector<1x16xf32>,
      %get3A_76 = vector.shape_cast %get3A_75 : vector<1x16xf32> to vector<16xf32>
      %mul3A_77 = arith.constant 8 : i32
      %mul3A_78 = arith.muli %scan3A_59, %mul3A_77 : i32
      %add3A_79 = arith.constant 1000 : i32
      %add3A_80 = arith.addi %add3A_79, %mul3A_78 : i32
      %add3A_81 = arith.constant 1 : i32
      %add3A_82 = arith.addi %add3A_80, %add3A_81 : i32
      %swap3A_83 = arith.index_cast %add3A_82 : i32 to index
      %swap3A_84 = arith.constant 0 : index
      %swap3A_85 = tpu.vector_load %arg6[%swap3A_83, %swap3A_84] {strides = array<i32>} : memref<5000x16xf32, #tpu.memory_space<vmem>>, vector<1x16xf32>,
      %swap3A_86 = vector.shape_cast %swap3A_85 : vector<1x16xf32> to vector<16xf32>
      %swap3A_87 = vector.shape_cast %get3A_76 : vector<16xf32> to vector<1x16xf32>
      tpu.vector_store %arg6[%swap3A_83, %swap3A_84], %swap3A_87 {strides = array<i32>} : memref<5000x16xf32, #tpu.memory_space<vmem>>, vector<1x16xf32>,
      %get3A_88 = arith.index_cast %scan3A_59 : i32 to index
      %get3A_89 = arith.constant 32 : index
      %get3A_90 = tpu.vector_load %arg7[%get3A_88, %get3A_89] {strides = array<i32>} : memref<125x128xf32, #tpu.memory_space<vmem>>, vector<1x16xf32>,
      %get3A_91 = vector.shape_cast %get3A_90 : vector<1x16xf32> to vector<16xf32>
      %mul3A_92 = arith.constant 8 : i32
      %mul3A_93 = arith.muli %scan3A_59, %mul3A_92 : i32
      %add3A_94 = arith.constant 1000 : i32
      %add3A_95 = arith.addi %add3A_94, %mul3A_93 : i32
      %add3A_96 = arith.constant 2 : i32
      %add3A_97 = arith.addi %add3A_95, %add3A_96 : i32
      %swap3A_98 = arith.index_cast %add3A_97 : i32 to index
      %swap3A_99 = arith.constant 0 : index
      %swap3A_100 = tpu.vector_load %arg6[%swap3A_98, %swap3A_99] {strides = array<i32>} : memref<5000x16xf32, #tpu.memory_space<vmem>>, vector<1x16xf32>,
      %swap3A_101 = vector.shape_cast %swap3A_100 : vector<1x16xf32> to vector<16xf32>
      %swap3A_102 = vector.shape_cast %get3A_91 : vector<16xf32> to vector<1x16xf32>
      tpu.vector_store %arg6[%swap3A_98, %swap3A_99], %swap3A_102 {strides = array<i32>} : memref<5000x16xf32, #tpu.memory_space<vmem>>, vector<1x16xf32>,
      %get3A_103 = arith.index_cast %scan3A_59 : i32 to index
      %get3A_104 = arith.constant 48 : index
      %get3A_105 = tpu.vector_load %arg7[%get3A_103, %get3A_104] {strides = array<i32>} : memref<125x128xf32, #tpu.memory_space<vmem>>, vector<1x16xf32>,
      %get3A_106 = vector.shape_cast %get3A_105 : vector<1x16xf32> to vector<16xf32>
      %mul3A_107 = arith.constant 8 : i32
      %mul3A_108 = arith.muli %scan3A_59, %mul3A_107 : i32
      %add3A_109 = arith.constant 1000 : i32
      %add3A_110 = arith.addi %add3A_109, %mul3A_108 : i32
      %add3A_111 = arith.constant 3 : i32
      %add3A_112 = arith.addi %add3A_110, %add3A_111 : i32
      %swap3A_113 = arith.index_cast %add3A_112 : i32 to index
      %swap3A_114 = arith.constant 0 : index
      %swap3A_115 = tpu.vector_load %arg6[%swap3A_113, %swap3A_114] {strides = array<i32>} : memref<5000x16xf32, #tpu.memory_space<vmem>>, vector<1x16xf32>,
      %swap3A_116 = vector.shape_cast %swap3A_115 : vector<1x16xf32> to vector<16xf32>
      %swap3A_117 = vector.shape_cast %get3A_106 : vector<16xf32> to vector<1x16xf32>
      tpu.vector_store %arg6[%swap3A_113, %swap3A_114], %swap3A_117 {strides = array<i32>} : memref<5000x16xf32, #tpu.memory_space<vmem>>, vector<1x16xf32>,
      %get3A_118 = arith.index_cast %scan3A_59 : i32 to index
      %get3A_119 = arith.constant 64 : index
      %get3A_120 = tpu.vector_load %arg7[%get3A_118, %get3A_119] {strides = array<i32>} : memref<125x128xf32, #tpu.memory_space<vmem>>, vector<1x16xf32>,
      %get3A_121 = vector.shape_cast %get3A_120 : vector<1x16xf32> to vector<16xf32>
      %mul3A_122 = arith.constant 8 : i32
      %mul3A_123 = arith.muli %scan3A_59, %mul3A_122 : i32
      %add3A_124 = arith.constant 1000 : i32
      %add3A_125 = arith.addi %add3A_124, %mul3A_123 : i32
      %add3A_126 = arith.constant 4 : i32
      %add3A_127 = arith.addi %add3A_125, %add3A_126 : i32
      %swap3A_128 = arith.index_cast %add3A_127 : i32 to index
      %swap3A_129 = arith.constant 0 : index
      %swap3A_130 = tpu.vector_load %arg6[%swap3A_128, %swap3A_129] {strides = array<i32>} : memref<5000x16xf32, #tpu.memory_space<vmem>>, vector<1x16xf32>,
      %swap3A_131 = vector.shape_cast %swap3A_130 : vector<1x16xf32> to vector<16xf32>
      %swap3A_132 = vector.shape_cast %get3A_121 : vector<16xf32> to vector<1x16xf32>
      tpu.vector_store %arg6[%swap3A_128, %swap3A_129], %swap3A_132 {strides = array<i32>} : memref<5000x16xf32, #tpu.memory_space<vmem>>, vector<1x16xf32>,
      %get3A_133 = arith.index_cast %scan3A_59 : i32 to index
      %get3A_134 = arith.constant 80 : index
      %get3A_135 = tpu.vector_load %arg7[%get3A_133, %get3A_134] {strides = array<i32>} : memref<125x128xf32, #tpu.memory_space<vmem>>, vector<1x16xf32>,
      %get3A_136 = vector.shape_cast %get3A_135 : vector<1x16xf32> to vector<16xf32>
      %mul3A_137 = arith.constant 8 : i32
      %mul3A_138 = arith.muli %scan3A_59, %mul3A_137 : i32
      %add3A_139 = arith.constant 1000 : i32
      %add3A_140 = arith.addi %add3A_139, %mul3A_138 : i32
      %add3A_141 = arith.constant 5 : i32
      %add3A_142 = arith.addi %add3A_140, %add3A_141 : i32
      %swap3A_143 = arith.index_cast %add3A_142 : i32 to index
      %swap3A_144 = arith.constant 0 : index
      %swap3A_145 = tpu.vector_load %arg6[%swap3A_143, %swap3A_144] {strides = array<i32>} : memref<5000x16xf32, #tpu.memory_space<vmem>>, vector<1x16xf32>,
      %swap3A_146 = vector.shape_cast %swap3A_145 : vector<1x16xf32> to vector<16xf32>
      %swap3A_147 = vector.shape_cast %get3A_136 : vector<16xf32> to vector<1x16xf32>
      tpu.vector_store %arg6[%swap3A_143, %swap3A_144], %swap3A_147 {strides = array<i32>} : memref<5000x16xf32, #tpu.memory_space<vmem>>, vector<1x16xf32>,
      %get3A_148 = arith.index_cast %scan3A_59 : i32 to index
      %get3A_149 = arith.constant 96 : index
      %get3A_150 = tpu.vector_load %arg7[%get3A_148, %get3A_149] {strides = array<i32>} : memref<125x128xf32, #tpu.memory_space<vmem>>, vector<1x16xf32>,
      %get3A_151 = vector.shape_cast %get3A_150 : vector<1x16xf32> to vector<16xf32>
      %mul3A_152 = arith.constant 8 : i32
      %mul3A_153 = arith.muli %scan3A_59, %mul3A_152 : i32
      %add3A_154 = arith.constant 1000 : i32
      %add3A_155 = arith.addi %add3A_154, %mul3A_153 : i32
      %add3A_156 = arith.constant 6 : i32
      %add3A_157 = arith.addi %add3A_155, %add3A_156 : i32
      %swap3A_158 = arith.index_cast %add3A_157 : i32 to index
      %swap3A_159 = arith.constant 0 : index
      %swap3A_160 = tpu.vector_load %arg6[%swap3A_158, %swap3A_159] {strides = array<i32>} : memref<5000x16xf32, #tpu.memory_space<vmem>>, vector<1x16xf32>,
      %swap3A_161 = vector.shape_cast %swap3A_160 : vector<1x16xf32> to vector<16xf32>
      %swap3A_162 = vector.shape_cast %get3A_151 : vector<16xf32> to vector<1x16xf32>
      tpu.vector_store %arg6[%swap3A_158, %swap3A_159], %swap3A_162 {strides = array<i32>} : memref<5000x16xf32, #tpu.memory_space<vmem>>, vector<1x16xf32>,
      %get3A_163 = arith.index_cast %scan3A_59 : i32 to index
      %get3A_164 = arith.constant 112 : index
      %get3A_165 = tpu.vector_load %arg7[%get3A_163, %get3A_164] {strides = array<i32>} : memref<125x128xf32, #tpu.memory_space<vmem>>, vector<1x16xf32>,
      %get3A_166 = vector.shape_cast %get3A_165 : vector<1x16xf32> to vector<16xf32>
      %mul3A_167 = arith.constant 8 : i32
      %mul3A_168 = arith.muli %scan3A_59, %mul3A_167 : i32
      %add3A_169 = arith.constant 1000 : i32
      %add3A_170 = arith.addi %add3A_169, %mul3A_168 : i32
      %add3A_171 = arith.constant 7 : i32
      %add3A_172 = arith.addi %add3A_170, %add3A_171 : i32
      %swap3A_173 = arith.index_cast %add3A_172 : i32 to index
      %swap3A_174 = arith.constant 0 : index
      %swap3A_175 = tpu.vector_load %arg6[%swap3A_173, %swap3A_174] {strides = array<i32>} : memref<5000x16xf32, #tpu.memory_space<vmem>>, vector<1x16xf32>,
      %swap3A_176 = vector.shape_cast %swap3A_175 : vector<1x16xf32> to vector<16xf32>
      %swap3A_177 = vector.shape_cast %get3A_166 : vector<16xf32> to vector<1x16xf32>
      tpu.vector_store %arg6[%swap3A_173, %swap3A_174], %swap3A_177 {strides = array<i32>} : memref<5000x16xf32, #tpu.memory_space<vmem>>, vector<1x16xf32>,
    }
    %scan3A_28 = arith.constant 125 : i32
    %add3A_29 = arith.constant 250 : i32
    %add3A_30 = arith.addi %mul3A_4, %add3A_29 : i32
    "tpu.region"() ({
      %run_scoped3A = tpu.sem_alloc : memref<!tpu.dma_semaphore, #tpu.memory_space<semaphore_mem>>
      %dma_start3A_59 = arith.constant 0 : i32
      %dma_start3A_60 = tpu.memref_slice %arg2[%add3A_30, %dma_start3A_59] : memref<20000x128xf32, #tpu.memory_space<hbm>> -> memref<125x128xf32, #tpu.memory_space<hbm>>
      %dma_start3A_61 = arith.constant 0 : i32
      %dma_start3A_62 = tpu.memref_slice %arg2[%add3A_30, %dma_start3A_61] : memref<20000x128xf32, #tpu.memory_space<hbm>> -> memref<125x128xf32, #tpu.memory_space<hbm>>
      tpu.enqueue_dma source(%dma_start3A_62 : memref<125x128xf32, #tpu.memory_space<hbm>>) target(%arg7 : memref<125x128xf32, #tpu.memory_space<vmem>>) target_semaphore(%run_scoped3A : memref<!tpu.dma_semaphore, #tpu.memory_space<semaphore_mem>>)
      %dma_wait3A_63 = arith.constant 0 : i32
      %dma_wait3A_64 = tpu.memref_slice %arg2[%add3A_30, %dma_wait3A_63] : memref<20000x128xf32, #tpu.memory_space<hbm>> -> memref<125x128xf32, #tpu.memory_space<hbm>>
      %dma_wait3A_65 = arith.constant 0 : i32
      %dma_wait3A_66 = tpu.memref_slice %arg2[%add3A_30, %dma_wait3A_65] : memref<20000x128xf32, #tpu.memory_space<hbm>> -> memref<125x128xf32, #tpu.memory_space<hbm>>
      tpu.wait_dma2 semaphore(%run_scoped3A : memref<!tpu.dma_semaphore, #tpu.memory_space<semaphore_mem>>) src(%dma_wait3A_66 : memref<125x128xf32, #tpu.memory_space<hbm>>) dst(%arg7 : memref<125x128xf32, #tpu.memory_space<vmem>>)
      tpu.yield
    }) : () -> ()
    %scan3A_31 = arith.constant 0 : i32
    %scan3A_32 = arith.constant 0 : i32
    %scan3A_33 = arith.constant 125 : i32
    %scan3A_34 = arith.addi %scan3A_32, %scan3A_33 : i32
    %scan3A_35 = arith.constant 1 : i32
    scf.for %scan3A_59 = %scan3A_32 to %scan3A_34 step %scan3A_35  : i32 {
      %get3A = arith.index_cast %scan3A_59 : i32 to index
      %get3A_60 = arith.constant 0 : index
      %get3A_61 = tpu.vector_load %arg7[%get3A, %get3A_60] {strides = array<i32>} : memref<125x128xf32, #tpu.memory_space<vmem>>, vector<1x16xf32>,
      %get3A_62 = vector.shape_cast %get3A_61 : vector<1x16xf32> to vector<16xf32>
      %mul3A_63 = arith.constant 8 : i32
      %mul3A_64 = arith.muli %scan3A_59, %mul3A_63 : i32
      %add3A_65 = arith.constant 2000 : i32
      %add3A_66 = arith.addi %add3A_65, %mul3A_64 : i32
      %add3A_67 = arith.constant 0 : i32
      %add3A_68 = arith.addi %add3A_66, %add3A_67 : i32
      %swap3A = arith.index_cast %add3A_68 : i32 to index
      %swap3A_69 = arith.constant 0 : index
      %swap3A_70 = tpu.vector_load %arg6[%swap3A, %swap3A_69] {strides = array<i32>} : memref<5000x16xf32, #tpu.memory_space<vmem>>, vector<1x16xf32>,
      %swap3A_71 = vector.shape_cast %swap3A_70 : vector<1x16xf32> to vector<16xf32>
      %swap3A_72 = vector.shape_cast %get3A_62 : vector<16xf32> to vector<1x16xf32>
      tpu.vector_store %arg6[%swap3A, %swap3A_69], %swap3A_72 {strides = array<i32>} : memref<5000x16xf32, #tpu.memory_space<vmem>>, vector<1x16xf32>,
      %get3A_73 = arith.index_cast %scan3A_59 : i32 to index
      %get3A_74 = arith.constant 16 : index
      %get3A_75 = tpu.vector_load %arg7[%get3A_73, %get3A_74] {strides = array<i32>} : memref<125x128xf32, #tpu.memory_space<vmem>>, vector<1x16xf32>,
      %get3A_76 = vector.shape_cast %get3A_75 : vector<1x16xf32> to vector<16xf32>
      %mul3A_77 = arith.constant 8 : i32
      %mul3A_78 = arith.muli %scan3A_59, %mul3A_77 : i32
      %add3A_79 = arith.constant 2000 : i32
      %add3A_80 = arith.addi %add3A_79, %mul3A_78 : i32
      %add3A_81 = arith.constant 1 : i32
      %add3A_82 = arith.addi %add3A_80, %add3A_81 : i32
      %swap3A_83 = arith.index_cast %add3A_82 : i32 to index
      %swap3A_84 = arith.constant 0 : index
      %swap3A_85 = tpu.vector_load %arg6[%swap3A_83, %swap3A_84] {strides = array<i32>} : memref<5000x16xf32, #tpu.memory_space<vmem>>, vector<1x16xf32>,
      %swap3A_86 = vector.shape_cast %swap3A_85 : vector<1x16xf32> to vector<16xf32>
      %swap3A_87 = vector.shape_cast %get3A_76 : vector<16xf32> to vector<1x16xf32>
      tpu.vector_store %arg6[%swap3A_83, %swap3A_84], %swap3A_87 {strides = array<i32>} : memref<5000x16xf32, #tpu.memory_space<vmem>>, vector<1x16xf32>,
      %get3A_88 = arith.index_cast %scan3A_59 : i32 to index
      %get3A_89 = arith.constant 32 : index
      %get3A_90 = tpu.vector_load %arg7[%get3A_88, %get3A_89] {strides = array<i32>} : memref<125x128xf32, #tpu.memory_space<vmem>>, vector<1x16xf32>,
      %get3A_91 = vector.shape_cast %get3A_90 : vector<1x16xf32> to vector<16xf32>
      %mul3A_92 = arith.constant 8 : i32
      %mul3A_93 = arith.muli %scan3A_59, %mul3A_92 : i32
      %add3A_94 = arith.constant 2000 : i32
      %add3A_95 = arith.addi %add3A_94, %mul3A_93 : i32
      %add3A_96 = arith.constant 2 : i32
      %add3A_97 = arith.addi %add3A_95, %add3A_96 : i32
      %swap3A_98 = arith.index_cast %add3A_97 : i32 to index
      %swap3A_99 = arith.constant 0 : index
      %swap3A_100 = tpu.vector_load %arg6[%swap3A_98, %swap3A_99] {strides = array<i32>} : memref<5000x16xf32, #tpu.memory_space<vmem>>, vector<1x16xf32>,
      %swap3A_101 = vector.shape_cast %swap3A_100 : vector<1x16xf32> to vector<16xf32>
      %swap3A_102 = vector.shape_cast %get3A_91 : vector<16xf32> to vector<1x16xf32>
      tpu.vector_store %arg6[%swap3A_98, %swap3A_99], %swap3A_102 {strides = array<i32>} : memref<5000x16xf32, #tpu.memory_space<vmem>>, vector<1x16xf32>,
      %get3A_103 = arith.index_cast %scan3A_59 : i32 to index
      %get3A_104 = arith.constant 48 : index
      %get3A_105 = tpu.vector_load %arg7[%get3A_103, %get3A_104] {strides = array<i32>} : memref<125x128xf32, #tpu.memory_space<vmem>>, vector<1x16xf32>,
      %get3A_106 = vector.shape_cast %get3A_105 : vector<1x16xf32> to vector<16xf32>
      %mul3A_107 = arith.constant 8 : i32
      %mul3A_108 = arith.muli %scan3A_59, %mul3A_107 : i32
      %add3A_109 = arith.constant 2000 : i32
      %add3A_110 = arith.addi %add3A_109, %mul3A_108 : i32
      %add3A_111 = arith.constant 3 : i32
      %add3A_112 = arith.addi %add3A_110, %add3A_111 : i32
      %swap3A_113 = arith.index_cast %add3A_112 : i32 to index
      %swap3A_114 = arith.constant 0 : index
      %swap3A_115 = tpu.vector_load %arg6[%swap3A_113, %swap3A_114] {strides = array<i32>} : memref<5000x16xf32, #tpu.memory_space<vmem>>, vector<1x16xf32>,
      %swap3A_116 = vector.shape_cast %swap3A_115 : vector<1x16xf32> to vector<16xf32>
      %swap3A_117 = vector.shape_cast %get3A_106 : vector<16xf32> to vector<1x16xf32>
      tpu.vector_store %arg6[%swap3A_113, %swap3A_114], %swap3A_117 {strides = array<i32>} : memref<5000x16xf32, #tpu.memory_space<vmem>>, vector<1x16xf32>,
      %get3A_118 = arith.index_cast %scan3A_59 : i32 to index
      %get3A_119 = arith.constant 64 : index
      %get3A_120 = tpu.vector_load %arg7[%get3A_118, %get3A_119] {strides = array<i32>} : memref<125x128xf32, #tpu.memory_space<vmem>>, vector<1x16xf32>,
      %get3A_121 = vector.shape_cast %get3A_120 : vector<1x16xf32> to vector<16xf32>
      %mul3A_122 = arith.constant 8 : i32
      %mul3A_123 = arith.muli %scan3A_59, %mul3A_122 : i32
      %add3A_124 = arith.constant 2000 : i32
      %add3A_125 = arith.addi %add3A_124, %mul3A_123 : i32
      %add3A_126 = arith.constant 4 : i32
      %add3A_127 = arith.addi %add3A_125, %add3A_126 : i32
      %swap3A_128 = arith.index_cast %add3A_127 : i32 to index
      %swap3A_129 = arith.constant 0 : index
      %swap3A_130 = tpu.vector_load %arg6[%swap3A_128, %swap3A_129] {strides = array<i32>} : memref<5000x16xf32, #tpu.memory_space<vmem>>, vector<1x16xf32>,
      %swap3A_131 = vector.shape_cast %swap3A_130 : vector<1x16xf32> to vector<16xf32>
      %swap3A_132 = vector.shape_cast %get3A_121 : vector<16xf32> to vector<1x16xf32>
      tpu.vector_store %arg6[%swap3A_128, %swap3A_129], %swap3A_132 {strides = array<i32>} : memref<5000x16xf32, #tpu.memory_space<vmem>>, vector<1x16xf32>,
      %get3A_133 = arith.index_cast %scan3A_59 : i32 to index
      %get3A_134 = arith.constant 80 : index
      %get3A_135 = tpu.vector_load %arg7[%get3A_133, %get3A_134] {strides = array<i32>} : memref<125x128xf32, #tpu.memory_space<vmem>>, vector<1x16xf32>,
      %get3A_136 = vector.shape_cast %get3A_135 : vector<1x16xf32> to vector<16xf32>
      %mul3A_137 = arith.constant 8 : i32
      %mul3A_138 = arith.muli %scan3A_59, %mul3A_137 : i32
      %add3A_139 = arith.constant 2000 : i32
      %add3A_140 = arith.addi %add3A_139, %mul3A_138 : i32
      %add3A_141 = arith.constant 5 : i32
      %add3A_142 = arith.addi %add3A_140, %add3A_141 : i32
      %swap3A_143 = arith.index_cast %add3A_142 : i32 to index
      %swap3A_144 = arith.constant 0 : index
      %swap3A_145 = tpu.vector_load %arg6[%swap3A_143, %swap3A_144] {strides = array<i32>} : memref<5000x16xf32, #tpu.memory_space<vmem>>, vector<1x16xf32>,
      %swap3A_146 = vector.shape_cast %swap3A_145 : vector<1x16xf32> to vector<16xf32>
      %swap3A_147 = vector.shape_cast %get3A_136 : vector<16xf32> to vector<1x16xf32>
      tpu.vector_store %arg6[%swap3A_143, %swap3A_144], %swap3A_147 {strides = array<i32>} : memref<5000x16xf32, #tpu.memory_space<vmem>>, vector<1x16xf32>,
      %get3A_148 = arith.index_cast %scan3A_59 : i32 to index
      %get3A_149 = arith.constant 96 : index
      %get3A_150 = tpu.vector_load %arg7[%get3A_148, %get3A_149] {strides = array<i32>} : memref<125x128xf32, #tpu.memory_space<vmem>>, vector<1x16xf32>,
      %get3A_151 = vector.shape_cast %get3A_150 : vector<1x16xf32> to vector<16xf32>
      %mul3A_152 = arith.constant 8 : i32
      %mul3A_153 = arith.muli %scan3A_59, %mul3A_152 : i32
      %add3A_154 = arith.constant 2000 : i32
      %add3A_155 = arith.addi %add3A_154, %mul3A_153 : i32
      %add3A_156 = arith.constant 6 : i32
      %add3A_157 = arith.addi %add3A_155, %add3A_156 : i32
      %swap3A_158 = arith.index_cast %add3A_157 : i32 to index
      %swap3A_159 = arith.constant 0 : index
      %swap3A_160 = tpu.vector_load %arg6[%swap3A_158, %swap3A_159] {strides = array<i32>} : memref<5000x16xf32, #tpu.memory_space<vmem>>, vector<1x16xf32>,
      %swap3A_161 = vector.shape_cast %swap3A_160 : vector<1x16xf32> to vector<16xf32>
      %swap3A_162 = vector.shape_cast %get3A_151 : vector<16xf32> to vector<1x16xf32>
      tpu.vector_store %arg6[%swap3A_158, %swap3A_159], %swap3A_162 {strides = array<i32>} : memref<5000x16xf32, #tpu.memory_space<vmem>>, vector<1x16xf32>,
      %get3A_163 = arith.index_cast %scan3A_59 : i32 to index
      %get3A_164 = arith.constant 112 : index
      %get3A_165 = tpu.vector_load %arg7[%get3A_163, %get3A_164] {strides = array<i32>} : memref<125x128xf32, #tpu.memory_space<vmem>>, vector<1x16xf32>,
      %get3A_166 = vector.shape_cast %get3A_165 : vector<1x16xf32> to vector<16xf32>
      %mul3A_167 = arith.constant 8 : i32
      %mul3A_168 = arith.muli %scan3A_59, %mul3A_167 : i32
      %add3A_169 = arith.constant 2000 : i32
      %add3A_170 = arith.addi %add3A_169, %mul3A_168 : i32
      %add3A_171 = arith.constant 7 : i32
      %add3A_172 = arith.addi %add3A_170, %add3A_171 : i32
      %swap3A_173 = arith.index_cast %add3A_172 : i32 to index
      %swap3A_174 = arith.constant 0 : index
      %swap3A_175 = tpu.vector_load %arg6[%swap3A_173, %swap3A_174] {strides = array<i32>} : memref<5000x16xf32, #tpu.memory_space<vmem>>, vector<1x16xf32>,
      %swap3A_176 = vector.shape_cast %swap3A_175 : vector<1x16xf32> to vector<16xf32>
      %swap3A_177 = vector.shape_cast %get3A_166 : vector<16xf32> to vector<1x16xf32>
      tpu.vector_store %arg6[%swap3A_173, %swap3A_174], %swap3A_177 {strides = array<i32>} : memref<5000x16xf32, #tpu.memory_space<vmem>>, vector<1x16xf32>,
    }
    %scan3A_36 = arith.constant 125 : i32
    %add3A_37 = arith.constant 375 : i32
    %add3A_38 = arith.addi %mul3A_4, %add3A_37 : i32
    "tpu.region"() ({
      %run_scoped3A = tpu.sem_alloc : memref<!tpu.dma_semaphore, #tpu.memory_space<semaphore_mem>>
      %dma_start3A_59 = arith.constant 0 : i32
      %dma_start3A_60 = tpu.memref_slice %arg2[%add3A_38, %dma_start3A_59] : memref<20000x128xf32, #tpu.memory_space<hbm>> -> memref<125x128xf32, #tpu.memory_space<hbm>>
      %dma_start3A_61 = arith.constant 0 : i32
      %dma_start3A_62 = tpu.memref_slice %arg2[%add3A_38, %dma_start3A_61] : memref<20000x128xf32, #tpu.memory_space<hbm>> -> memref<125x128xf32, #tpu.memory_space<hbm>>
      tpu.enqueue_dma source(%dma_start3A_62 : memref<125x128xf32, #tpu.memory_space<hbm>>) target(%arg7 : memref<125x128xf32, #tpu.memory_space<vmem>>) target_semaphore(%run_scoped3A : memref<!tpu.dma_semaphore, #tpu.memory_space<semaphore_mem>>)
      %dma_wait3A_63 = arith.constant 0 : i32
      %dma_wait3A_64 = tpu.memref_slice %arg2[%add3A_38, %dma_wait3A_63] : memref<20000x128xf32, #tpu.memory_space<hbm>> -> memref<125x128xf32, #tpu.memory_space<hbm>>
      %dma_wait3A_65 = arith.constant 0 : i32
      %dma_wait3A_66 = tpu.memref_slice %arg2[%add3A_38, %dma_wait3A_65] : memref<20000x128xf32, #tpu.memory_space<hbm>> -> memref<125x128xf32, #tpu.memory_space<hbm>>
      tpu.wait_dma2 semaphore(%run_scoped3A : memref<!tpu.dma_semaphore, #tpu.memory_space<semaphore_mem>>) src(%dma_wait3A_66 : memref<125x128xf32, #tpu.memory_space<hbm>>) dst(%arg7 : memref<125x128xf32, #tpu.memory_space<vmem>>)
      tpu.yield
    }) : () -> ()
    %scan3A_39 = arith.constant 0 : i32
    %scan3A_40 = arith.constant 0 : i32
    %scan3A_41 = arith.constant 125 : i32
    %scan3A_42 = arith.addi %scan3A_40, %scan3A_41 : i32
    %scan3A_43 = arith.constant 1 : i32
    scf.for %scan3A_59 = %scan3A_40 to %scan3A_42 step %scan3A_43  : i32 {
      %get3A = arith.index_cast %scan3A_59 : i32 to index
      %get3A_60 = arith.constant 0 : index
      %get3A_61 = tpu.vector_load %arg7[%get3A, %get3A_60] {strides = array<i32>} : memref<125x128xf32, #tpu.memory_space<vmem>>, vector<1x16xf32>,
      %get3A_62 = vector.shape_cast %get3A_61 : vector<1x16xf32> to vector<16xf32>
      %mul3A_63 = arith.constant 8 : i32
      %mul3A_64 = arith.muli %scan3A_59, %mul3A_63 : i32
      %add3A_65 = arith.constant 3000 : i32
      %add3A_66 = arith.addi %add3A_65, %mul3A_64 : i32
      %add3A_67 = arith.constant 0 : i32
      %add3A_68 = arith.addi %add3A_66, %add3A_67 : i32
      %swap3A = arith.index_cast %add3A_68 : i32 to index
      %swap3A_69 = arith.constant 0 : index
      %swap3A_70 = tpu.vector_load %arg6[%swap3A, %swap3A_69] {strides = array<i32>} : memref<5000x16xf32, #tpu.memory_space<vmem>>, vector<1x16xf32>,
      %swap3A_71 = vector.shape_cast %swap3A_70 : vector<1x16xf32> to vector<16xf32>
      %swap3A_72 = vector.shape_cast %get3A_62 : vector<16xf32> to vector<1x16xf32>
      tpu.vector_store %arg6[%swap3A, %swap3A_69], %swap3A_72 {strides = array<i32>} : memref<5000x16xf32, #tpu.memory_space<vmem>>, vector<1x16xf32>,
      %get3A_73 = arith.index_cast %scan3A_59 : i32 to index
      %get3A_74 = arith.constant 16 : index
      %get3A_75 = tpu.vector_load %arg7[%get3A_73, %get3A_74] {strides = array<i32>} : memref<125x128xf32, #tpu.memory_space<vmem>>, vector<1x16xf32>,
      %get3A_76 = vector.shape_cast %get3A_75 : vector<1x16xf32> to vector<16xf32>
      %mul3A_77 = arith.constant 8 : i32
      %mul3A_78 = arith.muli %scan3A_59, %mul3A_77 : i32
      %add3A_79 = arith.constant 3000 : i32
      %add3A_80 = arith.addi %add3A_79, %mul3A_78 : i32
      %add3A_81 = arith.constant 1 : i32
      %add3A_82 = arith.addi %add3A_80, %add3A_81 : i32
      %swap3A_83 = arith.index_cast %add3A_82 : i32 to index
      %swap3A_84 = arith.constant 0 : index
      %swap3A_85 = tpu.vector_load %arg6[%swap3A_83, %swap3A_84] {strides = array<i32>} : memref<5000x16xf32, #tpu.memory_space<vmem>>, vector<1x16xf32>,
      %swap3A_86 = vector.shape_cast %swap3A_85 : vector<1x16xf32> to vector<16xf32>
      %swap3A_87 = vector.shape_cast %get3A_76 : vector<16xf32> to vector<1x16xf32>
      tpu.vector_store %arg6[%swap3A_83, %swap3A_84], %swap3A_87 {strides = array<i32>} : memref<5000x16xf32, #tpu.memory_space<vmem>>, vector<1x16xf32>,
      %get3A_88 = arith.index_cast %scan3A_59 : i32 to index
      %get3A_89 = arith.constant 32 : index
      %get3A_90 = tpu.vector_load %arg7[%get3A_88, %get3A_89] {strides = array<i32>} : memref<125x128xf32, #tpu.memory_space<vmem>>, vector<1x16xf32>,
      %get3A_91 = vector.shape_cast %get3A_90 : vector<1x16xf32> to vector<16xf32>
      %mul3A_92 = arith.constant 8 : i32
      %mul3A_93 = arith.muli %scan3A_59, %mul3A_92 : i32
      %add3A_94 = arith.constant 3000 : i32
      %add3A_95 = arith.addi %add3A_94, %mul3A_93 : i32
      %add3A_96 = arith.constant 2 : i32
      %add3A_97 = arith.addi %add3A_95, %add3A_96 : i32
      %swap3A_98 = arith.index_cast %add3A_97 : i32 to index
      %swap3A_99 = arith.constant 0 : index
      %swap3A_100 = tpu.vector_load %arg6[%swap3A_98, %swap3A_99] {strides = array<i32>} : memref<5000x16xf32, #tpu.memory_space<vmem>>, vector<1x16xf32>,
      %swap3A_101 = vector.shape_cast %swap3A_100 : vector<1x16xf32> to vector<16xf32>
      %swap3A_102 = vector.shape_cast %get3A_91 : vector<16xf32> to vector<1x16xf32>
      tpu.vector_store %arg6[%swap3A_98, %swap3A_99], %swap3A_102 {strides = array<i32>} : memref<5000x16xf32, #tpu.memory_space<vmem>>, vector<1x16xf32>,
      %get3A_103 = arith.index_cast %scan3A_59 : i32 to index
      %get3A_104 = arith.constant 48 : index
      %get3A_105 = tpu.vector_load %arg7[%get3A_103, %get3A_104] {strides = array<i32>} : memref<125x128xf32, #tpu.memory_space<vmem>>, vector<1x16xf32>,
      %get3A_106 = vector.shape_cast %get3A_105 : vector<1x16xf32> to vector<16xf32>
      %mul3A_107 = arith.constant 8 : i32
      %mul3A_108 = arith.muli %scan3A_59, %mul3A_107 : i32
      %add3A_109 = arith.constant 3000 : i32
      %add3A_110 = arith.addi %add3A_109, %mul3A_108 : i32
      %add3A_111 = arith.constant 3 : i32
      %add3A_112 = arith.addi %add3A_110, %add3A_111 : i32
      %swap3A_113 = arith.index_cast %add3A_112 : i32 to index
      %swap3A_114 = arith.constant 0 : index
      %swap3A_115 = tpu.vector_load %arg6[%swap3A_113, %swap3A_114] {strides = array<i32>} : memref<5000x16xf32, #tpu.memory_space<vmem>>, vector<1x16xf32>,
      %swap3A_116 = vector.shape_cast %swap3A_115 : vector<1x16xf32> to vector<16xf32>
      %swap3A_117 = vector.shape_cast %get3A_106 : vector<16xf32> to vector<1x16xf32>
      tpu.vector_store %arg6[%swap3A_113, %swap3A_114], %swap3A_117 {strides = array<i32>} : memref<5000x16xf32, #tpu.memory_space<vmem>>, vector<1x16xf32>,
      %get3A_118 = arith.index_cast %scan3A_59 : i32 to index
      %get3A_119 = arith.constant 64 : index
      %get3A_120 = tpu.vector_load %arg7[%get3A_118, %get3A_119] {strides = array<i32>} : memref<125x128xf32, #tpu.memory_space<vmem>>, vector<1x16xf32>,
      %get3A_121 = vector.shape_cast %get3A_120 : vector<1x16xf32> to vector<16xf32>
      %mul3A_122 = arith.constant 8 : i32
      %mul3A_123 = arith.muli %scan3A_59, %mul3A_122 : i32
      %add3A_124 = arith.constant 3000 : i32
      %add3A_125 = arith.addi %add3A_124, %mul3A_123 : i32
      %add3A_126 = arith.constant 4 : i32
      %add3A_127 = arith.addi %add3A_125, %add3A_126 : i32
      %swap3A_128 = arith.index_cast %add3A_127 : i32 to index
      %swap3A_129 = arith.constant 0 : index
      %swap3A_130 = tpu.vector_load %arg6[%swap3A_128, %swap3A_129] {strides = array<i32>} : memref<5000x16xf32, #tpu.memory_space<vmem>>, vector<1x16xf32>,
      %swap3A_131 = vector.shape_cast %swap3A_130 : vector<1x16xf32> to vector<16xf32>
      %swap3A_132 = vector.shape_cast %get3A_121 : vector<16xf32> to vector<1x16xf32>
      tpu.vector_store %arg6[%swap3A_128, %swap3A_129], %swap3A_132 {strides = array<i32>} : memref<5000x16xf32, #tpu.memory_space<vmem>>, vector<1x16xf32>,
      %get3A_133 = arith.index_cast %scan3A_59 : i32 to index
      %get3A_134 = arith.constant 80 : index
      %get3A_135 = tpu.vector_load %arg7[%get3A_133, %get3A_134] {strides = array<i32>} : memref<125x128xf32, #tpu.memory_space<vmem>>, vector<1x16xf32>,
      %get3A_136 = vector.shape_cast %get3A_135 : vector<1x16xf32> to vector<16xf32>
      %mul3A_137 = arith.constant 8 : i32
      %mul3A_138 = arith.muli %scan3A_59, %mul3A_137 : i32
      %add3A_139 = arith.constant 3000 : i32
      %add3A_140 = arith.addi %add3A_139, %mul3A_138 : i32
      %add3A_141 = arith.constant 5 : i32
      %add3A_142 = arith.addi %add3A_140, %add3A_141 : i32
      %swap3A_143 = arith.index_cast %add3A_142 : i32 to index
      %swap3A_144 = arith.constant 0 : index
      %swap3A_145 = tpu.vector_load %arg6[%swap3A_143, %swap3A_144] {strides = array<i32>} : memref<5000x16xf32, #tpu.memory_space<vmem>>, vector<1x16xf32>,
      %swap3A_146 = vector.shape_cast %swap3A_145 : vector<1x16xf32> to vector<16xf32>
      %swap3A_147 = vector.shape_cast %get3A_136 : vector<16xf32> to vector<1x16xf32>
      tpu.vector_store %arg6[%swap3A_143, %swap3A_144], %swap3A_147 {strides = array<i32>} : memref<5000x16xf32, #tpu.memory_space<vmem>>, vector<1x16xf32>,
      %get3A_148 = arith.index_cast %scan3A_59 : i32 to index
      %get3A_149 = arith.constant 96 : index
      %get3A_150 = tpu.vector_load %arg7[%get3A_148, %get3A_149] {strides = array<i32>} : memref<125x128xf32, #tpu.memory_space<vmem>>, vector<1x16xf32>,
      %get3A_151 = vector.shape_cast %get3A_150 : vector<1x16xf32> to vector<16xf32>
      %mul3A_152 = arith.constant 8 : i32
      %mul3A_153 = arith.muli %scan3A_59, %mul3A_152 : i32
      %add3A_154 = arith.constant 3000 : i32
      %add3A_155 = arith.addi %add3A_154, %mul3A_153 : i32
      %add3A_156 = arith.constant 6 : i32
      %add3A_157 = arith.addi %add3A_155, %add3A_156 : i32
      %swap3A_158 = arith.index_cast %add3A_157 : i32 to index
      %swap3A_159 = arith.constant 0 : index
      %swap3A_160 = tpu.vector_load %arg6[%swap3A_158, %swap3A_159] {strides = array<i32>} : memref<5000x16xf32, #tpu.memory_space<vmem>>, vector<1x16xf32>,
      %swap3A_161 = vector.shape_cast %swap3A_160 : vector<1x16xf32> to vector<16xf32>
      %swap3A_162 = vector.shape_cast %get3A_151 : vector<16xf32> to vector<1x16xf32>
      tpu.vector_store %arg6[%swap3A_158, %swap3A_159], %swap3A_162 {strides = array<i32>} : memref<5000x16xf32, #tpu.memory_space<vmem>>, vector<1x16xf32>,
      %get3A_163 = arith.index_cast %scan3A_59 : i32 to index
      %get3A_164 = arith.constant 112 : index
      %get3A_165 = tpu.vector_load %arg7[%get3A_163, %get3A_164] {strides = array<i32>} : memref<125x128xf32, #tpu.memory_space<vmem>>, vector<1x16xf32>,
      %get3A_166 = vector.shape_cast %get3A_165 : vector<1x16xf32> to vector<16xf32>
      %mul3A_167 = arith.constant 8 : i32
      %mul3A_168 = arith.muli %scan3A_59, %mul3A_167 : i32
      %add3A_169 = arith.constant 3000 : i32
      %add3A_170 = arith.addi %add3A_169, %mul3A_168 : i32
      %add3A_171 = arith.constant 7 : i32
      %add3A_172 = arith.addi %add3A_170, %add3A_171 : i32
      %swap3A_173 = arith.index_cast %add3A_172 : i32 to index
      %swap3A_174 = arith.constant 0 : index
      %swap3A_175 = tpu.vector_load %arg6[%swap3A_173, %swap3A_174] {strides = array<i32>} : memref<5000x16xf32, #tpu.memory_space<vmem>>, vector<1x16xf32>,
      %swap3A_176 = vector.shape_cast %swap3A_175 : vector<1x16xf32> to vector<16xf32>
      %swap3A_177 = vector.shape_cast %get3A_166 : vector<16xf32> to vector<1x16xf32>
      tpu.vector_store %arg6[%swap3A_173, %swap3A_174], %swap3A_177 {strides = array<i32>} : memref<5000x16xf32, #tpu.memory_space<vmem>>, vector<1x16xf32>,
    }
    %scan3A_44 = arith.constant 125 : i32
    %add3A_45 = arith.constant 500 : i32
    %add3A_46 = arith.addi %mul3A_4, %add3A_45 : i32
    "tpu.region"() ({
      %run_scoped3A = tpu.sem_alloc : memref<!tpu.dma_semaphore, #tpu.memory_space<semaphore_mem>>
      %dma_start3A_59 = arith.constant 0 : i32
      %dma_start3A_60 = tpu.memref_slice %arg2[%add3A_46, %dma_start3A_59] : memref<20000x128xf32, #tpu.memory_space<hbm>> -> memref<125x128xf32, #tpu.memory_space<hbm>>
      %dma_start3A_61 = arith.constant 0 : i32
      %dma_start3A_62 = tpu.memref_slice %arg2[%add3A_46, %dma_start3A_61] : memref<20000x128xf32, #tpu.memory_space<hbm>> -> memref<125x128xf32, #tpu.memory_space<hbm>>
      tpu.enqueue_dma source(%dma_start3A_62 : memref<125x128xf32, #tpu.memory_space<hbm>>) target(%arg7 : memref<125x128xf32, #tpu.memory_space<vmem>>) target_semaphore(%run_scoped3A : memref<!tpu.dma_semaphore, #tpu.memory_space<semaphore_mem>>)
      %dma_wait3A_63 = arith.constant 0 : i32
      %dma_wait3A_64 = tpu.memref_slice %arg2[%add3A_46, %dma_wait3A_63] : memref<20000x128xf32, #tpu.memory_space<hbm>> -> memref<125x128xf32, #tpu.memory_space<hbm>>
      %dma_wait3A_65 = arith.constant 0 : i32
      %dma_wait3A_66 = tpu.memref_slice %arg2[%add3A_46, %dma_wait3A_65] : memref<20000x128xf32, #tpu.memory_space<hbm>> -> memref<125x128xf32, #tpu.memory_space<hbm>>
      tpu.wait_dma2 semaphore(%run_scoped3A : memref<!tpu.dma_semaphore, #tpu.memory_space<semaphore_mem>>) src(%dma_wait3A_66 : memref<125x128xf32, #tpu.memory_space<hbm>>) dst(%arg7 : memref<125x128xf32, #tpu.memory_space<vmem>>)
      tpu.yield
    }) : () -> ()
    %scan3A_47 = arith.constant 0 : i32
    %scan3A_48 = arith.constant 0 : i32
    %scan3A_49 = arith.constant 125 : i32
    %scan3A_50 = arith.addi %scan3A_48, %scan3A_49 : i32
    %scan3A_51 = arith.constant 1 : i32
    scf.for %scan3A_59 = %scan3A_48 to %scan3A_50 step %scan3A_51  : i32 {
      %get3A = arith.index_cast %scan3A_59 : i32 to index
      %get3A_60 = arith.constant 0 : index
      %get3A_61 = tpu.vector_load %arg7[%get3A, %get3A_60] {strides = array<i32>} : memref<125x128xf32, #tpu.memory_space<vmem>>, vector<1x16xf32>,
      %get3A_62 = vector.shape_cast %get3A_61 : vector<1x16xf32> to vector<16xf32>
      %mul3A_63 = arith.constant 8 : i32
      %mul3A_64 = arith.muli %scan3A_59, %mul3A_63 : i32
      %add3A_65 = arith.constant 4000 : i32
      %add3A_66 = arith.addi %add3A_65, %mul3A_64 : i32
      %add3A_67 = arith.constant 0 : i32
      %add3A_68 = arith.addi %add3A_66, %add3A_67 : i32
      %swap3A = arith.index_cast %add3A_68 : i32 to index
      %swap3A_69 = arith.constant 0 : index
      %swap3A_70 = tpu.vector_load %arg6[%swap3A, %swap3A_69] {strides = array<i32>} : memref<5000x16xf32, #tpu.memory_space<vmem>>, vector<1x16xf32>,
      %swap3A_71 = vector.shape_cast %swap3A_70 : vector<1x16xf32> to vector<16xf32>
      %swap3A_72 = vector.shape_cast %get3A_62 : vector<16xf32> to vector<1x16xf32>
      tpu.vector_store %arg6[%swap3A, %swap3A_69], %swap3A_72 {strides = array<i32>} : memref<5000x16xf32, #tpu.memory_space<vmem>>, vector<1x16xf32>,
      %get3A_73 = arith.index_cast %scan3A_59 : i32 to index
      %get3A_74 = arith.constant 16 : index
      %get3A_75 = tpu.vector_load %arg7[%get3A_73, %get3A_74] {strides = array<i32>} : memref<125x128xf32, #tpu.memory_space<vmem>>, vector<1x16xf32>,
      %get3A_76 = vector.shape_cast %get3A_75 : vector<1x16xf32> to vector<16xf32>
      %mul3A_77 = arith.constant 8 : i32
      %mul3A_78 = arith.muli %scan3A_59, %mul3A_77 : i32
      %add3A_79 = arith.constant 4000 : i32
      %add3A_80 = arith.addi %add3A_79, %mul3A_78 : i32
      %add3A_81 = arith.constant 1 : i32
      %add3A_82 = arith.addi %add3A_80, %add3A_81 : i32
      %swap3A_83 = arith.index_cast %add3A_82 : i32 to index
      %swap3A_84 = arith.constant 0 : index
      %swap3A_85 = tpu.vector_load %arg6[%swap3A_83, %swap3A_84] {strides = array<i32>} : memref<5000x16xf32, #tpu.memory_space<vmem>>, vector<1x16xf32>,
      %swap3A_86 = vector.shape_cast %swap3A_85 : vector<1x16xf32> to vector<16xf32>
      %swap3A_87 = vector.shape_cast %get3A_76 : vector<16xf32> to vector<1x16xf32>
      tpu.vector_store %arg6[%swap3A_83, %swap3A_84], %swap3A_87 {strides = array<i32>} : memref<5000x16xf32, #tpu.memory_space<vmem>>, vector<1x16xf32>,
      %get3A_88 = arith.index_cast %scan3A_59 : i32 to index
      %get3A_89 = arith.constant 32 : index
      %get3A_90 = tpu.vector_load %arg7[%get3A_88, %get3A_89] {strides = array<i32>} : memref<125x128xf32, #tpu.memory_space<vmem>>, vector<1x16xf32>,
      %get3A_91 = vector.shape_cast %get3A_90 : vector<1x16xf32> to vector<16xf32>
      %mul3A_92 = arith.constant 8 : i32
      %mul3A_93 = arith.muli %scan3A_59, %mul3A_92 : i32
      %add3A_94 = arith.constant 4000 : i32
      %add3A_95 = arith.addi %add3A_94, %mul3A_93 : i32
      %add3A_96 = arith.constant 2 : i32
      %add3A_97 = arith.addi %add3A_95, %add3A_96 : i32
      %swap3A_98 = arith.index_cast %add3A_97 : i32 to index
      %swap3A_99 = arith.constant 0 : index
      %swap3A_100 = tpu.vector_load %arg6[%swap3A_98, %swap3A_99] {strides = array<i32>} : memref<5000x16xf32, #tpu.memory_space<vmem>>, vector<1x16xf32>,
      %swap3A_101 = vector.shape_cast %swap3A_100 : vector<1x16xf32> to vector<16xf32>
      %swap3A_102 = vector.shape_cast %get3A_91 : vector<16xf32> to vector<1x16xf32>
      tpu.vector_store %arg6[%swap3A_98, %swap3A_99], %swap3A_102 {strides = array<i32>} : memref<5000x16xf32, #tpu.memory_space<vmem>>, vector<1x16xf32>,
      %get3A_103 = arith.index_cast %scan3A_59 : i32 to index
      %get3A_104 = arith.constant 48 : index
      %get3A_105 = tpu.vector_load %arg7[%get3A_103, %get3A_104] {strides = array<i32>} : memref<125x128xf32, #tpu.memory_space<vmem>>, vector<1x16xf32>,
      %get3A_106 = vector.shape_cast %get3A_105 : vector<1x16xf32> to vector<16xf32>
      %mul3A_107 = arith.constant 8 : i32
      %mul3A_108 = arith.muli %scan3A_59, %mul3A_107 : i32
      %add3A_109 = arith.constant 4000 : i32
      %add3A_110 = arith.addi %add3A_109, %mul3A_108 : i32
      %add3A_111 = arith.constant 3 : i32
      %add3A_112 = arith.addi %add3A_110, %add3A_111 : i32
      %swap3A_113 = arith.index_cast %add3A_112 : i32 to index
      %swap3A_114 = arith.constant 0 : index
      %swap3A_115 = tpu.vector_load %arg6[%swap3A_113, %swap3A_114] {strides = array<i32>} : memref<5000x16xf32, #tpu.memory_space<vmem>>, vector<1x16xf32>,
      %swap3A_116 = vector.shape_cast %swap3A_115 : vector<1x16xf32> to vector<16xf32>
      %swap3A_117 = vector.shape_cast %get3A_106 : vector<16xf32> to vector<1x16xf32>
      tpu.vector_store %arg6[%swap3A_113, %swap3A_114], %swap3A_117 {strides = array<i32>} : memref<5000x16xf32, #tpu.memory_space<vmem>>, vector<1x16xf32>,
      %get3A_118 = arith.index_cast %scan3A_59 : i32 to index
      %get3A_119 = arith.constant 64 : index
      %get3A_120 = tpu.vector_load %arg7[%get3A_118, %get3A_119] {strides = array<i32>} : memref<125x128xf32, #tpu.memory_space<vmem>>, vector<1x16xf32>,
      %get3A_121 = vector.shape_cast %get3A_120 : vector<1x16xf32> to vector<16xf32>
      %mul3A_122 = arith.constant 8 : i32
      %mul3A_123 = arith.muli %scan3A_59, %mul3A_122 : i32
      %add3A_124 = arith.constant 4000 : i32
      %add3A_125 = arith.addi %add3A_124, %mul3A_123 : i32
      %add3A_126 = arith.constant 4 : i32
      %add3A_127 = arith.addi %add3A_125, %add3A_126 : i32
      %swap3A_128 = arith.index_cast %add3A_127 : i32 to index
      %swap3A_129 = arith.constant 0 : index
      %swap3A_130 = tpu.vector_load %arg6[%swap3A_128, %swap3A_129] {strides = array<i32>} : memref<5000x16xf32, #tpu.memory_space<vmem>>, vector<1x16xf32>,
      %swap3A_131 = vector.shape_cast %swap3A_130 : vector<1x16xf32> to vector<16xf32>
      %swap3A_132 = vector.shape_cast %get3A_121 : vector<16xf32> to vector<1x16xf32>
      tpu.vector_store %arg6[%swap3A_128, %swap3A_129], %swap3A_132 {strides = array<i32>} : memref<5000x16xf32, #tpu.memory_space<vmem>>, vector<1x16xf32>,
      %get3A_133 = arith.index_cast %scan3A_59 : i32 to index
      %get3A_134 = arith.constant 80 : index
      %get3A_135 = tpu.vector_load %arg7[%get3A_133, %get3A_134] {strides = array<i32>} : memref<125x128xf32, #tpu.memory_space<vmem>>, vector<1x16xf32>,
      %get3A_136 = vector.shape_cast %get3A_135 : vector<1x16xf32> to vector<16xf32>
      %mul3A_137 = arith.constant 8 : i32
      %mul3A_138 = arith.muli %scan3A_59, %mul3A_137 : i32
      %add3A_139 = arith.constant 4000 : i32
      %add3A_140 = arith.addi %add3A_139, %mul3A_138 : i32
      %add3A_141 = arith.constant 5 : i32
      %add3A_142 = arith.addi %add3A_140, %add3A_141 : i32
      %swap3A_143 = arith.index_cast %add3A_142 : i32 to index
      %swap3A_144 = arith.constant 0 : index
      %swap3A_145 = tpu.vector_load %arg6[%swap3A_143, %swap3A_144] {strides = array<i32>} : memref<5000x16xf32, #tpu.memory_space<vmem>>, vector<1x16xf32>,
      %swap3A_146 = vector.shape_cast %swap3A_145 : vector<1x16xf32> to vector<16xf32>
      %swap3A_147 = vector.shape_cast %get3A_136 : vector<16xf32> to vector<1x16xf32>
      tpu.vector_store %arg6[%swap3A_143, %swap3A_144], %swap3A_147 {strides = array<i32>} : memref<5000x16xf32, #tpu.memory_space<vmem>>, vector<1x16xf32>,
      %get3A_148 = arith.index_cast %scan3A_59 : i32 to index
      %get3A_149 = arith.constant 96 : index
      %get3A_150 = tpu.vector_load %arg7[%get3A_148, %get3A_149] {strides = array<i32>} : memref<125x128xf32, #tpu.memory_space<vmem>>, vector<1x16xf32>,
      %get3A_151 = vector.shape_cast %get3A_150 : vector<1x16xf32> to vector<16xf32>
      %mul3A_152 = arith.constant 8 : i32
      %mul3A_153 = arith.muli %scan3A_59, %mul3A_152 : i32
      %add3A_154 = arith.constant 4000 : i32
      %add3A_155 = arith.addi %add3A_154, %mul3A_153 : i32
      %add3A_156 = arith.constant 6 : i32
      %add3A_157 = arith.addi %add3A_155, %add3A_156 : i32
      %swap3A_158 = arith.index_cast %add3A_157 : i32 to index
      %swap3A_159 = arith.constant 0 : index
      %swap3A_160 = tpu.vector_load %arg6[%swap3A_158, %swap3A_159] {strides = array<i32>} : memref<5000x16xf32, #tpu.memory_space<vmem>>, vector<1x16xf32>,
      %swap3A_161 = vector.shape_cast %swap3A_160 : vector<1x16xf32> to vector<16xf32>
      %swap3A_162 = vector.shape_cast %get3A_151 : vector<16xf32> to vector<1x16xf32>
      tpu.vector_store %arg6[%swap3A_158, %swap3A_159], %swap3A_162 {strides = array<i32>} : memref<5000x16xf32, #tpu.memory_space<vmem>>, vector<1x16xf32>,
      %get3A_163 = arith.index_cast %scan3A_59 : i32 to index
      %get3A_164 = arith.constant 112 : index
      %get3A_165 = tpu.vector_load %arg7[%get3A_163, %get3A_164] {strides = array<i32>} : memref<125x128xf32, #tpu.memory_space<vmem>>, vector<1x16xf32>,
      %get3A_166 = vector.shape_cast %get3A_165 : vector<1x16xf32> to vector<16xf32>
      %mul3A_167 = arith.constant 8 : i32
      %mul3A_168 = arith.muli %scan3A_59, %mul3A_167 : i32
      %add3A_169 = arith.constant 4000 : i32
      %add3A_170 = arith.addi %add3A_169, %mul3A_168 : i32
      %add3A_171 = arith.constant 7 : i32
      %add3A_172 = arith.addi %add3A_170, %add3A_171 : i32
      %swap3A_173 = arith.index_cast %add3A_172 : i32 to index
      %swap3A_174 = arith.constant 0 : index
      %swap3A_175 = tpu.vector_load %arg6[%swap3A_173, %swap3A_174] {strides = array<i32>} : memref<5000x16xf32, #tpu.memory_space<vmem>>, vector<1x16xf32>,
      %swap3A_176 = vector.shape_cast %swap3A_175 : vector<1x16xf32> to vector<16xf32>
      %swap3A_177 = vector.shape_cast %get3A_166 : vector<16xf32> to vector<1x16xf32>
      tpu.vector_store %arg6[%swap3A_173, %swap3A_174], %swap3A_177 {strides = array<i32>} : memref<5000x16xf32, #tpu.memory_space<vmem>>, vector<1x16xf32>,
    }
    %scan3A_52 = arith.constant 125 : i32
    %dma_wait3A = tpu.memref_slice %arg3[%mul3A_2] : memref<160000xi32, #tpu.memory_space<hbm>> -> memref<5000xi32, #tpu.memory_space<hbm>>
    %dma_wait3A_53 = tpu.memref_slice %arg3[%mul3A_2] : memref<160000xi32, #tpu.memory_space<hbm>> -> memref<5000xi32, #tpu.memory_space<hbm>>
    tpu.wait_dma2 semaphore(%arg10 : memref<!tpu.dma_semaphore, #tpu.memory_space<semaphore_mem>>) src(%dma_wait3A_53 : memref<5000xi32, #tpu.memory_space<hbm>>) dst(%arg5 : memref<5000xi32, #tpu.memory_space<vmem>>)
    %barrier3A = arith.constant 0 : index
    tpu.barrier barrier_id(%barrier3A)
    "tpu.region"() ({
      %run_scoped3A = tpu.sem_alloc : memref<!tpu.dma_semaphore, #tpu.memory_space<semaphore_mem>>
      %dma_start3A_59 = arith.constant 0 : i32
      %dma_start3A_60 = arith.constant 0 : i32
      %dma_start3A_61 = tpu.memref_slice %arg9[%dma_start3A_59, %dma_start3A_60] : memref<10240x16xf32, #tpu.memory_space<vmem_shared>> -> memref<10240x16xf32, #tpu.memory_space<vmem_shared>>
      tpu.enqueue_indirect_dma source(%arg6 : memref<5000x16xf32, #tpu.memory_space<vmem>>) target(%dma_start3A_61 : memref<10240x16xf32, #tpu.memory_space<vmem_shared>>) offsets(%arg5 : memref<5000xi32, #tpu.memory_space<vmem>>) semaphore(%run_scoped3A : memref<!tpu.dma_semaphore, #tpu.memory_space<semaphore_mem>>) {add = true}
      %dma_wait3A_62 = arith.constant 0 : i32
      %dma_wait3A_63 = arith.constant 0 : i32
      %dma_wait3A_64 = tpu.memref_slice %arg9[%dma_wait3A_62, %dma_wait3A_63] : memref<10240x16xf32, #tpu.memory_space<vmem_shared>> -> memref<10240x16xf32, #tpu.memory_space<vmem_shared>>
      tpu.wait_indirect_dma semaphore(%run_scoped3A : memref<!tpu.dma_semaphore, #tpu.memory_space<semaphore_mem>>) src(%arg6 : memref<5000x16xf32, #tpu.memory_space<vmem>>) dst(%dma_wait3A_64 : memref<10240x16xf32, #tpu.memory_space<vmem_shared>>)
      tpu.yield
    }) : () -> ()
    %barrier3A_54 = arith.constant 0 : index
    tpu.barrier barrier_id(%barrier3A_54)
    %mul3A_55 = arith.constant 640 : i32
    %mul3A_56 = arith.muli %arg1, %mul3A_55 : i32
    %mul3A_57 = arith.constant 640 : i32
    %mul3A_58 = arith.muli %arg1, %mul3A_57 : i32
    "tpu.region"() ({
      %run_scoped3A = tpu.sem_alloc : memref<!tpu.dma_semaphore, #tpu.memory_space<semaphore_mem>>
      %dma_start3A_59 = arith.constant 0 : i32
      %dma_start3A_60 = tpu.memref_slice %arg4[%arg0, %mul3A_58, %dma_start3A_59] : memref<2x10240x16xf32, #tpu.memory_space<hbm>> -> memref<1x640x16xf32, #tpu.memory_space<hbm>>
      %dma_start3A_61 = tpu.memref_squeeze %dma_start3A_60 : memref<1x640x16xf32, #tpu.memory_space<hbm>> -> memref<640x16xf32, #tpu.memory_space<hbm>>
      %dma_start3A_62 = arith.constant 0 : i32
      %dma_start3A_63 = tpu.memref_slice %arg9[%mul3A_56, %dma_start3A_62] : memref<10240x16xf32, #tpu.memory_space<vmem_shared>> -> memref<640x16xf32, #tpu.memory_space<vmem_shared>>
      tpu.enqueue_dma source(%dma_start3A_63 : memref<640x16xf32, #tpu.memory_space<vmem_shared>>) target(%dma_start3A_61 : memref<640x16xf32, #tpu.memory_space<hbm>>) target_semaphore(%run_scoped3A : memref<!tpu.dma_semaphore, #tpu.memory_space<semaphore_mem>>)
      %dma_wait3A_64 = arith.constant 0 : i32
      %dma_wait3A_65 = tpu.memref_slice %arg4[%arg0, %mul3A_58, %dma_wait3A_64] : memref<2x10240x16xf32, #tpu.memory_space<hbm>> -> memref<1x640x16xf32, #tpu.memory_space<hbm>>
      %dma_wait3A_66 = tpu.memref_squeeze %dma_wait3A_65 : memref<1x640x16xf32, #tpu.memory_space<hbm>> -> memref<640x16xf32, #tpu.memory_space<hbm>>
      %dma_wait3A_67 = arith.constant 0 : i32
      %dma_wait3A_68 = tpu.memref_slice %arg9[%mul3A_56, %dma_wait3A_67] : memref<10240x16xf32, #tpu.memory_space<vmem_shared>> -> memref<640x16xf32, #tpu.memory_space<vmem_shared>>
      tpu.wait_dma2 semaphore(%run_scoped3A : memref<!tpu.dma_semaphore, #tpu.memory_space<semaphore_mem>>) src(%dma_wait3A_68 : memref<640x16xf32, #tpu.memory_space<vmem_shared>>) dst(%dma_wait3A_66 : memref<640x16xf32, #tpu.memory_space<hbm>>)
      tpu.yield
    }) : () -> ()
    return
  }
}

module attributes {stable_mosaic.version = 14 : i64} {
  func.func @_tc_edge_mlp_body(%arg0: i32, %arg1: memref<400x128xf32, #tpu.memory_space<vmem>>, %arg2: memref<400x128xf32, #tpu.memory_space<vmem>>, %arg3: memref<128x1024xf32, #tpu.memory_space<vmem>>, %arg4: memref<1x1024xf32, #tpu.memory_space<vmem>>, %arg5: memref<1024x512xf32, #tpu.memory_space<vmem>>, %arg6: memref<1x512xf32, #tpu.memory_space<vmem>>, %arg7: memref<512x2048xf32, #tpu.memory_space<vmem>>, %arg8: memref<1x2048xf32, #tpu.memory_space<vmem>>, %arg9: memref<128x2048xf32, #tpu.memory_space<vmem>>, %arg10: memref<2048x128xf32, #tpu.memory_space<vmem>>, %arg11: memref<400x128xf32, #tpu.memory_space<vmem>>) attributes {dimension_semantics = [#tpu.dimension_semantics<arbitrary>], iteration_bounds = array<i64: 50>, scalar_prefetch = 0 : i64, scratch_operands = 0 : i64, tpu.core_type = #tpu.core_type<tc>, window_params = [{transform_indices = @transform_0, window_bounds = array<i64: 400, 128>}, {transform_indices = @transform_1, window_bounds = array<i64: 400, 128>}, {pipeline_mode = #tpu.pipeline_mode<synchronous>, transform_indices = @transform_2, window_bounds = array<i64: 128, 1024>}, {pipeline_mode = #tpu.pipeline_mode<synchronous>, transform_indices = @transform_3, window_bounds = array<i64: 1, 1024>}, {pipeline_mode = #tpu.pipeline_mode<synchronous>, transform_indices = @transform_4, window_bounds = array<i64: 1024, 512>}, {pipeline_mode = #tpu.pipeline_mode<synchronous>, transform_indices = @transform_5, window_bounds = array<i64: 1, 512>}, {pipeline_mode = #tpu.pipeline_mode<synchronous>, transform_indices = @transform_6, window_bounds = array<i64: 512, 2048>}, {pipeline_mode = #tpu.pipeline_mode<synchronous>, transform_indices = @transform_7, window_bounds = array<i64: 1, 2048>}, {pipeline_mode = #tpu.pipeline_mode<synchronous>, transform_indices = @transform_8, window_bounds = array<i64: 128, 2048>}, {pipeline_mode = #tpu.pipeline_mode<synchronous>, transform_indices = @transform_9, window_bounds = array<i64: 2048, 128>}, {transform_indices = @transform_10, window_bounds = array<i64: 400, 128>}]} {
    %get3A = arith.constant 0 : index
    %get3A_0 = arith.constant 0 : index
    %get3A_1 = vector.load %arg1[%get3A, %get3A_0] : memref<400x128xf32, #tpu.memory_space<vmem>>, vector<400x128xf32>
    %get3A_2 = arith.constant 0 : index
    %get3A_3 = arith.constant 0 : index
    %get3A_4 = vector.load %arg3[%get3A_2, %get3A_3] : memref<128x1024xf32, #tpu.memory_space<vmem>>, vector<128x1024xf32>
    %dot_general3A = arith.constant dense<0.000000e+00> : vector<400x1024xf32>
    %dot_general3A_5 = tpu.matmul %get3A_1, %get3A_4, %dot_general3A {dimension_numbers = #tpu.dot_dimension_numbers<[1], [0], [0], [1], [0, 0, 1, 1], [], []>, transpose_lhs_hint = false} : vector<400x128xf32>, vector<128x1024xf32>, vector<400x1024xf32> -> vector<400x1024xf32>
    %get3A_6 = arith.constant 0 : index
    %get3A_7 = arith.constant 0 : index
    %get3A_8 = vector.load %arg4[%get3A_6, %get3A_7] : memref<1x1024xf32, #tpu.memory_space<vmem>>, vector<1x1024xf32>
    %add3A = vector.broadcast %get3A_8 : vector<1x1024xf32> to vector<400x1024xf32>
    %add3A_9 = arith.addf %dot_general3A_5, %add3A : vector<400x1024xf32>
    %max3A = arith.constant 0.000000e+00 : f32
    %max3A_10 = vector.broadcast %max3A : f32 to vector<400x1024xf32>
    %max3A_11 = arith.maximumf %add3A_9, %max3A_10 : vector<400x1024xf32>
    %get3A_12 = arith.constant 0 : index
    %get3A_13 = arith.constant 0 : index
    %get3A_14 = vector.load %arg5[%get3A_12, %get3A_13] : memref<1024x512xf32, #tpu.memory_space<vmem>>, vector<1024x512xf32>
    %dot_general3A_15 = arith.constant dense<0.000000e+00> : vector<400x512xf32>
    %dot_general3A_16 = tpu.matmul %max3A_11, %get3A_14, %dot_general3A_15 {dimension_numbers = #tpu.dot_dimension_numbers<[1], [0], [0], [1], [0, 0, 1, 1], [], []>, transpose_lhs_hint = false} : vector<400x1024xf32>, vector<1024x512xf32>, vector<400x512xf32> -> vector<400x512xf32>
    %get3A_17 = arith.constant 0 : index
    %get3A_18 = arith.constant 0 : index
    %get3A_19 = vector.load %arg6[%get3A_17, %get3A_18] : memref<1x512xf32, #tpu.memory_space<vmem>>, vector<1x512xf32>
    %add3A_20 = vector.broadcast %get3A_19 : vector<1x512xf32> to vector<400x512xf32>
    %add3A_21 = arith.addf %dot_general3A_16, %add3A_20 : vector<400x512xf32>
    %max3A_22 = arith.constant 0.000000e+00 : f32
    %max3A_23 = vector.broadcast %max3A_22 : f32 to vector<400x512xf32>
    %max3A_24 = arith.maximumf %add3A_21, %max3A_23 : vector<400x512xf32>
    %get3A_25 = arith.constant 0 : index
    %get3A_26 = arith.constant 0 : index
    %get3A_27 = vector.load %arg7[%get3A_25, %get3A_26] : memref<512x2048xf32, #tpu.memory_space<vmem>>, vector<512x2048xf32>
    %dot_general3A_28 = arith.constant dense<0.000000e+00> : vector<400x2048xf32>
    %dot_general3A_29 = tpu.matmul %max3A_24, %get3A_27, %dot_general3A_28 {dimension_numbers = #tpu.dot_dimension_numbers<[1], [0], [0], [1], [0, 0, 1, 1], [], []>, transpose_lhs_hint = false} : vector<400x512xf32>, vector<512x2048xf32>, vector<400x2048xf32> -> vector<400x2048xf32>
    %get3A_30 = arith.constant 0 : index
    %get3A_31 = arith.constant 0 : index
    %get3A_32 = vector.load %arg8[%get3A_30, %get3A_31] : memref<1x2048xf32, #tpu.memory_space<vmem>>, vector<1x2048xf32>
    %add3A_33 = vector.broadcast %get3A_32 : vector<1x2048xf32> to vector<400x2048xf32>
    %add3A_34 = arith.addf %dot_general3A_29, %add3A_33 : vector<400x2048xf32>
    %convert_element_type3A = arith.truncf %add3A_34 : vector<400x2048xf32> to vector<400x2048xbf16>
    %convert_element_type3A_35 = arith.extf %convert_element_type3A : vector<400x2048xbf16> to vector<400x2048xf32>
    %get3A_36 = arith.constant 0 : index
    %get3A_37 = arith.constant 0 : index
    %get3A_38 = vector.load %arg2[%get3A_36, %get3A_37] : memref<400x128xf32, #tpu.memory_space<vmem>>, vector<400x128xf32>
    %get3A_39 = arith.constant 0 : index
    %get3A_40 = arith.constant 0 : index
    %get3A_41 = vector.load %arg9[%get3A_39, %get3A_40] : memref<128x2048xf32, #tpu.memory_space<vmem>>, vector<128x2048xf32>
    %dot_general3A_42 = arith.constant dense<0.000000e+00> : vector<400x2048xf32>
    %dot_general3A_43 = tpu.matmul %get3A_38, %get3A_41, %dot_general3A_42 {dimension_numbers = #tpu.dot_dimension_numbers<[1], [0], [0], [1], [0, 0, 1, 1], [], []>, transpose_lhs_hint = false} : vector<400x128xf32>, vector<128x2048xf32>, vector<400x2048xf32> -> vector<400x2048xf32>
    %mul3A = arith.mulf %dot_general3A_43, %convert_element_type3A_35 : vector<400x2048xf32>
    %convert_element_type3A_44 = arith.truncf %mul3A : vector<400x2048xf32> to vector<400x2048xbf16>
    %convert_element_type3A_45 = arith.extf %convert_element_type3A_44 : vector<400x2048xbf16> to vector<400x2048xf32>
    %sub3A = arith.subf %mul3A, %convert_element_type3A_45 : vector<400x2048xf32>
    %get3A_46 = arith.constant 0 : index
    %get3A_47 = arith.constant 0 : index
    %get3A_48 = vector.load %arg10[%get3A_46, %get3A_47] : memref<2048x128xf32, #tpu.memory_space<vmem>>, vector<2048x128xf32>
    %dot_general3A_49 = arith.constant dense<0.000000e+00> : vector<400x128xf32>
    %dot_general3A_50 = tpu.matmul %convert_element_type3A_45, %get3A_48, %dot_general3A_49 {dimension_numbers = #tpu.dot_dimension_numbers<[1], [0], [0], [1], [0, 0, 1, 1], [], []>, transpose_lhs_hint = false} : vector<400x2048xf32>, vector<2048x128xf32>, vector<400x128xf32> -> vector<400x128xf32>
    %get3A_51 = arith.constant 0 : index
    %get3A_52 = arith.constant 0 : index
    %get3A_53 = vector.load %arg10[%get3A_51, %get3A_52] : memref<2048x128xf32, #tpu.memory_space<vmem>>, vector<2048x128xf32>
    %dot_general3A_54 = arith.constant dense<0.000000e+00> : vector<400x128xf32>
    %dot_general3A_55 = tpu.matmul %sub3A, %get3A_53, %dot_general3A_54 {dimension_numbers = #tpu.dot_dimension_numbers<[1], [0], [0], [1], [0, 0, 1, 1], [], []>, transpose_lhs_hint = false} : vector<400x2048xf32>, vector<2048x128xf32>, vector<400x128xf32> -> vector<400x128xf32>
    %add3A_56 = arith.addf %dot_general3A_50, %dot_general3A_55 : vector<400x128xf32>
    %swap3A = arith.constant 0 : index
    %swap3A_57 = arith.constant 0 : index
    %swap3A_58 = vector.load %arg11[%swap3A, %swap3A_57] : memref<400x128xf32, #tpu.memory_space<vmem>>, vector<400x128xf32>
    tpu.vector_store %arg11[%swap3A, %swap3A_57], %add3A_56 {strides = array<i32>} : memref<400x128xf32, #tpu.memory_space<vmem>>, vector<400x128xf32>,
    return
  }
  func.func @transform_0(%arg0: i32) -> (i32, i32) {
    %c0_i32 = arith.constant 0 : i32
    %c0_i32_0 = arith.constant 0 : i32
    return %arg0, %c0_i32 : i32, i32
  }
  func.func @transform_1(%arg0: i32) -> (i32, i32) {
    %c0_i32 = arith.constant 0 : i32
    %c0_i32_0 = arith.constant 0 : i32
    return %arg0, %c0_i32 : i32, i32
  }
  func.func @transform_2(%arg0: i32) -> (i32, i32) {
    %c0_i32 = arith.constant 0 : i32
    %c0_i32_0 = arith.constant 0 : i32
    %c0_i32_1 = arith.constant 0 : i32
    return %c0_i32, %c0_i32_0 : i32, i32
  }
  func.func @transform_3(%arg0: i32) -> (i32, i32) {
    %c0_i32 = arith.constant 0 : i32
    %c0_i32_0 = arith.constant 0 : i32
    %c0_i32_1 = arith.constant 0 : i32
    return %c0_i32, %c0_i32_0 : i32, i32
  }
  func.func @transform_4(%arg0: i32) -> (i32, i32) {
    %c0_i32 = arith.constant 0 : i32
    %c0_i32_0 = arith.constant 0 : i32
    %c0_i32_1 = arith.constant 0 : i32
    return %c0_i32, %c0_i32_0 : i32, i32
  }
  func.func @transform_5(%arg0: i32) -> (i32, i32) {
    %c0_i32 = arith.constant 0 : i32
    %c0_i32_0 = arith.constant 0 : i32
    %c0_i32_1 = arith.constant 0 : i32
    return %c0_i32, %c0_i32_0 : i32, i32
  }
  func.func @transform_6(%arg0: i32) -> (i32, i32) {
    %c0_i32 = arith.constant 0 : i32
    %c0_i32_0 = arith.constant 0 : i32
    %c0_i32_1 = arith.constant 0 : i32
    return %c0_i32, %c0_i32_0 : i32, i32
  }
  func.func @transform_7(%arg0: i32) -> (i32, i32) {
    %c0_i32 = arith.constant 0 : i32
    %c0_i32_0 = arith.constant 0 : i32
    %c0_i32_1 = arith.constant 0 : i32
    return %c0_i32, %c0_i32_0 : i32, i32
  }
  func.func @transform_8(%arg0: i32) -> (i32, i32) {
    %c0_i32 = arith.constant 0 : i32
    %c0_i32_0 = arith.constant 0 : i32
    %c0_i32_1 = arith.constant 0 : i32
    return %c0_i32, %c0_i32_0 : i32, i32
  }
  func.func @transform_9(%arg0: i32) -> (i32, i32) {
    %c0_i32 = arith.constant 0 : i32
    %c0_i32_0 = arith.constant 0 : i32
    %c0_i32_1 = arith.constant 0 : i32
    return %c0_i32, %c0_i32_0 : i32, i32
  }
  func.func @transform_10(%arg0: i32) -> (i32, i32) {
    %c0_i32 = arith.constant 0 : i32
    %c0_i32_0 = arith.constant 0 : i32
    return %arg0, %c0_i32 : i32, i32
  }
}

module attributes {stable_mosaic.version = 14 : i64} {
  func.func @_tc_node1_body(%arg0: i32, %arg1: memref<1280x16xf32, #tpu.memory_space<vmem>>, %arg2: memref<1280x16xf32, #tpu.memory_space<vmem>>, %arg3: memref<1280x16xf32, #tpu.memory_space<vmem>>, %arg4: memref<16x16xf32, #tpu.memory_space<vmem>>, %arg5: memref<1x16xf32, #tpu.memory_space<vmem>>, %arg6: memref<16x16xf32, #tpu.memory_space<vmem>>, %arg7: memref<16x1xf32, #tpu.memory_space<vmem>>, %arg8: memref<16x1xf32, #tpu.memory_space<vmem>>, %arg9: memref<1280x16xf32, #tpu.memory_space<vmem>>, %arg10: memref<1280x1xf32, #tpu.memory_space<vmem>>, %arg11: memref<1280x1xf32, #tpu.memory_space<vmem>>) attributes {dimension_semantics = [#tpu.dimension_semantics<arbitrary>], iteration_bounds = array<i64: 8>, scalar_prefetch = 0 : i64, scratch_operands = 0 : i64, tpu.core_type = #tpu.core_type<tc>, window_params = [{transform_indices = @transform_0, window_bounds = array<i64: 1280, 16>}, {transform_indices = @transform_1, window_bounds = array<i64: 1280, 16>}, {transform_indices = @transform_2, window_bounds = array<i64: 1280, 16>}, {pipeline_mode = #tpu.pipeline_mode<synchronous>, transform_indices = @transform_3, window_bounds = array<i64: 16, 16>}, {pipeline_mode = #tpu.pipeline_mode<synchronous>, transform_indices = @transform_4, window_bounds = array<i64: 1, 16>}, {pipeline_mode = #tpu.pipeline_mode<synchronous>, transform_indices = @transform_5, window_bounds = array<i64: 16, 16>}, {pipeline_mode = #tpu.pipeline_mode<synchronous>, transform_indices = @transform_6, window_bounds = array<i64: 16, 1>}, {pipeline_mode = #tpu.pipeline_mode<synchronous>, transform_indices = @transform_7, window_bounds = array<i64: 16, 1>}, {transform_indices = @transform_8, window_bounds = array<i64: 1280, 16>}, {transform_indices = @transform_9, window_bounds = array<i64: 1280, 1>}, {transform_indices = @transform_10, window_bounds = array<i64: 1280, 1>}]} {
    %get3A = arith.constant 0 : index
    %get3A_0 = arith.constant 0 : index
    %get3A_1 = vector.load %arg1[%get3A, %get3A_0] : memref<1280x16xf32, #tpu.memory_space<vmem>>, vector<1280x16xf32>
    %get3A_2 = arith.constant 0 : index
    %get3A_3 = arith.constant 0 : index
    %get3A_4 = vector.load %arg2[%get3A_2, %get3A_3] : memref<1280x16xf32, #tpu.memory_space<vmem>>, vector<1280x16xf32>
    %add3A = arith.addf %get3A_1, %get3A_4 : vector<1280x16xf32>
    %get3A_5 = arith.constant 0 : index
    %get3A_6 = arith.constant 0 : index
    %get3A_7 = vector.load %arg3[%get3A_5, %get3A_6] : memref<1280x16xf32, #tpu.memory_space<vmem>>, vector<1280x16xf32>
    %get3A_8 = arith.constant 0 : index
    %get3A_9 = arith.constant 0 : index
    %get3A_10 = vector.load %arg4[%get3A_8, %get3A_9] : memref<16x16xf32, #tpu.memory_space<vmem>>, vector<16x16xf32>
    %dot_general3A = arith.constant dense<0.000000e+00> : vector<1280x16xf32>
    %dot_general3A_11 = tpu.matmul %get3A_7, %get3A_10, %dot_general3A {dimension_numbers = #tpu.dot_dimension_numbers<[1], [0], [0], [1], [0, 0, 1, 1], [], []>, transpose_lhs_hint = false} : vector<1280x16xf32>, vector<16x16xf32>, vector<1280x16xf32> -> vector<1280x16xf32>
    %add3A_12 = arith.addf %add3A, %dot_general3A_11 : vector<1280x16xf32>
    %get3A_13 = arith.constant 0 : index
    %get3A_14 = arith.constant 0 : index
    %get3A_15 = vector.load %arg5[%get3A_13, %get3A_14] : memref<1x16xf32, #tpu.memory_space<vmem>>, vector<1x16xf32>
    %add3A_16 = vector.broadcast %get3A_15 : vector<1x16xf32> to vector<1280x16xf32>
    %add3A_17 = arith.addf %add3A_12, %add3A_16 : vector<1280x16xf32>
    %max3A = arith.constant 0.000000e+00 : f32
    %max3A_18 = vector.broadcast %max3A : f32 to vector<1280x16xf32>
    %max3A_19 = arith.maximumf %add3A_17, %max3A_18 : vector<1280x16xf32>
    %get3A_20 = arith.constant 0 : index
    %get3A_21 = arith.constant 0 : index
    %get3A_22 = vector.load %arg6[%get3A_20, %get3A_21] : memref<16x16xf32, #tpu.memory_space<vmem>>, vector<16x16xf32>
    %dot_general3A_23 = arith.constant dense<0.000000e+00> : vector<1280x16xf32>
    %dot_general3A_24 = tpu.matmul %max3A_19, %get3A_22, %dot_general3A_23 {dimension_numbers = #tpu.dot_dimension_numbers<[1], [0], [0], [1], [0, 0, 1, 1], [], []>, transpose_lhs_hint = false} : vector<1280x16xf32>, vector<16x16xf32>, vector<1280x16xf32> -> vector<1280x16xf32>
    %swap3A = arith.constant 0 : index
    %swap3A_25 = arith.constant 0 : index
    %swap3A_26 = vector.load %arg9[%swap3A, %swap3A_25] : memref<1280x16xf32, #tpu.memory_space<vmem>>, vector<1280x16xf32>
    tpu.vector_store %arg9[%swap3A, %swap3A_25], %dot_general3A_24 {strides = array<i32>} : memref<1280x16xf32, #tpu.memory_space<vmem>>, vector<1280x16xf32>,
    %get3A_27 = arith.constant 0 : index
    %get3A_28 = arith.constant 0 : index
    %get3A_29 = vector.load %arg7[%get3A_27, %get3A_28] : memref<16x1xf32, #tpu.memory_space<vmem>>, vector<16x1xf32>
    %dot_general3A_30 = arith.constant dense<0.000000e+00> : vector<1280x1xf32>
    %dot_general3A_31 = tpu.matmul %dot_general3A_24, %get3A_29, %dot_general3A_30 {dimension_numbers = #tpu.dot_dimension_numbers<[1], [0], [0], [1], [0, 0, 1, 1], [], []>, transpose_lhs_hint = false} : vector<1280x16xf32>, vector<16x1xf32>, vector<1280x1xf32> -> vector<1280x1xf32>
    %swap3A_32 = arith.constant 0 : index
    %swap3A_33 = arith.constant 0 : index
    %swap3A_34 = vector.load %arg10[%swap3A_32, %swap3A_33] : memref<1280x1xf32, #tpu.memory_space<vmem>>, vector<1280x1xf32>
    tpu.vector_store %arg10[%swap3A_32, %swap3A_33], %dot_general3A_31 {strides = array<i32>} : memref<1280x1xf32, #tpu.memory_space<vmem>>, vector<1280x1xf32>,
    %get3A_35 = arith.constant 0 : index
    %get3A_36 = arith.constant 0 : index
    %get3A_37 = vector.load %arg8[%get3A_35, %get3A_36] : memref<16x1xf32, #tpu.memory_space<vmem>>, vector<16x1xf32>
    %dot_general3A_38 = arith.constant dense<0.000000e+00> : vector<1280x1xf32>
    %dot_general3A_39 = tpu.matmul %dot_general3A_24, %get3A_37, %dot_general3A_38 {dimension_numbers = #tpu.dot_dimension_numbers<[1], [0], [0], [1], [0, 0, 1, 1], [], []>, transpose_lhs_hint = false} : vector<1280x16xf32>, vector<16x1xf32>, vector<1280x1xf32> -> vector<1280x1xf32>
    %swap3A_40 = arith.constant 0 : index
    %swap3A_41 = arith.constant 0 : index
    %swap3A_42 = vector.load %arg11[%swap3A_40, %swap3A_41] : memref<1280x1xf32, #tpu.memory_space<vmem>>, vector<1280x1xf32>
    tpu.vector_store %arg11[%swap3A_40, %swap3A_41], %dot_general3A_39 {strides = array<i32>} : memref<1280x1xf32, #tpu.memory_space<vmem>>, vector<1280x1xf32>,
    return
  }
  func.func @transform_0(%arg0: i32) -> (i32, i32) {
    %c0_i32 = arith.constant 0 : i32
    %c0_i32_0 = arith.constant 0 : i32
    return %arg0, %c0_i32 : i32, i32
  }
  func.func @transform_1(%arg0: i32) -> (i32, i32) {
    %c0_i32 = arith.constant 0 : i32
    %c0_i32_0 = arith.constant 0 : i32
    return %arg0, %c0_i32 : i32, i32
  }
  func.func @transform_2(%arg0: i32) -> (i32, i32) {
    %c0_i32 = arith.constant 0 : i32
    %c0_i32_0 = arith.constant 0 : i32
    return %arg0, %c0_i32 : i32, i32
  }
  func.func @transform_3(%arg0: i32) -> (i32, i32) {
    %c0_i32 = arith.constant 0 : i32
    %c0_i32_0 = arith.constant 0 : i32
    %c0_i32_1 = arith.constant 0 : i32
    return %c0_i32, %c0_i32_0 : i32, i32
  }
  func.func @transform_4(%arg0: i32) -> (i32, i32) {
    %c0_i32 = arith.constant 0 : i32
    %c0_i32_0 = arith.constant 0 : i32
    %c0_i32_1 = arith.constant 0 : i32
    return %c0_i32, %c0_i32_0 : i32, i32
  }
  func.func @transform_5(%arg0: i32) -> (i32, i32) {
    %c0_i32 = arith.constant 0 : i32
    %c0_i32_0 = arith.constant 0 : i32
    %c0_i32_1 = arith.constant 0 : i32
    return %c0_i32, %c0_i32_0 : i32, i32
  }
  func.func @transform_6(%arg0: i32) -> (i32, i32) {
    %c0_i32 = arith.constant 0 : i32
    %c0_i32_0 = arith.constant 0 : i32
    %c0_i32_1 = arith.constant 0 : i32
    return %c0_i32, %c0_i32_0 : i32, i32
  }
  func.func @transform_7(%arg0: i32) -> (i32, i32) {
    %c0_i32 = arith.constant 0 : i32
    %c0_i32_0 = arith.constant 0 : i32
    %c0_i32_1 = arith.constant 0 : i32
    return %c0_i32, %c0_i32_0 : i32, i32
  }
  func.func @transform_8(%arg0: i32) -> (i32, i32) {
    %c0_i32 = arith.constant 0 : i32
    %c0_i32_0 = arith.constant 0 : i32
    return %arg0, %c0_i32 : i32, i32
  }
  func.func @transform_9(%arg0: i32) -> (i32, i32) {
    %c0_i32 = arith.constant 0 : i32
    %c0_i32_0 = arith.constant 0 : i32
    return %arg0, %c0_i32 : i32, i32
  }
  func.func @transform_10(%arg0: i32) -> (i32, i32) {
    %c0_i32 = arith.constant 0 : i32
    %c0_i32_0 = arith.constant 0 : i32
    return %arg0, %c0_i32 : i32, i32
  }
}

module attributes {stable_mosaic.version = 14 : i64} {
  func.func @_tc_node2_body(%arg0: i32, %arg1: memref<1280x16xf32, #tpu.memory_space<vmem>>, %arg2: memref<1280x16xf32, #tpu.memory_space<vmem>>, %arg3: memref<1280x1xf32, #tpu.memory_space<vmem>>, %arg4: memref<1280x1xf32, #tpu.memory_space<vmem>>, %arg5: memref<1280x16xf32, #tpu.memory_space<vmem>>, %arg6: memref<1280x1xf32, #tpu.memory_space<vmem>>, %arg7: memref<1280x1xf32, #tpu.memory_space<vmem>>, %arg8: memref<1x1280xi32, #tpu.memory_space<vmem>>, %arg9: memref<1x16xf32, #tpu.memory_space<vmem>>, %arg10: memref<16x64xf32, #tpu.memory_space<vmem>>, %arg11: memref<1x64xf32, #tpu.memory_space<vmem>>, %arg12: memref<64x1xf32, #tpu.memory_space<vmem>>, %arg13: memref<1x1xf32, #tpu.memory_space<vmem>>, %arg14: memref<64x1xf32, #tpu.memory_space<vmem>>, %arg15: memref<64x16xf32, #tpu.memory_space<vmem>>, %arg16: memref<64x1xf32, #tpu.memory_space<vmem>>) attributes {dimension_semantics = [#tpu.dimension_semantics<arbitrary>], iteration_bounds = array<i64: 8>, scalar_prefetch = 0 : i64, scratch_operands = 2 : i64, tpu.core_type = #tpu.core_type<tc>, window_params = [{transform_indices = @transform_0, window_bounds = array<i64: 1280, 16>}, {transform_indices = @transform_1, window_bounds = array<i64: 1280, 16>}, {transform_indices = @transform_2, window_bounds = array<i64: 1280, 1>}, {transform_indices = @transform_3, window_bounds = array<i64: 1280, 1>}, {transform_indices = @transform_4, window_bounds = array<i64: 1280, 16>}, {transform_indices = @transform_5, window_bounds = array<i64: 1280, 1>}, {transform_indices = @transform_6, window_bounds = array<i64: 1280, 1>}, {transform_indices = @transform_7, window_bounds = array<i64: 1, 1280>}, {pipeline_mode = #tpu.pipeline_mode<synchronous>, transform_indices = @transform_8, window_bounds = array<i64: 1, 16>}, {pipeline_mode = #tpu.pipeline_mode<synchronous>, transform_indices = @transform_9, window_bounds = array<i64: 16, 64>}, {pipeline_mode = #tpu.pipeline_mode<synchronous>, transform_indices = @transform_10, window_bounds = array<i64: 1, 64>}, {pipeline_mode = #tpu.pipeline_mode<synchronous>, transform_indices = @transform_11, window_bounds = array<i64: 64, 1>}, {pipeline_mode = #tpu.pipeline_mode<synchronous>, transform_indices = @transform_12, window_bounds = array<i64: 1, 1>}, {pipeline_mode = #tpu.pipeline_mode<synchronous>, transform_indices = @transform_13, window_bounds = array<i64: 64, 1>}]} {
    %eq3A = arith.constant 0 : i32
    %eq3A_0 = arith.cmpi eq, %arg0, %eq3A : i32
    %convert_element_type3A = arith.extui %eq3A_0 : i1 to i32
    %cond3A = arith.constant 0 : i32
    %cond3A_1 = arith.cmpi ne, %convert_element_type3A, %cond3A : i32
    scf.if %cond3A_1 {
      %broadcast_in_dim3A_68 = arith.constant 0.000000e+00 : f32
      %broadcast_in_dim3A_69 = vector.broadcast %broadcast_in_dim3A_68 : f32 to vector<64x16xf32>
      %swap3A_70 = arith.constant 0 : index
      %swap3A_71 = arith.constant 0 : index
      %swap3A_72 = vector.load %arg15[%swap3A_70, %swap3A_71] : memref<64x16xf32, #tpu.memory_space<vmem>>, vector<64x16xf32>
      tpu.vector_store %arg15[%swap3A_70, %swap3A_71], %broadcast_in_dim3A_69 {strides = array<i32>} : memref<64x16xf32, #tpu.memory_space<vmem>>, vector<64x16xf32>,
      %broadcast_in_dim3A_73 = arith.constant 0.000000e+00 : f32
      %broadcast_in_dim3A_74 = vector.broadcast %broadcast_in_dim3A_73 : f32 to vector<64x1xf32>
      %swap3A_75 = arith.constant 0 : index
      %swap3A_76 = arith.constant 0 : index
      %swap3A_77 = vector.load %arg16[%swap3A_75, %swap3A_76] : memref<64x1xf32, #tpu.memory_space<vmem>>, vector<64x1xf32>
      tpu.vector_store %arg16[%swap3A_75, %swap3A_76], %broadcast_in_dim3A_74 {strides = array<i32>} : memref<64x1xf32, #tpu.memory_space<vmem>>, vector<64x1xf32>,
    } else {
    }
    %get3A = arith.constant 0 : index
    %get3A_2 = arith.constant 0 : index
    %get3A_3 = vector.load %arg5[%get3A, %get3A_2] : memref<1280x16xf32, #tpu.memory_space<vmem>>, vector<1280x16xf32>
    %get3A_4 = arith.constant 0 : index
    %get3A_5 = arith.constant 0 : index
    %get3A_6 = vector.load %arg6[%get3A_4, %get3A_5] : memref<1280x1xf32, #tpu.memory_space<vmem>>, vector<1280x1xf32>
    %get3A_7 = arith.constant 0 : index
    %get3A_8 = arith.constant 0 : index
    %get3A_9 = vector.load %arg7[%get3A_7, %get3A_8] : memref<1280x1xf32, #tpu.memory_space<vmem>>, vector<1280x1xf32>
    %add3A = arith.addf %get3A_6, %get3A_9 : vector<1280x1xf32>
    %gt3A = arith.constant 0.000000e+00 : f32
    %gt3A_10 = vector.broadcast %gt3A : f32 to vector<1280x1xf32>
    %gt3A_11 = arith.cmpf ogt, %add3A, %gt3A_10 : vector<1280x1xf32>
    %mul3A = arith.constant 2.000000e-01 : f32
    %mul3A_12 = vector.broadcast %mul3A : f32 to vector<1280x1xf32>
    %mul3A_13 = arith.mulf %mul3A_12, %add3A : vector<1280x1xf32>
    %select_n3A = arith.select %gt3A_11, %add3A, %mul3A_13 : vector<1280x1xi1>, vector<1280x1xf32>
    %exp3A = math.exp %select_n3A : vector<1280x1xf32>
    %get3A_14 = arith.constant 0 : index
    %get3A_15 = arith.constant 0 : index
    %get3A_16 = vector.load %arg1[%get3A_14, %get3A_15] : memref<1280x16xf32, #tpu.memory_space<vmem>>, vector<1280x16xf32>
    %get3A_17 = arith.constant 0 : index
    %get3A_18 = arith.constant 0 : index
    %get3A_19 = vector.load %arg2[%get3A_17, %get3A_18] : memref<1280x16xf32, #tpu.memory_space<vmem>>, vector<1280x16xf32>
    %add3A_20 = arith.addf %get3A_16, %get3A_19 : vector<1280x16xf32>
    %mul3A_21 = vector.broadcast %exp3A : vector<1280x1xf32> to vector<1280x16xf32>
    %mul3A_22 = arith.mulf %mul3A_21, %get3A_3 : vector<1280x16xf32>
    %add3A_23 = arith.addf %add3A_20, %mul3A_22 : vector<1280x16xf32>
    %get3A_24 = arith.constant 0 : index
    %get3A_25 = arith.constant 0 : index
    %get3A_26 = vector.load %arg3[%get3A_24, %get3A_25] : memref<1280x1xf32, #tpu.memory_space<vmem>>, vector<1280x1xf32>
    %get3A_27 = arith.constant 0 : index
    %get3A_28 = arith.constant 0 : index
    %get3A_29 = vector.load %arg4[%get3A_27, %get3A_28] : memref<1280x1xf32, #tpu.memory_space<vmem>>, vector<1280x1xf32>
    %add3A_30 = arith.addf %get3A_26, %get3A_29 : vector<1280x1xf32>
    %add3A_31 = arith.addf %add3A_30, %exp3A : vector<1280x1xf32>
    %div3A = vector.broadcast %add3A_31 : vector<1280x1xf32> to vector<1280x16xf32>
    %div3A_32 = arith.divf %add3A_23, %div3A : vector<1280x16xf32>
    %get3A_33 = arith.constant 0 : index
    %get3A_34 = arith.constant 0 : index
    %get3A_35 = vector.load %arg9[%get3A_33, %get3A_34] : memref<1x16xf32, #tpu.memory_space<vmem>>, vector<1x16xf32>
    %add3A_36 = vector.broadcast %get3A_35 : vector<1x16xf32> to vector<1280x16xf32>
    %add3A_37 = arith.addf %div3A_32, %add3A_36 : vector<1280x16xf32>
    %max3A = arith.constant 0.000000e+00 : f32
    %max3A_38 = vector.broadcast %max3A : f32 to vector<1280x16xf32>
    %max3A_39 = arith.maximumf %add3A_37, %max3A_38 : vector<1280x16xf32>
    %get3A_40 = arith.constant 0 : index
    %get3A_41 = arith.constant 0 : index
    %get3A_42 = vector.load %arg8[%get3A_40, %get3A_41] : memref<1x1280xi32, #tpu.memory_space<vmem>>, vector<1x1280xi32>
    %iota3A = tpu.iota {dimensions = array<i32: 0>} : vector<64x1280xi32>
    %broadcast_in_dim3A = vector.shape_cast %get3A_42 : vector<1x1280xi32> to vector<1x1280xi32>
    %broadcast_in_dim3A_43 = vector.broadcast %broadcast_in_dim3A : vector<1x1280xi32> to vector<64x1280xi32>
    %eq3A_44 = arith.cmpi eq, %iota3A, %broadcast_in_dim3A_43 : vector<64x1280xi32>
    %convert_element_type3A_45 = arith.extui %eq3A_44 : vector<64x1280xi1> to vector<64x1280xi32>
    %convert_element_type3A_46 = arith.sitofp %convert_element_type3A_45 : vector<64x1280xi32> to vector<64x1280xf32>
    %get3A_47 = arith.constant 0 : index
    %get3A_48 = arith.constant 0 : index
    %get3A_49 = vector.load %arg15[%get3A_47, %get3A_48] : memref<64x16xf32, #tpu.memory_space<vmem>>, vector<64x16xf32>
    %dot_general3A = arith.constant dense<0.000000e+00> : vector<64x16xf32>
    %dot_general3A_50 = tpu.matmul %convert_element_type3A_46, %max3A_39, %dot_general3A {dimension_numbers = #tpu.dot_dimension_numbers<[1], [0], [0], [1], [0, 0, 1, 1], [], []>, precision = #tpu.contract_precision<fp32>, transpose_lhs_hint = false} : vector<64x1280xf32>, vector<1280x16xf32>, vector<64x16xf32> -> vector<64x16xf32>
    %add3A_51 = arith.addf %get3A_49, %dot_general3A_50 : vector<64x16xf32>
    %swap3A = arith.constant 0 : index
    %swap3A_52 = arith.constant 0 : index
    %swap3A_53 = vector.load %arg15[%swap3A, %swap3A_52] : memref<64x16xf32, #tpu.memory_space<vmem>>, vector<64x16xf32>
    tpu.vector_store %arg15[%swap3A, %swap3A_52], %add3A_51 {strides = array<i32>} : memref<64x16xf32, #tpu.memory_space<vmem>>, vector<64x16xf32>,
    %get3A_54 = arith.constant 0 : index
    %get3A_55 = arith.constant 0 : index
    %get3A_56 = vector.load %arg16[%get3A_54, %get3A_55] : memref<64x1xf32, #tpu.memory_space<vmem>>, vector<64x1xf32>
    %reduce_sum3A = arith.constant dense<0.000000e+00> : vector<64xf32>
    %reduce_sum3A_57 = vector.multi_reduction <add>, %convert_element_type3A_46, %reduce_sum3A [1] : vector<64x1280xf32> to vector<64xf32>
    %broadcast_in_dim3A_58 = vector.shape_cast %reduce_sum3A_57 : vector<64xf32> to vector<64x1xf32>
    %add3A_59 = arith.addf %get3A_56, %broadcast_in_dim3A_58 : vector<64x1xf32>
    %swap3A_60 = arith.constant 0 : index
    %swap3A_61 = arith.constant 0 : index
    %swap3A_62 = vector.load %arg16[%swap3A_60, %swap3A_61] : memref<64x1xf32, #tpu.memory_space<vmem>>, vector<64x1xf32>
    tpu.vector_store %arg16[%swap3A_60, %swap3A_61], %add3A_59 {strides = array<i32>} : memref<64x1xf32, #tpu.memory_space<vmem>>, vector<64x1xf32>,
    %eq3A_63 = arith.constant 7 : i32
    %eq3A_64 = arith.cmpi eq, %arg0, %eq3A_63 : i32
    %convert_element_type3A_65 = arith.extui %eq3A_64 : i1 to i32
    %cond3A_66 = arith.constant 0 : i32
    %cond3A_67 = arith.cmpi ne, %convert_element_type3A_65, %cond3A_66 : i32
    scf.if %cond3A_67 {
      %get3A_68 = arith.constant 0 : index
      %get3A_69 = arith.constant 0 : index
      %get3A_70 = vector.load %arg15[%get3A_68, %get3A_69] : memref<64x16xf32, #tpu.memory_space<vmem>>, vector<64x16xf32>
      %get3A_71 = arith.constant 0 : index
      %get3A_72 = arith.constant 0 : index
      %get3A_73 = vector.load %arg16[%get3A_71, %get3A_72] : memref<64x1xf32, #tpu.memory_space<vmem>>, vector<64x1xf32>
      %max3A_74 = arith.constant 1.000000e+00 : f32
      %max3A_75 = vector.broadcast %max3A_74 : f32 to vector<64x1xf32>
      %max3A_76 = arith.maximumf %get3A_73, %max3A_75 : vector<64x1xf32>
      %div3A_77 = vector.broadcast %max3A_76 : vector<64x1xf32> to vector<64x16xf32>
      %div3A_78 = arith.divf %get3A_70, %div3A_77 : vector<64x16xf32>
      %get3A_79 = arith.constant 0 : index
      %get3A_80 = arith.constant 0 : index
      %get3A_81 = vector.load %arg10[%get3A_79, %get3A_80] : memref<16x64xf32, #tpu.memory_space<vmem>>, vector<16x64xf32>
      %dot_general3A_82 = arith.constant dense<0.000000e+00> : vector<64x64xf32>
      %dot_general3A_83 = tpu.matmul %div3A_78, %get3A_81, %dot_general3A_82 {dimension_numbers = #tpu.dot_dimension_numbers<[1], [0], [0], [1], [0, 0, 1, 1], [], []>, transpose_lhs_hint = false} : vector<64x16xf32>, vector<16x64xf32>, vector<64x64xf32> -> vector<64x64xf32>
      %get3A_84 = arith.constant 0 : index
      %get3A_85 = arith.constant 0 : index
      %get3A_86 = vector.load %arg11[%get3A_84, %get3A_85] : memref<1x64xf32, #tpu.memory_space<vmem>>, vector<1x64xf32>
      %add3A_87 = vector.broadcast %get3A_86 : vector<1x64xf32> to vector<64x64xf32>
      %add3A_88 = arith.addf %dot_general3A_83, %add3A_87 : vector<64x64xf32>
      %max3A_89 = arith.constant 0.000000e+00 : f32
      %max3A_90 = vector.broadcast %max3A_89 : f32 to vector<64x64xf32>
      %max3A_91 = arith.maximumf %add3A_88, %max3A_90 : vector<64x64xf32>
      %get3A_92 = arith.constant 0 : index
      %get3A_93 = arith.constant 0 : index
      %get3A_94 = vector.load %arg12[%get3A_92, %get3A_93] : memref<64x1xf32, #tpu.memory_space<vmem>>, vector<64x1xf32>
      %dot_general3A_95 = arith.constant dense<0.000000e+00> : vector<64x1xf32>
      %dot_general3A_96 = tpu.matmul %max3A_91, %get3A_94, %dot_general3A_95 {dimension_numbers = #tpu.dot_dimension_numbers<[1], [0], [0], [1], [0, 0, 1, 1], [], []>, transpose_lhs_hint = false} : vector<64x64xf32>, vector<64x1xf32>, vector<64x1xf32> -> vector<64x1xf32>
      %get3A_97 = arith.constant 0 : index
      %get3A_98 = arith.constant 0 : index
      %get3A_99 = vector.load %arg13[%get3A_97, %get3A_98] : memref<1x1xf32, #tpu.memory_space<vmem>>, vector<1x1xf32>
      %add3A_100 = vector.broadcast %get3A_99 : vector<1x1xf32> to vector<64x1xf32>
      %add3A_101 = arith.addf %dot_general3A_96, %add3A_100 : vector<64x1xf32>
      %swap3A_102 = arith.constant 0 : index
      %swap3A_103 = arith.constant 0 : index
      %swap3A_104 = vector.load %arg14[%swap3A_102, %swap3A_103] : memref<64x1xf32, #tpu.memory_space<vmem>>, vector<64x1xf32>
      tpu.vector_store %arg14[%swap3A_102, %swap3A_103], %add3A_101 {strides = array<i32>} : memref<64x1xf32, #tpu.memory_space<vmem>>, vector<64x1xf32>,
    } else {
    }
    return
  }
  func.func @transform_0(%arg0: i32) -> (i32, i32) {
    %c0_i32 = arith.constant 0 : i32
    %c0_i32_0 = arith.constant 0 : i32
    return %arg0, %c0_i32 : i32, i32
  }
  func.func @transform_1(%arg0: i32) -> (i32, i32) {
    %c0_i32 = arith.constant 0 : i32
    %c0_i32_0 = arith.constant 0 : i32
    return %arg0, %c0_i32 : i32, i32
  }
  func.func @transform_2(%arg0: i32) -> (i32, i32) {
    %c0_i32 = arith.constant 0 : i32
    %c0_i32_0 = arith.constant 0 : i32
    return %arg0, %c0_i32 : i32, i32
  }
  func.func @transform_3(%arg0: i32) -> (i32, i32) {
    %c0_i32 = arith.constant 0 : i32
    %c0_i32_0 = arith.constant 0 : i32
    return %arg0, %c0_i32 : i32, i32
  }
  func.func @transform_4(%arg0: i32) -> (i32, i32) {
    %c0_i32 = arith.constant 0 : i32
    %c0_i32_0 = arith.constant 0 : i32
    return %arg0, %c0_i32 : i32, i32
  }
  func.func @transform_5(%arg0: i32) -> (i32, i32) {
    %c0_i32 = arith.constant 0 : i32
    %c0_i32_0 = arith.constant 0 : i32
    return %arg0, %c0_i32 : i32, i32
  }
  func.func @transform_6(%arg0: i32) -> (i32, i32) {
    %c0_i32 = arith.constant 0 : i32
    %c0_i32_0 = arith.constant 0 : i32
    return %arg0, %c0_i32 : i32, i32
  }
  func.func @transform_7(%arg0: i32) -> (i32, i32) {
    %c0_i32 = arith.constant 0 : i32
    %c0_i32_0 = arith.constant 0 : i32
    return %c0_i32, %arg0 : i32, i32
  }
  func.func @transform_8(%arg0: i32) -> (i32, i32) {
    %c0_i32 = arith.constant 0 : i32
    %c0_i32_0 = arith.constant 0 : i32
    %c0_i32_1 = arith.constant 0 : i32
    return %c0_i32, %c0_i32_0 : i32, i32
  }
  func.func @transform_9(%arg0: i32) -> (i32, i32) {
    %c0_i32 = arith.constant 0 : i32
    %c0_i32_0 = arith.constant 0 : i32
    %c0_i32_1 = arith.constant 0 : i32
    return %c0_i32, %c0_i32_0 : i32, i32
  }
  func.func @transform_10(%arg0: i32) -> (i32, i32) {
    %c0_i32 = arith.constant 0 : i32
    %c0_i32_0 = arith.constant 0 : i32
    %c0_i32_1 = arith.constant 0 : i32
    return %c0_i32, %c0_i32_0 : i32, i32
  }
  func.func @transform_11(%arg0: i32) -> (i32, i32) {
    %c0_i32 = arith.constant 0 : i32
    %c0_i32_0 = arith.constant 0 : i32
    %c0_i32_1 = arith.constant 0 : i32
    return %c0_i32, %c0_i32_0 : i32, i32
  }
  func.func @transform_12(%arg0: i32) -> (i32, i32) {
    %c0_i32 = arith.constant 0 : i32
    %c0_i32_0 = arith.constant 0 : i32
    %c0_i32_1 = arith.constant 0 : i32
    return %c0_i32, %c0_i32_0 : i32, i32
  }
  func.func @transform_13(%arg0: i32) -> (i32, i32) {
    %c0_i32 = arith.constant 0 : i32
    %c0_i32_0 = arith.constant 0 : i32
    %c0_i32_1 = arith.constant 0 : i32
    return %c0_i32, %c0_i32_0 : i32, i32
  }
}

</mosaic_0001>

<sc_bundles>
// kernel: kernel.11.cloned.1.call-start
scs
__scs_entry_jumppad:
0x0: {  	(pc) =	sbr.rel $0x88, $3  }
0x1: {  	(tag) =	ssettag $0x0;
	lr =	simm.s32 $0x1  }
0x2: {  	[smem:$0x3F8D] =	sst lr;
	_ =	strace $0xD0000000  }
0x3: {  	_ = 	snop  }
0x4: {  	_ = 	snop  }
0x5: {  	_ = 	snop  }
0x6: {  	_ = 	snop  }
0x7: {  	_ = 	snop  }
__scs_overlays_trampoline_lowered:
0x8: {  	[smem:$0x3F9C] =	sst s0  }
0x9: {  	[smem:$0x3F9D] =	sst s1  }
0xa: {  	[smem:$0x3F9E] =	sst s2  }
0xb: {  	[smem:$0x3F9F] =	sst s3  }
0xc: {  	[smem:$0x3FA0] =	sst s4  }
0xd: {  	[smem:$0x3FA1] =	sst s5  }
0xe: {  	[smem:$0x3FA2] =	sst s6  }
0xf: {  	[smem:$0x3FA3] =	sst s7  }
0x10: {  	[smem:$0x3FA4] =	sst s8  }
0x11: {  	[smem:$0x3FA5] =	sst s9;
	s0 =	simm.s32 @!p0 $0x0  }
0x12: {  	s1 =	sld [smem:$0x3F8B];
	s0 =	simm.s32 @p0 $0x1  }
0x13: {  	[smem:$0x3FA6] =	sst s0;
	s0 =	simm.s32 @!p1 $0x0  }
0x14: {  	s2 =	sld [smem:$0x3F8A];
	s0 =	simm.s32 @p1 $0x1  }
0x15: {  	[smem:$0x3FA7] =	sst s0;
	s0 =	simm.s32 @!p2 $0x0  }
0x16: {  	s3 =	sld [smem:$0x3FDB];
	s0 =	simm.s32 @p2 $0x1  }
0x17: {  	s4 =	simm.s32 $0x1BF5;
	[smem:$0x3FA9] =	sst s0  }
0x18: {  	s0 =	sld [smem:$0x3F8C];
	_ =	swait.ge [sflag:s4], $0x0  }
0x19: {  	s7 =	sld [smem:$0x3F8D]  }
0x1a: {  	s8 =	sadd.s32 $0xFFFFE003, lr  }
0x1b: {  	s9 =	sadd.s32 $0xFFFFFEF7, lr;
	s5 =	simm.s32 $0xFFFFFFFF;
	p2 =	slt.u32 s8, $0xFFFFF086  }
0x1c: {  	p1 =	slt.u32 s9, $0xF7A;
	s5 =	simm.s32 @!p2 $0x0  }
0x1d: {  	s5 =	simm.s32 @p1 $0x1;
	p0 =	seq.s32 s7, s2  }
0x1e: {  	s7 =	smul.u32 @!p0 $0xF7A, s2;
	p2 =	seq.s32 @!p0 s5, $0x0  }
0x1f: {  	s9 =	smul.u32 $0xF7A, s1;
	s8 =	simm.s32 @!p0 $0x1BF5;
	p2 =	por !p2, p0  }
0x20: {  	[sflag:s8] =	ssyncset.s32 @!p0 $0xFFFFF086;
	s6 =	sadd.s32 @!p0 s3, s7;
	s7 =	simm.s32 @!p0 $0x108  }
0x21: {  	s3 =	sadd.s32 s3, s9;
	s6 =	sadd.s32 @!p0 $0x88, s6;
	s7 =	simm.s32 @p2 $0x1082  }
0x22: {  	[simem:s7], [sflag:s8] =	dma.local @!p0 [hbm:s6], $0xF7A  }
0x23: {  	s9 =	sor.u32 $0xD0000000, s2;
	s6 =	simm.s32 $0x108;
	_ =	swait.ge @!p0 [sflag:s8], $0x0  }
0x24: {  	s3 =	sadd.s32 $0x88, s3;
	s6 =	simm.s32 @!p1 $0x1082;
	[sflag:s4] =	ssyncset.s32 $0xFFFFF086  }
0x25: {  	[simem:s6], [sflag:s4] =	dma.local [hbm:s3], $0xF7A  }
0x26: {  	[smem:$0x3F8D] =	sst s1;
	(tag) =	ssettag s2;
	_ =	strace s9  }
0x27: {  	s1 =	sld [smem:$0x3F9D]  }
0x28: {  	s2 =	sld [smem:$0x3F9E]  }
0x29: {  	s4 =	sld [smem:$0x3FA0]  }
0x2a: {  	p0 =	seq.s32 s5, $0x0;
	s5 =	sld [smem:$0x3FA1]  }
0x2b: {  	s6 =	sld [smem:$0x3FA2]  }
0x2c: {  	s7 =	sld [smem:$0x3FA3]  }
0x2d: {  	s3 =	simm.s32 $0x108;
	s8 =	sld [smem:$0x3FA4]  }
0x2e: {  	s3 =	simm.s32 @!p0 $0x1082;
	s9 =	sld [smem:$0x3FA5]  }
0x2f: {  	lr =	sadd.s32 s0, s3;
	s0 =	sld [smem:$0x3F9C]  }
0x30: {  	s3 =	sld [smem:$0x3F9F]  }
0x31: {  	[smem:$0x3FA8] =	sst s10  }
0x32: {  	s10 =	sld [smem:$0x3FA6];
	_ =	sdelay $0x3  }
0x33: {  	p0 =	seq.s32 s10, $0x1;
	s10 =	sld [smem:$0x3FA8];
	_ =	sdelay $0x3  }
0x34: {  	[smem:$0x3FA8] =	sst s10  }
0x35: {  	s10 =	sld [smem:$0x3FA7];
	_ =	sdelay $0x3  }
0x36: {  	p1 =	seq.s32 s10, $0x1;
	s10 =	sld [smem:$0x3FA8];
	_ =	sdelay $0x3  }
0x37: {  	[smem:$0x3FA8] =	sst s10  }
0x38: {  	s10 =	sld [smem:$0x3FA9]  }
0x39: {  	_ = 	snop;
	(pc) =	sbr.ind lr, $3  }
0x3a: {  	_ = 	snop  }
0x3b: {  	_ = 	snop  }
0x3c: {  	p2 =	seq.s32 s10, $0x1;
	s10 =	sld [smem:$0x3FA8]  }
0x3d: {  	_ =	shalt  }
0x3e: {  	_ =	shalt  }
0x3f: {  	_ =	shalt  }
0x40: {  	_ =	shalt  }
0x41: {  	_ =	shalt  }
0x42: {  	_ =	shalt  }
0x43: {  	_ =	shalt  }
0x44: {  	_ =	shalt  }
0x45: {  	_ =	shalt  }
0x46: {  	_ =	shalt  }
0x47: {  	_ =	shalt  }
0x48: {  	_ =	shalt  }
0x49: {  	_ =	shalt  }
0x4a: {  	_ =	shalt  }
0x4b: {  	_ =	shalt  }
0x4c: {  	_ =	shalt  }
0x4d: {  	_ =	shalt  }
0x4e: {  	_ =	shalt  }
0x4f: {  	_ =	shalt  }
0x50: {  	_ =	shalt  }
0x51: {  	_ =	shalt  }
0x52: {  	_ =	shalt  }
0x53: {  	_ =	shalt  }
0x54: {  	_ =	shalt  }
0x55: {  	_ =	shalt  }
0x56: {  	_ =	shalt  }
0x57: {  	_ =	shalt  }
0x58: {  	_ =	shalt  }
0x59: {  	_ =	shalt  }
0x5a: {  	_ =	shalt  }
0x5b: {  	_ =	shalt  }
0x5c: {  	_ =	shalt  }
0x5d: {  	_ =	shalt  }
0x5e: {  	_ =	shalt  }
0x5f: {  	_ =	shalt  }
0x60: {  	_ =	shalt  }
0x61: {  	_ =	shalt  }
0x62: {  	_ =	shalt  }
0x63: {  	_ =	shalt  }
0x64: {  	_ =	shalt  }
0x65: {  	_ =	shalt  }
0x66: {  	_ =	shalt  }
0x67: {  	_ =	shalt  }
0x68: {  	_ =	shalt  }
0x69: {  	_ =	shalt  }
0x6a: {  	_ =	shalt  }
0x6b: {  	_ =	shalt  }
0x6c: {  	_ =	shalt  }
0x6d: {  	_ =	shalt  }
0x6e: {  	_ =	shalt  }
0x6f: {  	_ =	shalt  }
0x70: {  	_ =	shalt  }
0x71: {  	_ =	shalt  }
0x72: {  	_ =	shalt  }
0x73: {  	_ =	shalt  }
0x74: {  	_ =	shalt  }
0x75: {  	_ =	shalt  }
0x76: {  	_ =	shalt  }
0x77: {  	_ =	shalt  }
0x78: {  	_ =	shalt  }
0x79: {  	_ =	shalt  }
0x7a: {  	_ =	shalt  }
0x7b: {  	_ =	shalt  }
0x7c: {  	_ =	shalt  }
0x7d: {  	_ =	shalt  }
0x7e: {  	_ =	shalt  }
0x7f: {  	_ =	shalt  }
0x80: {  	_ =	shalt  }
0x81: {  	_ =	shalt  }
0x82: {  	_ =	shalt  }
0x83: {  	_ =	shalt  }
0x84: {  	_ =	shalt  }
0x85: {  	_ =	shalt  }
0x86: {  	_ =	shalt  }
0x87: {  	_ =	shalt  }
.Lfunc_end0:
.L_simem_size_0:
called_computation.1_lowered:
.L_overlay_start_0:
0x88: {  	s2 =	sld [smem:$0x3FD9]  }
0x89: {  	s3 =	sld [smem:$0x3FFE];
	_ =	sdelay $0x1  }
0x8a: {  	s1 =	srdreg.scid  }
0x8b: {  	s0 =	sand.u32 $0x1, s1  }
0x8c: {  	s16 =	sshll.u32 s0, $0xA;
	s2 =	sadd.s32 s3, s2  }
0x8d: {  	s2 =	sadd.s32 s2, s16  }
0x8e: {  	[smem:$0x3FB4] =	sst s2  }
0x8f: {  	_ = 	snop  }
0x90: {  	(tm) =	ssettm $0x1  }
0x91: {  	s17 =	sld [smem:$0x3FFB];
	_ =	sdelay $0x3  }
0x92: {  	_ =	strace s17  }
0x93: {  	s2 =	sld [smem:$0x3FFC];
	_ =	sdelay $0x3  }
0x94: {  	_ =	strace s2  }
0x95: {  	s2 =	sld [smem:$0x3FFD];
	_ =	sdelay $0x3  }
0x96: {  	_ =	strace s2  }
0x97: {  	_ =	strace $0x8FFFFFFF  }
0x98: {  	s18 =	sld [smem:$0x3FDB];
	_ =	sdelay $0x1  }
0x99: {  	s19 =	simm.s32 $_scs_section_size  }
0x9a: {  	s4 =	simm.s32 $_size__tile_overlayer_lowered;
	s5 =	simm.s32 $_tile_overlayer_lowered  }
0x9b: {  	s22 =	simm.s32 $0x1BFF;
	s21 =	sshll.u32 s5, $0x1;
	s2 =	sadd.s32 s19, s18  }
0x9c: {  	s6 =	simm.s32 $0x0;
	s20 =	sshll.u32 s4, $0x1;
	s4 =	sadd.s32 s21, s2  }
0x9d: {  	[timem:s6], [sflag:s22] =	dma.local [hbm:s4], s20  }
0x9e: {  	_ =	swait.ge [sflag:s22], s20  }
0x9f: {  	s3 =	ssub.s32 $0x0, s20;
	[sflag:s22] =	ssyncset.done $0x0  }
0xa0: {  	[sflag:s22] =	ssyncadd.s32 s3;
	_ =	sdelay $0x1  }
0xa1: {  	s23 =	simm.s32 $0x1B8B  }
0xa2: {  	_ =	swait.ge [sflag:s23], $0x1  }
0xa3: {  	[sflag:s23] =	ssyncset.done $0x0  }
0xa4: {  	s25 =	simm.s32 $0x1B8E;
	s24 =	sld [smem:$0x3FFE];
	[sflag:s23] =	ssyncadd.s32 $0xFFFFFFFF  }
0xa5: {  	s26 =	simm.s32 $execute0_lowered;
	[smem:$0x3FD2] =	sst s25  }
0xa6: {  	s4 =	sshll.u32 s26, $0x1;
	_ =	strace $0x80000049;
	[dreg:$0x1] =	wrdreg $0xFFFFFFFF  }
0xa7: {  	s28 =	simm.s32 $_size_execute0_lowered;
	s2 =	sadd.s32 s2, s4;
	[dreg:$0x0] =	wrdreg $0x0  }
0xa8: {  	s4 =	sshll.u32 s28, $0x1;
	[dreg:$0x2] =	wrdreg s2  }
0xa9: {  	[dreg:$0x3] =	wrdreg s4  }
0xaa: {  	[dreg:$0x4] =	wrdreg $0xC0  }
0xab: {  	_ =	task [dreg:s6], $0x5FFFF  }
0xac: {  	[dreg:$0x1] =	wrdreg $0xFFFFFFFF  }
0xad: {  	[dreg:$0x0] =	wrdreg $0x60  }
0xae: {  	[dreg:$0x2] =	wrdreg s24  }
0xaf: {  	[dreg:$0x3] =	wrdreg $0x1B2880  }
0xb0: {  	[dreg:$0x4] =	wrdreg $0x9  }
0xb1: {  	_ =	task.clear_ibuf [dreg:s6], $0x5FFFF;
	_ =	strace $0x90000049  }
0xb2: {  	s29 =	simm.s32 $0x9;
	_ =	strace $0x8000004B  }
0xb3: {  	_ =	swait.ge [sflag:s29], $0x1  }
0xb4: {  	[sflag:s29] =	ssyncadd.s32 $0xFFFFFFFF  }
0xb5: {  	_ =	strace $0x9000004B  }
0xb6: {  	_ =	sfence  }
0xb7: {  	s30 =	sld [smem:$0x0];
	_ =	sdelay $0x2  }
0xb8: {  	s31 =	sshll.u32 s1, $0xD;
	s1 =	sshrl.u32 s1, $0x2  }
0xb9: {  	s3 =	sand.u32 $0x4000, s31;
	s1 =	sadd.s32 s1, s30  }
0xba: {  	s0 =	sor.u32 s3, s0;
	s1 =	sshll.u32 s1, $0x11  }
0xbb: {  	s0 =	sor.u32 s1, s0  }
0xbc: {  	s0 =	sadd.s32 $0x8F2B, s0  }
0xbd: {  	[sflag:s0] =	ssyncadd.remote.s32 $0x1  }
0xbe: {  	_ =	sfence.sel $0xFFFF  }
0xbf: {  	[dreg:$0x0] =	wrdreg $0xFFFFFFFF;
	(pc) =	sbr.abs _section_cstart, $3  }
0xc0: {  	[dreg:$0x1] =	wrdreg $0xFFFFFFFF  }
0xc1: {  	_ =	task.clear_ibuf [dreg:s6], $0x2FFFF;
	_ =	strace $0x9FFFFFFF  }
0xc2: {  	(tm) =	ssettm $0x7FFFFFFF  }
0xc3: {  	_ =	shalt  }
tec
execute0_lowered:
.L_overlay_start_1:
0x0: {  	(tag) =	ssettag $0x1  }
0x1: {  	s1 =	srdreg.scid;
	s5 =	rddreg [dreg:$0x0]  }
0x2: {  	s0 =	stileid.u32;
	s2 =	rddreg [dreg:$0x1];
	s3 =	simm.s32 $0x0  }
0x3: {  	s14 =	simm.s32 $0x2;
	s15 =	simm.s32 $0x14C08;
	s16 =	simm.s32 $0x1  }
0x4: {  	s17 =	simm.s32 $0x1388;
	s18 =	simm.s32 $0x0;
	s4 =	sand.u32 $0x1, s1  }
0x5: {  	s29 =	sshll.u32 s0, $0x1;
	s1 =	rddreg [dreg:$0x2];
	s8 =	smul.u32 $0x2800, s0  }
0x6: {  	[smem:$0x7FF] =	sst s3;
	s6 =	sor.u32 s4, s29;
	s9 =	smul.u32 $0x28000, s4  }
0x7: {  	s10 =	sadd.s32 $0x12C00, s5;
	s4 =	ssub.s32 $0x2, s4;
	s7 =	smul.u32 $0x271, s6  }
0x8: {  	_ =	strace $0x8000004A;
	s11 =	smul.u32 $0x13880, s6;
	s30 =	sshrl.u32 s4, $0x1  }
0x9: {  	s6 =	smul.u32 $0x2710, s6;
	s9 =	sadd.s32 s8, s9;
	s13 =	ssub.s32 s4, s30  }
0xa: {  	s7 =	sadd.s32 s7, s5;
	s9 =	sshrl.u32 s9, $0x3;
	s31 =	sshrl.u32 s11, $0x3  }
0xb: {  	s6 =	sadd.s32 s10, s6;
	s12 =	sadd.s32 s9, s5;
	s10 =	sadd.s32 s10, s31  }
0xc: {  	s4 =	sadd.s32 $0x8C00, s7;
	s5 =	sadd.s32 s8, s2;
	s7 =	sadd.s32 $0x7D0, s10  }
0xd: {  	s8 =	sadd.s32 $0xFA0, s10;
	s9 =	sadd.s32 $0x1770, s10;
	s10 =	sadd.s32 $0x1F40, s10  }
0xe: {  	v0 =	vimm.f32 $0.0e+00;
	s11 =	sadd.s32 $0x60E00, s12;
	s12 =	smax.u32 s13, $0x1;
	s13 =	simm.s32 $0x18A88  }
.LBB2_1:
0xf: {  	[tilespmem:s3], [sflag:$0x1] =	stream.linear.gather [hbm4b:s4+s3], $0x1388, $0x38;
	[tilespmem:$0x1DA88] =	vst v63  }
0x10: {  	s19 =	simm.s32 $0x40;
	s20 =	simm.s32 $0x0  }
.LBB2_2:
0x11: {  	p0 =	sne.s32 s19, $0x9FC0;
	[tilespmem:s20+$0x18A88] =	vst v0;
	s20 =	smov.u32 s19;
	s19 =	sadd.s32 $0x40, s19  }
.Ltmp0:
0x12: {  	(pc) =	sbr.rel @p0 .LBB2_2-.Ltmp0, $2  }
0x13: {  	_ =	sdelay $0x2  }
0x14: {  	s20 =	sshra.s32 s20, $0x2  }
0x15: {  	[tilespmem:s20+$0x18A88] =	vst v0  }
0x16: {  	[spmem:s5] =	stream.linear.scatter [tilespmem:s13], [sflag:$0x2], $0x2800, $0x38;
	[tilespmem:$0x1DA88] =	vst v63  }
0x17: {  	_ =	swait.ge [sflag:s14], $0x2800  }
0x18: {  	[sflag:s14] =	ssyncset.done $0x0  }
0x19: {  	s19 =	simm.s32 $0x0;
	[sflag:s14] =	ssyncadd.s32 $0xFFFFD800  }
0x1a: {  	[tilespmem:s15], [sflag:$0x2] =	stream.linear.gather [hbm4b:s6+s19], $0x3E80, $0x38;
	[tilespmem:$0x1DA88] =	vst v63  }
0x1b: {  	_ =	swait.ge [sflag:s14], $0x3E80  }
0x1c: {  	[sflag:s14] =	ssyncset.done $0x0  }
0x1d: {  	s19 =	simm.s32 $0x0;
	[sflag:s14] =	ssyncadd.s32 $0xFFFFC180  }
0x1e: {  	v4 =	vld [tilespmem:s19+$0x14C78]  }
0x1f: {  	v5 =	vld [tilespmem:s19+$0x14C08]  }
0x20: {  	v6 =	vld [tilespmem:s19+$0x14C18]  }
0x21: {  	v3 =	vld [tilespmem:s19+$0x14C28]  }
0x22: {  	v1 =	vld [tilespmem:s19+$0x14C38]  }
0x23: {  	v2 =	vld [tilespmem:s19+$0x14C48];
	[tilespmem:s19+$0x13F8] =	vst v4  }
0x24: {  	[tilespmem:s19+$0x1388] =	vst v5;
	v4 =	vld [tilespmem:s19+$0x14C58]  }
0x25: {  	s20 =	simm.s32 $0x80;
	s21 =	simm.s32 $0x400;
	[tilespmem:s19+$0x1398] =	vst v6;
	v5 =	vld [tilespmem:s19+$0x14C68]  }
.LBB2_4:
0x26: {  	p0 =	sne.s32 s21, $0xF800;
	v6 =	vld [tilespmem:s20+$0x14C78];
	[tilespmem:s19+$0x13A8] =	vst v3  }
0x27: {  	v7 =	vld [tilespmem:s20+$0x14C08];
	[tilespmem:s19+$0x13B8] =	vst v1  }
0x28: {  	v8 =	vld [tilespmem:s20+$0x14C18];
	[tilespmem:s19+$0x13C8] =	vst v2  }
.Ltmp1:
0x29: {  	v3 =	vld [tilespmem:s20+$0x14C28];
	[tilespmem:s19+$0x13D8] =	vst v4;
	(pc) =	sbr.rel @p0 .LBB2_4-.Ltmp1, $4  }
0x2a: {  	v1 =	vld [tilespmem:s20+$0x14C38];
	[tilespmem:s19+$0x13E8] =	vst v5;
	s19 =	smov.u32 s20  }
0x2b: {  	v2 =	vld [tilespmem:s19+$0x14C48];
	[tilespmem:s19+$0x13F8] =	vst v6  }
0x2c: {  	[tilespmem:s19+$0x1388] =	vst v7;
	v4 =	vld [tilespmem:s19+$0x14C58]  }
0x2d: {  	s20 =	sshra.s32 s21, $0x2;
	s21 =	sadd.s32 $0x200, s21;
	[tilespmem:s19+$0x1398] =	vst v8;
	v5 =	vld [tilespmem:s19+$0x14C68]  }
0x2e: {  	v6 =	vld [tilespmem:s20+$0x14C78];
	[tilespmem:s19+$0x13A8] =	vst v3  }
0x2f: {  	v3 =	vld [tilespmem:s20+$0x14C08];
	[tilespmem:s19+$0x13B8] =	vst v1  }
0x30: {  	v1 =	vld [tilespmem:s20+$0x14C18];
	[tilespmem:s19+$0x13C8] =	vst v2  }
0x31: {  	v2 =	vld [tilespmem:s20+$0x14C28];
	[tilespmem:s19+$0x13D8] =	vst v4  }
0x32: {  	v4 =	vld [tilespmem:s20+$0x14C38];
	[tilespmem:s19+$0x13E8] =	vst v5  }
0x33: {  	v5 =	vld [tilespmem:s20+$0x14C48];
	[tilespmem:s20+$0x13F8] =	vst v6  }
0x34: {  	[tilespmem:s20+$0x1388] =	vst v3;
	v3 =	vld [tilespmem:s20+$0x14C58]  }
0x35: {  	[tilespmem:s20+$0x1398] =	vst v1;
	v1 =	vld [tilespmem:s20+$0x14C68]  }
0x36: {  	[tilespmem:s20+$0x13A8] =	vst v2  }
0x37: {  	[tilespmem:s20+$0x13B8] =	vst v4  }
0x38: {  	[tilespmem:s20+$0x13C8] =	vst v5  }
0x39: {  	[tilespmem:s20+$0x13D8] =	vst v3  }
0x3a: {  	s31 =	simm.s32 $0x0;
	[tilespmem:s20+$0x13E8] =	vst v1  }
0x3b: {  	[tilespmem:s15], [sflag:$0x2] =	stream.linear.gather [hbm4b:s7+s31], $0x3E80, $0x38;
	[tilespmem:$0x1DA88] =	vst v63  }
0x3c: {  	_ =	swait.ge [sflag:s14], $0x3E80  }
0x3d: {  	[sflag:s14] =	ssyncset.done $0x0  }
0x3e: {  	s19 =	simm.s32 $0x0;
	[sflag:s14] =	ssyncadd.s32 $0xFFFFC180  }
0x3f: {  	v4 =	vld [tilespmem:s19+$0x14C78]  }
0x40: {  	v5 =	vld [tilespmem:s19+$0x14C08]  }
0x41: {  	v6 =	vld [tilespmem:s19+$0x14C18]  }
0x42: {  	v3 =	vld [tilespmem:s19+$0x14C28]  }
0x43: {  	v1 =	vld [tilespmem:s19+$0x14C38]  }
0x44: {  	v2 =	vld [tilespmem:s19+$0x14C48];
	[tilespmem:s19+$0x5278] =	vst v4  }
0x45: {  	[tilespmem:s19+$0x5208] =	vst v5;
	v4 =	vld [tilespmem:s19+$0x14C58]  }
0x46: {  	s21 =	simm.s32 $0x400;
	s20 =	simm.s32 $0x80;
	[tilespmem:s19+$0x5218] =	vst v6;
	v5 =	vld [tilespmem:s19+$0x14C68]  }
.LBB2_6:
0x47: {  	p0 =	sne.s32 s21, $0xF800;
	v6 =	vld [tilespmem:s20+$0x14C78];
	[tilespmem:s19+$0x5228] =	vst v3  }
0x48: {  	v7 =	vld [tilespmem:s20+$0x14C08];
	[tilespmem:s19+$0x5238] =	vst v1  }
0x49: {  	v8 =	vld [tilespmem:s20+$0x14C18];
	[tilespmem:s19+$0x5248] =	vst v2  }
.Ltmp2:
0x4a: {  	v3 =	vld [tilespmem:s20+$0x14C28];
	[tilespmem:s19+$0x5258] =	vst v4;
	(pc) =	sbr.rel @p0 .LBB2_6-.Ltmp2, $4  }
0x4b: {  	v1 =	vld [tilespmem:s20+$0x14C38];
	[tilespmem:s19+$0x5268] =	vst v5;
	s19 =	smov.u32 s20  }
0x4c: {  	v2 =	vld [tilespmem:s19+$0x14C48];
	[tilespmem:s19+$0x5278] =	vst v6  }
0x4d: {  	[tilespmem:s19+$0x5208] =	vst v7;
	v4 =	vld [tilespmem:s19+$0x14C58]  }
0x4e: {  	s20 =	sshra.s32 s21, $0x2;
	s21 =	sadd.s32 $0x200, s21;
	[tilespmem:s19+$0x5218] =	vst v8;
	v5 =	vld [tilespmem:s19+$0x14C68]  }
0x4f: {  	v6 =	vld [tilespmem:s20+$0x14C78];
	[tilespmem:s19+$0x5228] =	vst v3  }
0x50: {  	v3 =	vld [tilespmem:s20+$0x14C08];
	[tilespmem:s19+$0x5238] =	vst v1  }
0x51: {  	v1 =	vld [tilespmem:s20+$0x14C18];
	[tilespmem:s19+$0x5248] =	vst v2  }
0x52: {  	v2 =	vld [tilespmem:s20+$0x14C28];
	[tilespmem:s19+$0x5258] =	vst v4  }
0x53: {  	v4 =	vld [tilespmem:s20+$0x14C38];
	[tilespmem:s19+$0x5268] =	vst v5  }
0x54: {  	v5 =	vld [tilespmem:s20+$0x14C48];
	[tilespmem:s20+$0x5278] =	vst v6  }
0x55: {  	[tilespmem:s20+$0x5208] =	vst v3;
	v3 =	vld [tilespmem:s20+$0x14C58]  }
0x56: {  	[tilespmem:s20+$0x5218] =	vst v1;
	v1 =	vld [tilespmem:s20+$0x14C68]  }
0x57: {  	[tilespmem:s20+$0x5228] =	vst v2  }
0x58: {  	[tilespmem:s20+$0x5238] =	vst v4  }
0x59: {  	[tilespmem:s20+$0x5248] =	vst v5  }
0x5a: {  	[tilespmem:s20+$0x5258] =	vst v3  }
0x5b: {  	s31 =	simm.s32 $0x0;
	[tilespmem:s20+$0x5268] =	vst v1  }
0x5c: {  	[tilespmem:s15], [sflag:$0x2] =	stream.linear.gather [hbm4b:s8+s31], $0x3E80, $0x38;
	[tilespmem:$0x1DA88] =	vst v63  }
0x5d: {  	_ =	swait.ge [sflag:s14], $0x3E80  }
0x5e: {  	[sflag:s14] =	ssyncset.done $0x0  }
0x5f: {  	s19 =	simm.s32 $0x0;
	[sflag:s14] =	ssyncadd.s32 $0xFFFFC180  }
0x60: {  	v4 =	vld [tilespmem:s19+$0x14C78]  }
0x61: {  	v5 =	vld [tilespmem:s19+$0x14C08]  }
0x62: {  	v6 =	vld [tilespmem:s19+$0x14C18]  }
0x63: {  	v3 =	vld [tilespmem:s19+$0x14C28]  }
0x64: {  	v1 =	vld [tilespmem:s19+$0x14C38]  }
0x65: {  	v2 =	vld [tilespmem:s19+$0x14C48];
	[tilespmem:s19+$0x90F8] =	vst v4  }
0x66: {  	[tilespmem:s19+$0x9088] =	vst v5;
	v4 =	vld [tilespmem:s19+$0x14C58]  }
0x67: {  	s21 =	simm.s32 $0x400;
	s20 =	simm.s32 $0x80;
	[tilespmem:s19+$0x9098] =	vst v6;
	v5 =	vld [tilespmem:s19+$0x14C68]  }
.LBB2_8:
0x68: {  	p0 =	sne.s32 s21, $0xF800;
	v6 =	vld [tilespmem:s20+$0x14C78];
	[tilespmem:s19+$0x90A8] =	vst v3  }
0x69: {  	v7 =	vld [tilespmem:s20+$0x14C08];
	[tilespmem:s19+$0x90B8] =	vst v1  }
0x6a: {  	v8 =	vld [tilespmem:s20+$0x14C18];
	[tilespmem:s19+$0x90C8] =	vst v2  }
.Ltmp3:
0x6b: {  	v3 =	vld [tilespmem:s20+$0x14C28];
	[tilespmem:s19+$0x90D8] =	vst v4;
	(pc) =	sbr.rel @p0 .LBB2_8-.Ltmp3, $4  }
0x6c: {  	v1 =	vld [tilespmem:s20+$0x14C38];
	[tilespmem:s19+$0x90E8] =	vst v5;
	s19 =	smov.u32 s20  }
0x6d: {  	v2 =	vld [tilespmem:s19+$0x14C48];
	[tilespmem:s19+$0x90F8] =	vst v6  }
0x6e: {  	[tilespmem:s19+$0x9088] =	vst v7;
	v4 =	vld [tilespmem:s19+$0x14C58]  }
0x6f: {  	s20 =	sshra.s32 s21, $0x2;
	s21 =	sadd.s32 $0x200, s21;
	[tilespmem:s19+$0x9098] =	vst v8;
	v5 =	vld [tilespmem:s19+$0x14C68]  }
0x70: {  	v6 =	vld [tilespmem:s20+$0x14C78];
	[tilespmem:s19+$0x90A8] =	vst v3  }
0x71: {  	v3 =	vld [tilespmem:s20+$0x14C08];
	[tilespmem:s19+$0x90B8] =	vst v1  }
0x72: {  	v1 =	vld [tilespmem:s20+$0x14C18];
	[tilespmem:s19+$0x90C8] =	vst v2  }
0x73: {  	v2 =	vld [tilespmem:s20+$0x14C28];
	[tilespmem:s19+$0x90D8] =	vst v4  }
0x74: {  	v4 =	vld [tilespmem:s20+$0x14C38];
	[tilespmem:s19+$0x90E8] =	vst v5  }
0x75: {  	v5 =	vld [tilespmem:s20+$0x14C48];
	[tilespmem:s20+$0x90F8] =	vst v6  }
0x76: {  	[tilespmem:s20+$0x9088] =	vst v3;
	v3 =	vld [tilespmem:s20+$0x14C58]  }
0x77: {  	[tilespmem:s20+$0x9098] =	vst v1;
	v1 =	vld [tilespmem:s20+$0x14C68]  }
0x78: {  	[tilespmem:s20+$0x90A8] =	vst v2  }
0x79: {  	[tilespmem:s20+$0x90B8] =	vst v4  }
0x7a: {  	[tilespmem:s20+$0x90C8] =	vst v5  }
0x7b: {  	[tilespmem:s20+$0x90D8] =	vst v3  }
0x7c: {  	s31 =	simm.s32 $0x0;
	[tilespmem:s20+$0x90E8] =	vst v1  }
0x7d: {  	[tilespmem:s15], [sflag:$0x2] =	stream.linear.gather [hbm4b:s9+s31], $0x3E80, $0x38;
	[tilespmem:$0x1DA88] =	vst v63  }
0x7e: {  	_ =	swait.ge [sflag:s14], $0x3E80  }
0x7f: {  	[sflag:s14] =	ssyncset.done $0x0  }
0x80: {  	s19 =	simm.s32 $0x0;
	[sflag:s14] =	ssyncadd.s32 $0xFFFFC180  }
0x81: {  	v4 =	vld [tilespmem:s19+$0x14C78]  }
0x82: {  	v5 =	vld [tilespmem:s19+$0x14C08]  }
0x83: {  	v6 =	vld [tilespmem:s19+$0x14C18]  }
0x84: {  	v3 =	vld [tilespmem:s19+$0x14C28]  }
0x85: {  	v1 =	vld [tilespmem:s19+$0x14C38]  }
0x86: {  	v2 =	vld [tilespmem:s19+$0x14C48];
	[tilespmem:s19+$0xCF78] =	vst v4  }
0x87: {  	[tilespmem:s19+$0xCF08] =	vst v5;
	v4 =	vld [tilespmem:s19+$0x14C58]  }
0x88: {  	s21 =	simm.s32 $0x400;
	s20 =	simm.s32 $0x80;
	[tilespmem:s19+$0xCF18] =	vst v6;
	v5 =	vld [tilespmem:s19+$0x14C68]  }
.LBB2_10:
0x89: {  	p0 =	sne.s32 s21, $0xF800;
	v6 =	vld [tilespmem:s20+$0x14C78];
	[tilespmem:s19+$0xCF28] =	vst v3  }
0x8a: {  	v7 =	vld [tilespmem:s20+$0x14C08];
	[tilespmem:s19+$0xCF38] =	vst v1  }
0x8b: {  	v8 =	vld [tilespmem:s20+$0x14C18];
	[tilespmem:s19+$0xCF48] =	vst v2  }
.Ltmp4:
0x8c: {  	v3 =	vld [tilespmem:s20+$0x14C28];
	[tilespmem:s19+$0xCF58] =	vst v4;
	(pc) =	sbr.rel @p0 .LBB2_10-.Ltmp4, $4  }
0x8d: {  	v1 =	vld [tilespmem:s20+$0x14C38];
	[tilespmem:s19+$0xCF68] =	vst v5;
	s19 =	smov.u32 s20  }
0x8e: {  	v2 =	vld [tilespmem:s19+$0x14C48];
	[tilespmem:s19+$0xCF78] =	vst v6  }
0x8f: {  	[tilespmem:s19+$0xCF08] =	vst v7;
	v4 =	vld [tilespmem:s19+$0x14C58]  }
0x90: {  	s20 =	sshra.s32 s21, $0x2;
	s21 =	sadd.s32 $0x200, s21;
	[tilespmem:s19+$0xCF18] =	vst v8;
	v5 =	vld [tilespmem:s19+$0x14C68]  }
0x91: {  	v6 =	vld [tilespmem:s20+$0x14C78];
	[tilespmem:s19+$0xCF28] =	vst v3  }
0x92: {  	v3 =	vld [tilespmem:s20+$0x14C08];
	[tilespmem:s19+$0xCF38] =	vst v1  }
0x93: {  	v1 =	vld [tilespmem:s20+$0x14C18];
	[tilespmem:s19+$0xCF48] =	vst v2  }
0x94: {  	v2 =	vld [tilespmem:s20+$0x14C28];
	[tilespmem:s19+$0xCF58] =	vst v4  }
0x95: {  	v4 =	vld [tilespmem:s20+$0x14C38];
	[tilespmem:s19+$0xCF68] =	vst v5  }
0x96: {  	v5 =	vld [tilespmem:s20+$0x14C48];
	[tilespmem:s20+$0xCF78] =	vst v6  }
0x97: {  	[tilespmem:s20+$0xCF08] =	vst v3;
	v3 =	vld [tilespmem:s20+$0x14C58]  }
0x98: {  	[tilespmem:s20+$0xCF18] =	vst v1;
	v1 =	vld [tilespmem:s20+$0x14C68]  }
0x99: {  	[tilespmem:s20+$0xCF28] =	vst v2  }
0x9a: {  	[tilespmem:s20+$0xCF38] =	vst v4  }
0x9b: {  	[tilespmem:s20+$0xCF48] =	vst v5  }
0x9c: {  	[tilespmem:s20+$0xCF58] =	vst v3  }
0x9d: {  	s31 =	simm.s32 $0x0;
	[tilespmem:s20+$0xCF68] =	vst v1  }
0x9e: {  	[tilespmem:s15], [sflag:$0x2] =	stream.linear.gather [hbm4b:s10+s31], $0x3E80, $0x38;
	[tilespmem:$0x1DA88] =	vst v63  }
0x9f: {  	_ =	swait.ge [sflag:s14], $0x3E80  }
0xa0: {  	[sflag:s14] =	ssyncset.done $0x0  }
0xa1: {  	s19 =	simm.s32 $0x0;
	[sflag:s14] =	ssyncadd.s32 $0xFFFFC180  }
0xa2: {  	v4 =	vld [tilespmem:s19+$0x14C78]  }
0xa3: {  	v5 =	vld [tilespmem:s19+$0x14C08]  }
0xa4: {  	v6 =	vld [tilespmem:s19+$0x14C18]  }
0xa5: {  	v3 =	vld [tilespmem:s19+$0x14C28]  }
0xa6: {  	v1 =	vld [tilespmem:s19+$0x14C38]  }
0xa7: {  	v2 =	vld [tilespmem:s19+$0x14C48];
	[tilespmem:s19+$0x10DF8] =	vst v4  }
0xa8: {  	[tilespmem:s19+$0x10D88] =	vst v5;
	v4 =	vld [tilespmem:s19+$0x14C58]  }
0xa9: {  	s21 =	simm.s32 $0x400;
	s20 =	simm.s32 $0x80;
	[tilespmem:s19+$0x10D98] =	vst v6;
	v5 =	vld [tilespmem:s19+$0x14C68]  }
.LBB2_12:
0xaa: {  	p0 =	sne.s32 s21, $0xF800;
	v6 =	vld [tilespmem:s20+$0x14C78];
	[tilespmem:s19+$0x10DA8] =	vst v3  }
0xab: {  	v7 =	vld [tilespmem:s20+$0x14C08];
	[tilespmem:s19+$0x10DB8] =	vst v1  }
0xac: {  	v8 =	vld [tilespmem:s20+$0x14C18];
	[tilespmem:s19+$0x10DC8] =	vst v2  }
.Ltmp5:
0xad: {  	v3 =	vld [tilespmem:s20+$0x14C28];
	[tilespmem:s19+$0x10DD8] =	vst v4;
	(pc) =	sbr.rel @p0 .LBB2_12-.Ltmp5, $4  }
0xae: {  	v1 =	vld [tilespmem:s20+$0x14C38];
	[tilespmem:s19+$0x10DE8] =	vst v5;
	s19 =	smov.u32 s20  }
0xaf: {  	v2 =	vld [tilespmem:s19+$0x14C48];
	[tilespmem:s19+$0x10DF8] =	vst v6  }
0xb0: {  	[tilespmem:s19+$0x10D88] =	vst v7;
	v4 =	vld [tilespmem:s19+$0x14C58]  }
0xb1: {  	s20 =	sshra.s32 s21, $0x2;
	s21 =	sadd.s32 $0x200, s21;
	[tilespmem:s19+$0x10D98] =	vst v8;
	v5 =	vld [tilespmem:s19+$0x14C68]  }
0xb2: {  	v6 =	vld [tilespmem:s20+$0x14C78];
	[tilespmem:s19+$0x10DA8] =	vst v3  }
0xb3: {  	v3 =	vld [tilespmem:s20+$0x14C08];
	[tilespmem:s19+$0x10DB8] =	vst v1  }
0xb4: {  	v1 =	vld [tilespmem:s20+$0x14C18];
	[tilespmem:s19+$0x10DC8] =	vst v2  }
0xb5: {  	v2 =	vld [tilespmem:s20+$0x14C28];
	[tilespmem:s19+$0x10DD8] =	vst v4  }
0xb6: {  	v4 =	vld [tilespmem:s20+$0x14C38];
	[tilespmem:s19+$0x10DE8] =	vst v5  }
0xb7: {  	v5 =	vld [tilespmem:s20+$0x14C48];
	[tilespmem:s20+$0x10DF8] =	vst v6  }
0xb8: {  	[tilespmem:s20+$0x10D88] =	vst v3;
	v3 =	vld [tilespmem:s20+$0x14C58]  }
0xb9: {  	[tilespmem:s20+$0x10D98] =	vst v1;
	v1 =	vld [tilespmem:s20+$0x14C68]  }
0xba: {  	[tilespmem:s20+$0x10DA8] =	vst v2  }
0xbb: {  	[tilespmem:s20+$0x10DB8] =	vst v4  }
0xbc: {  	[tilespmem:s20+$0x10DC8] =	vst v5  }
0xbd: {  	[tilespmem:s20+$0x10DD8] =	vst v3  }
0xbe: {  	[tilespmem:s20+$0x10DE8] =	vst v1  }
0xbf: {  	_ =	swait.ge [sflag:s16], $0x1388  }
0xc0: {  	[sflag:s16] =	ssyncset.done $0x0  }
0xc1: {  	[sflag:s16] =	ssyncadd.s32 $0xFFFFEC78  }
0xc2: {  	[bflag:$0x0] =	sbarrier.arrive $0xFFFF  }
0xc3: {  	[spmem:s2] =	stream.indirect.scatter.add.f32 [tilespmem:s17], [sflag:$0x2], $0x10, s3, s17, $0xb8;
	[tilespmem:$0x1DA88] =	vst v63  }
0xc4: {  	_ =	swait.ge [sflag:s14], $0x13880  }
0xc5: {  	s30 =	sshll.u32 s0, $0x6;
	s18 =	sadd.s32 $0x1, s18;
	[sflag:s14] =	ssyncset.done $0x0  }
0xc6: {  	s31 =	sshrl.u32 s5, $0x3;
	p0 =	sne.s32 s18, s12;
	[sflag:s14] =	ssyncadd.s32 $0xFFFEC780  }
.Ltmp6:
0xc7: {  	s19 =	sor.u32 $0x1C02, s30;
	[bflag:$0x0] =	sbarrier.arrive $0xFFFF;
	(pc) =	sbr.rel @p0 .LBB2_1-.Ltmp6, $4  }
0xc8: {  	[hbm:s11], [sflag:s19] =	dma.local [spmem:s31], $0x500  }
0xc9: {  	_ =	swait.ge [sflag:s14], $0x500  }
0xca: {  	[sflag:s14] =	ssyncset.done $0x0  }
0xcb: {  	[sflag:s14] =	ssyncadd.s32 $0xFFFFFB00  }
0xcc: {  	_ =	sfence.sel $0x180000  }
0xcd: {  	[bflag:$0x0] =	sbarrier.arrive $0xFFFF  }
0xce: {  	p0 =	sne.s32 s0, $0x0;
	_ =	strace $0x9000004A  }
0xcf: {  	s0 =	sadd.s32 @!p0 $0x100000, s1;
	[bflag:$0x2] =	sbarrier.arrive $0xFFFF  }
0xd0: {  	[sflag:s0] =	ssyncadd.tile.s32 @!p0 $0x1;
	_ =	shalt  }
.Lfunc_end2:
_tile_overlayer_lowered:
.L_overlay_start_2:
0xd1: {  	(tag) =	ssettag $0x2  }
0xd2: {  	s0 =	rddreg [dreg:$0x0];
	s2 =	stileid.u32  }
0xd3: {  	s1 =	rddreg [dreg:$0x1];
	p0 =	sne.s32 s2, $0x0  }
0xd4: {  	s3 =	rddreg [dreg:$0x2];
	[bflag:$0x3] =	sbarrier.arrive $0xFFFF;
	s2 =	simm.s32 @!p0 $0x1C02  }
0xd5: {  	[timem:s3], [sflag:s2] =	dma.local @!p0 [hbm:s0], s1  }
0xd6: {  	s0 =	simm.s32 @!p0 $0x2  }
0xd7: {  	_ =	swait.ge @!p0 [sflag:s0], s1  }
0xd8: {  	s1 =	ssub.s32 @!p0 $0x0, s1;
	[sflag:s0] =	ssyncset.done @!p0 $0x0  }
0xd9: {  	[sflag:s0] =	ssyncadd.s32 @!p0 s1  }
0xda: {  	[bflag:$0x3] =	sbarrier.arrive $0xFFFF  }
0xdb: {  	_ =	shalt  }

// kernel: kernel.14.cloned.1.call-start
scs
__scs_entry_jumppad:
0x0: {  	(pc) =	sbr.rel $0x88, $3  }
0x1: {  	(tag) =	ssettag $0x0;
	lr =	simm.s32 $0x1  }
0x2: {  	[smem:$0x3F8D] =	sst lr;
	_ =	strace $0xD0000000  }
0x3: {  	_ = 	snop  }
0x4: {  	_ = 	snop  }
0x5: {  	_ = 	snop  }
0x6: {  	_ = 	snop  }
0x7: {  	_ = 	snop  }
__scs_overlays_trampoline_lowered:
0x8: {  	[smem:$0x3F9C] =	sst s0  }
0x9: {  	[smem:$0x3F9D] =	sst s1  }
0xa: {  	[smem:$0x3F9E] =	sst s2  }
0xb: {  	[smem:$0x3F9F] =	sst s3  }
0xc: {  	[smem:$0x3FA0] =	sst s4  }
0xd: {  	[smem:$0x3FA1] =	sst s5  }
0xe: {  	[smem:$0x3FA2] =	sst s6  }
0xf: {  	[smem:$0x3FA3] =	sst s7  }
0x10: {  	[smem:$0x3FA4] =	sst s8  }
0x11: {  	[smem:$0x3FA5] =	sst s9;
	s0 =	simm.s32 @!p0 $0x0  }
0x12: {  	s1 =	sld [smem:$0x3F8B];
	s0 =	simm.s32 @p0 $0x1  }
0x13: {  	[smem:$0x3FA6] =	sst s0;
	s0 =	simm.s32 @!p1 $0x0  }
0x14: {  	s2 =	sld [smem:$0x3F8A];
	s0 =	simm.s32 @p1 $0x1  }
0x15: {  	[smem:$0x3FA7] =	sst s0;
	s0 =	simm.s32 @!p2 $0x0  }
0x16: {  	s3 =	sld [smem:$0x3FDB];
	s0 =	simm.s32 @p2 $0x1  }
0x17: {  	s4 =	simm.s32 $0x1BF5;
	[smem:$0x3FA9] =	sst s0  }
0x18: {  	s0 =	sld [smem:$0x3F8C];
	_ =	swait.ge [sflag:s4], $0x0  }
0x19: {  	s7 =	sld [smem:$0x3F8D]  }
0x1a: {  	s8 =	sadd.s32 $0xFFFFE003, lr  }
0x1b: {  	s9 =	sadd.s32 $0xFFFFFEF7, lr;
	s5 =	simm.s32 $0xFFFFFFFF;
	p2 =	slt.u32 s8, $0xFFFFF086  }
0x1c: {  	p1 =	slt.u32 s9, $0xF7A;
	s5 =	simm.s32 @!p2 $0x0  }
0x1d: {  	s5 =	simm.s32 @p1 $0x1;
	p0 =	seq.s32 s7, s2  }
0x1e: {  	s7 =	smul.u32 @!p0 $0xF7A, s2;
	p2 =	seq.s32 @!p0 s5, $0x0  }
0x1f: {  	s9 =	smul.u32 $0xF7A, s1;
	s8 =	simm.s32 @!p0 $0x1BF5;
	p2 =	por !p2, p0  }
0x20: {  	[sflag:s8] =	ssyncset.s32 @!p0 $0xFFFFF086;
	s6 =	sadd.s32 @!p0 s3, s7;
	s7 =	simm.s32 @!p0 $0x108  }
0x21: {  	s3 =	sadd.s32 s3, s9;
	s6 =	sadd.s32 @!p0 $0x88, s6;
	s7 =	simm.s32 @p2 $0x1082  }
0x22: {  	[simem:s7], [sflag:s8] =	dma.local @!p0 [hbm:s6], $0xF7A  }
0x23: {  	s9 =	sor.u32 $0xD0000000, s2;
	s6 =	simm.s32 $0x108;
	_ =	swait.ge @!p0 [sflag:s8], $0x0  }
0x24: {  	s3 =	sadd.s32 $0x88, s3;
	s6 =	simm.s32 @!p1 $0x1082;
	[sflag:s4] =	ssyncset.s32 $0xFFFFF086  }
0x25: {  	[simem:s6], [sflag:s4] =	dma.local [hbm:s3], $0xF7A  }
0x26: {  	[smem:$0x3F8D] =	sst s1;
	(tag) =	ssettag s2;
	_ =	strace s9  }
0x27: {  	s1 =	sld [smem:$0x3F9D]  }
0x28: {  	s2 =	sld [smem:$0x3F9E]  }
0x29: {  	s4 =	sld [smem:$0x3FA0]  }
0x2a: {  	p0 =	seq.s32 s5, $0x0;
	s5 =	sld [smem:$0x3FA1]  }
0x2b: {  	s6 =	sld [smem:$0x3FA2]  }
0x2c: {  	s7 =	sld [smem:$0x3FA3]  }
0x2d: {  	s3 =	simm.s32 $0x108;
	s8 =	sld [smem:$0x3FA4]  }
0x2e: {  	s3 =	simm.s32 @!p0 $0x1082;
	s9 =	sld [smem:$0x3FA5]  }
0x2f: {  	lr =	sadd.s32 s0, s3;
	s0 =	sld [smem:$0x3F9C]  }
0x30: {  	s3 =	sld [smem:$0x3F9F]  }
0x31: {  	[smem:$0x3FA8] =	sst s10  }
0x32: {  	s10 =	sld [smem:$0x3FA6];
	_ =	sdelay $0x3  }
0x33: {  	p0 =	seq.s32 s10, $0x1;
	s10 =	sld [smem:$0x3FA8];
	_ =	sdelay $0x3  }
0x34: {  	[smem:$0x3FA8] =	sst s10  }
0x35: {  	s10 =	sld [smem:$0x3FA7];
	_ =	sdelay $0x3  }
0x36: {  	p1 =	seq.s32 s10, $0x1;
	s10 =	sld [smem:$0x3FA8];
	_ =	sdelay $0x3  }
0x37: {  	[smem:$0x3FA8] =	sst s10  }
0x38: {  	s10 =	sld [smem:$0x3FA9]  }
0x39: {  	_ = 	snop;
	(pc) =	sbr.ind lr, $3  }
0x3a: {  	_ = 	snop  }
0x3b: {  	_ = 	snop  }
0x3c: {  	p2 =	seq.s32 s10, $0x1;
	s10 =	sld [smem:$0x3FA8]  }
0x3d: {  	_ =	shalt  }
0x3e: {  	_ =	shalt  }
0x3f: {  	_ =	shalt  }
0x40: {  	_ =	shalt  }
0x41: {  	_ =	shalt  }
0x42: {  	_ =	shalt  }
0x43: {  	_ =	shalt  }
0x44: {  	_ =	shalt  }
0x45: {  	_ =	shalt  }
0x46: {  	_ =	shalt  }
0x47: {  	_ =	shalt  }
0x48: {  	_ =	shalt  }
0x49: {  	_ =	shalt  }
0x4a: {  	_ =	shalt  }
0x4b: {  	_ =	shalt  }
0x4c: {  	_ =	shalt  }
0x4d: {  	_ =	shalt  }
0x4e: {  	_ =	shalt  }
0x4f: {  	_ =	shalt  }
0x50: {  	_ =	shalt  }
0x51: {  	_ =	shalt  }
0x52: {  	_ =	shalt  }
0x53: {  	_ =	shalt  }
0x54: {  	_ =	shalt  }
0x55: {  	_ =	shalt  }
0x56: {  	_ =	shalt  }
0x57: {  	_ =	shalt  }
0x58: {  	_ =	shalt  }
0x59: {  	_ =	shalt  }
0x5a: {  	_ =	shalt  }
0x5b: {  	_ =	shalt  }
0x5c: {  	_ =	shalt  }
0x5d: {  	_ =	shalt  }
0x5e: {  	_ =	shalt  }
0x5f: {  	_ =	shalt  }
0x60: {  	_ =	shalt  }
0x61: {  	_ =	shalt  }
0x62: {  	_ =	shalt  }
0x63: {  	_ =	shalt  }
0x64: {  	_ =	shalt  }
0x65: {  	_ =	shalt  }
0x66: {  	_ =	shalt  }
0x67: {  	_ =	shalt  }
0x68: {  	_ =	shalt  }
0x69: {  	_ =	shalt  }
0x6a: {  	_ =	shalt  }
0x6b: {  	_ =	shalt  }
0x6c: {  	_ =	shalt  }
0x6d: {  	_ =	shalt  }
0x6e: {  	_ =	shalt  }
0x6f: {  	_ =	shalt  }
0x70: {  	_ =	shalt  }
0x71: {  	_ =	shalt  }
0x72: {  	_ =	shalt  }
0x73: {  	_ =	shalt  }
0x74: {  	_ =	shalt  }
0x75: {  	_ =	shalt  }
0x76: {  	_ =	shalt  }
0x77: {  	_ =	shalt  }
0x78: {  	_ =	shalt  }
0x79: {  	_ =	shalt  }
0x7a: {  	_ =	shalt  }
0x7b: {  	_ =	shalt  }
0x7c: {  	_ =	shalt  }
0x7d: {  	_ =	shalt  }
0x7e: {  	_ =	shalt  }
0x7f: {  	_ =	shalt  }
0x80: {  	_ =	shalt  }
0x81: {  	_ =	shalt  }
0x82: {  	_ =	shalt  }
0x83: {  	_ =	shalt  }
0x84: {  	_ =	shalt  }
0x85: {  	_ =	shalt  }
0x86: {  	_ =	shalt  }
0x87: {  	_ =	shalt  }
.Lfunc_end0:
.L_simem_size_0:
called_computation.2_lowered:
.L_overlay_start_0:
0x88: {  	s2 =	sld [smem:$0x3FD9]  }
0x89: {  	s3 =	sld [smem:$0x3FFE];
	_ =	sdelay $0x1  }
0x8a: {  	s1 =	srdreg.scid  }
0x8b: {  	s0 =	sand.u32 $0x1, s1  }
0x8c: {  	s16 =	sshll.u32 s0, $0xA;
	s2 =	sadd.s32 s3, s2  }
0x8d: {  	s2 =	sadd.s32 s2, s16  }
0x8e: {  	[smem:$0x3FB4] =	sst s2  }
0x8f: {  	_ = 	snop  }
0x90: {  	(tm) =	ssettm $0x1  }
0x91: {  	s17 =	sld [smem:$0x3FFB];
	_ =	sdelay $0x3  }
0x92: {  	_ =	strace s17  }
0x93: {  	s2 =	sld [smem:$0x3FFC];
	_ =	sdelay $0x3  }
0x94: {  	_ =	strace s2  }
0x95: {  	s2 =	sld [smem:$0x3FFD];
	_ =	sdelay $0x3  }
0x96: {  	_ =	strace s2  }
0x97: {  	_ =	strace $0x8FFFFFFF  }
0x98: {  	s18 =	sld [smem:$0x3FDB];
	_ =	sdelay $0x1  }
0x99: {  	s19 =	simm.s32 $_scs_section_size  }
0x9a: {  	s4 =	simm.s32 $_size__tile_overlayer_lowered;
	s5 =	simm.s32 $_tile_overlayer_lowered  }
0x9b: {  	s22 =	simm.s32 $0x1BFF;
	s21 =	sshll.u32 s5, $0x1;
	s2 =	sadd.s32 s19, s18  }
0x9c: {  	s6 =	simm.s32 $0x0;
	s20 =	sshll.u32 s4, $0x1;
	s4 =	sadd.s32 s21, s2  }
0x9d: {  	[timem:s6], [sflag:s22] =	dma.local [hbm:s4], s20  }
0x9e: {  	_ =	swait.ge [sflag:s22], s20  }
0x9f: {  	s3 =	ssub.s32 $0x0, s20;
	[sflag:s22] =	ssyncset.done $0x0  }
0xa0: {  	[sflag:s22] =	ssyncadd.s32 s3;
	_ =	sdelay $0x1  }
0xa1: {  	s23 =	simm.s32 $0x1B8B  }
0xa2: {  	_ =	swait.ge [sflag:s23], $0x1  }
0xa3: {  	[sflag:s23] =	ssyncset.done $0x0  }
0xa4: {  	s25 =	simm.s32 $0x1B8E;
	s24 =	sld [smem:$0x3FFE];
	[sflag:s23] =	ssyncadd.s32 $0xFFFFFFFF  }
0xa5: {  	s26 =	simm.s32 $execute0_lowered;
	[smem:$0x3FD2] =	sst s25  }
0xa6: {  	s4 =	sshll.u32 s26, $0x1;
	_ =	strace $0x8000004C;
	[dreg:$0x1] =	wrdreg $0xFFFFFFFF  }
0xa7: {  	s28 =	simm.s32 $_size_execute0_lowered;
	s2 =	sadd.s32 s2, s4;
	[dreg:$0x0] =	wrdreg $0x0  }
0xa8: {  	s4 =	sshll.u32 s28, $0x1;
	[dreg:$0x2] =	wrdreg s2  }
0xa9: {  	[dreg:$0x3] =	wrdreg s4  }
0xaa: {  	[dreg:$0x4] =	wrdreg $0xC0  }
0xab: {  	_ =	task [dreg:s6], $0x5FFFF  }
0xac: {  	[dreg:$0x1] =	wrdreg $0xFFFFFFFF  }
0xad: {  	[dreg:$0x0] =	wrdreg $0x60  }
0xae: {  	[dreg:$0x2] =	wrdreg s24  }
0xaf: {  	[dreg:$0x3] =	wrdreg $0x1B1B00  }
0xb0: {  	[dreg:$0x4] =	wrdreg $0x1D9B00  }
0xb1: {  	[dreg:$0x5] =	wrdreg $0x9  }
0xb2: {  	_ =	task.clear_ibuf [dreg:s6], $0x6FFFF;
	_ =	strace $0x9000004C  }
0xb3: {  	s29 =	simm.s32 $0x9;
	_ =	strace $0x8000004E  }
0xb4: {  	_ =	swait.ge [sflag:s29], $0x1  }
0xb5: {  	[sflag:s29] =	ssyncadd.s32 $0xFFFFFFFF  }
0xb6: {  	_ =	strace $0x9000004E  }
0xb7: {  	_ =	sfence  }
0xb8: {  	s30 =	sld [smem:$0x0];
	_ =	sdelay $0x2  }
0xb9: {  	s31 =	sshll.u32 s1, $0xD;
	s1 =	sshrl.u32 s1, $0x2  }
0xba: {  	s3 =	sand.u32 $0x4000, s31;
	s1 =	sadd.s32 s1, s30  }
0xbb: {  	s0 =	sor.u32 s3, s0;
	s1 =	sshll.u32 s1, $0x11  }
0xbc: {  	s0 =	sor.u32 s1, s0  }
0xbd: {  	s0 =	sadd.s32 $0x8F2B, s0  }
0xbe: {  	[sflag:s0] =	ssyncadd.remote.s32 $0x1  }
0xbf: {  	_ =	sfence.sel $0xFFFF  }
0xc0: {  	[dreg:$0x0] =	wrdreg $0xFFFFFFFF;
	(pc) =	sbr.abs _section_cstart, $3  }
0xc1: {  	[dreg:$0x1] =	wrdreg $0xFFFFFFFF  }
0xc2: {  	_ =	task.clear_ibuf [dreg:s6], $0x2FFFF;
	_ =	strace $0x9FFFFFFF  }
0xc3: {  	(tm) =	ssettm $0x7FFFFFFF  }
tec
execute0_lowered:
.L_overlay_start_1:
0x0: {  	(tag) =	ssettag $0x1  }
0x1: {  	s9 =	rddreg [dreg:$0x0]  }
0x2: {  	s1 =	srdreg.scid;
	s2 =	rddreg [dreg:$0x1]  }
0x3: {  	s0 =	stileid.u32;
	s3 =	rddreg [dreg:$0x2];
	s4 =	simm.s32 $0x0  }
0x4: {  	s16 =	simm.s32 $0x18730;
	s17 =	simm.s32 $0x4;
	s18 =	simm.s32 $0x1AF30  }
0x5: {  	s19 =	simm.s32 $0x1;
	s20 =	simm.s32 $0x2;
	s21 =	simm.s32 $0x2710  }
0x6: {  	s22 =	simm.s32 $0x3AA0;
	s23 =	simm.s32 $0x4E30;
	s24 =	simm.s32 $0x3  }
0x7: {  	s25 =	simm.s32 $0x0;
	s8 =	sand.u32 $0x1, s1;
	s11 =	smul.u32 $0x2800, s0  }
0x8: {  	s31 =	sshll.u32 s0, $0x1;
	[smem:$0x7FF] =	sst s4;
	s13 =	smul.u32 $0x280, s0  }
0x9: {  	s5 =	sadd.s32 $0x3C00, s9;
	s6 =	sadd.s32 $0x4200, s9;
	s12 =	smul.u32 $0x28000, s8  }
0xa: {  	s7 =	sadd.s32 $0x8AC00, s9;
	s1 =	sor.u32 s8, s31;
	s14 =	smul.u32 $0x2800, s8  }
0xb: {  	s8 =	ssub.s32 $0x2, s8;
	s10 =	smul.u32 $0x271, s1;
	s1 =	rddreg [dreg:$0x3]  }
0xc: {  	_ =	strace $0x8000004D;
	s15 =	sshrl.u32 s8, $0x1;
	s12 =	sadd.s32 s11, s12  }
0xd: {  	s14 =	sadd.s32 s13, s14;
	s15 =	ssub.s32 s8, s15;
	s12 =	sshrl.u32 s12, $0x3  }
0xe: {  	s10 =	sadd.s32 s10, s9;
	s14 =	sshrl.u32 s14, $0x3;
	s12 =	sadd.s32 s12, s9  }
0xf: {  	s14 =	sadd.s32 s14, s9;
	s8 =	sadd.s32 $0xDC00, s10;
	s9 =	sadd.s32 $0x8C00, s10  }
0x10: {  	s10 =	sadd.s32 s11, s2;
	s11 =	sadd.s32 s13, s3;
	s12 =	sadd.s32 $0x8FC00, s12  }
0x11: {  	v0 =	vimm.f32 $0.0e+00;
	s13 =	sadd.s32 $0x4800, s14;
	s14 =	smax.u32 s15, $0x1;
	s15 =	simm.s32 $0x1388  }
.LBB2_1:
0x12: {  	[tilespmem:s4], [sflag:$0x1] =	stream.linear.gather [hbm4b:s8+s4], $0x1388, $0x38;
	[tilespmem:$0x1DC30] =	vst v63  }
0x13: {  	s26 =	simm.s32 $0x40;
	s28 =	simm.s32 $0x0  }
0x14: {  	[tilespmem:s15], [sflag:$0x2] =	stream.linear.gather [hbm4b:s9+s4], $0x1388, $0x38;
	[tilespmem:$0x1DC30] =	vst v63  }
.LBB2_2:
0x15: {  	p0 =	sne.s32 s26, $0x9FC0;
	[tilespmem:s28+$0x18730] =	vst v0;
	s28 =	smov.u32 s26;
	s26 =	sadd.s32 $0x40, s26  }
.Ltmp0:
0x16: {  	(pc) =	sbr.rel @p0 .LBB2_2-.Ltmp0, $2  }
0x17: {  	_ =	sdelay $0x2  }
0x18: {  	s28 =	sshra.s32 s28, $0x2  }
0x19: {  	[tilespmem:s28+$0x18730] =	vst v0  }
0x1a: {  	[tilespmem:$0x1AF30] =	vst v0  }
0x1b: {  	[tilespmem:$0x1AF40] =	vst v0  }
0x1c: {  	[tilespmem:$0x1AF50] =	vst v0  }
0x1d: {  	[tilespmem:$0x1AF60] =	vst v0  }
0x1e: {  	[tilespmem:$0x1AF70] =	vst v0  }
0x1f: {  	[tilespmem:$0x1AF80] =	vst v0  }
0x20: {  	[tilespmem:$0x1AF90] =	vst v0  }
0x21: {  	[tilespmem:$0x1AFA0] =	vst v0  }
0x22: {  	[tilespmem:$0x1AFB0] =	vst v0  }
0x23: {  	[tilespmem:$0x1AFC0] =	vst v0  }
0x24: {  	[tilespmem:$0x1AFD0] =	vst v0  }
0x25: {  	[tilespmem:$0x1AFE0] =	vst v0  }
0x26: {  	[tilespmem:$0x1AFF0] =	vst v0  }
0x27: {  	[tilespmem:$0x1B000] =	vst v0  }
0x28: {  	[tilespmem:$0x1B010] =	vst v0  }
0x29: {  	[tilespmem:$0x1B020] =	vst v0  }
0x2a: {  	[tilespmem:$0x1B030] =	vst v0  }
0x2b: {  	[tilespmem:$0x1B040] =	vst v0  }
0x2c: {  	[tilespmem:$0x1B050] =	vst v0  }
0x2d: {  	[tilespmem:$0x1B060] =	vst v0  }
0x2e: {  	[tilespmem:$0x1B070] =	vst v0  }
0x2f: {  	[tilespmem:$0x1B080] =	vst v0  }
0x30: {  	[tilespmem:$0x1B090] =	vst v0  }
0x31: {  	[tilespmem:$0x1B0A0] =	vst v0  }
0x32: {  	[tilespmem:$0x1B0B0] =	vst v0  }
0x33: {  	[tilespmem:$0x1B0C0] =	vst v0  }
0x34: {  	[tilespmem:$0x1B0D0] =	vst v0  }
0x35: {  	[tilespmem:$0x1B0E0] =	vst v0  }
0x36: {  	[tilespmem:$0x1B0F0] =	vst v0  }
0x37: {  	[tilespmem:$0x1B100] =	vst v0  }
0x38: {  	[tilespmem:$0x1B110] =	vst v0  }
0x39: {  	[tilespmem:$0x1B120] =	vst v0  }
0x3a: {  	[tilespmem:$0x1B130] =	vst v0  }
0x3b: {  	[tilespmem:$0x1B140] =	vst v0  }
0x3c: {  	[tilespmem:$0x1B150] =	vst v0  }
0x3d: {  	[tilespmem:$0x1B160] =	vst v0  }
0x3e: {  	[tilespmem:$0x1B170] =	vst v0  }
0x3f: {  	[tilespmem:$0x1B180] =	vst v0  }
0x40: {  	[tilespmem:$0x1B190] =	vst v0  }
0x41: {  	[tilespmem:$0x1B1A0] =	vst v0  }
0x42: {  	[spmem:s10] =	stream.linear.scatter [tilespmem:s16], [sflag:$0x4], $0x2800, $0x38;
	[tilespmem:$0x1DC30] =	vst v63  }
0x43: {  	_ =	swait.ge [sflag:s17], $0x2800  }
0x44: {  	[sflag:s17] =	ssyncset.done $0x0  }
0x45: {  	[sflag:s17] =	ssyncadd.s32 $0xFFFFD800  }
0x46: {  	[spmem:s11] =	stream.linear.scatter [tilespmem:s18], [sflag:$0x4], $0x280, $0x38;
	[tilespmem:$0x1DC30] =	vst v63  }
0x47: {  	_ =	swait.ge [sflag:s17], $0x280  }
0x48: {  	[sflag:s17] =	ssyncset.done $0x0  }
0x49: {  	[sflag:s17] =	ssyncadd.s32 $0xFFFFFD80  }
0x4a: {  	_ =	swait.ge [sflag:s19], $0x1388  }
0x4b: {  	[sflag:s19] =	ssyncset.done $0x0  }
0x4c: {  	[sflag:s19] =	ssyncadd.s32 $0xFFFFEC78  }
0x4d: {  	_ =	swait.ge [sflag:s20], $0x1388  }
0x4e: {  	[sflag:s20] =	ssyncset.done $0x0  }
0x4f: {  	[sflag:s20] =	ssyncadd.s32 $0xFFFFEC78  }
0x50: {  	s26 =	simm.s32 $0x0;
	[bflag:$0x0] =	sbarrier.arrive $0xFFFF  }
0x51: {  	[tilespmem:s21], [sflag:$0x1] =	stream.indirect.gather [hbm4b:s5+s15], $0x1, s26, s15, $0xb8;
	[tilespmem:$0x1DC30] =	vst v63  }
0x52: {  	_ = 	snop  }
0x53: {  	[tilespmem:s22], [sflag:$0x2] =	stream.indirect.gather [hbm4b:s6+s15], $0x1, s15, s15, $0xb8;
	[tilespmem:$0x1DC30] =	vst v63  }
0x54: {  	_ = 	snop  }
0x55: {  	[tilespmem:s23], [sflag:$0x3] =	stream.indirect.gather [hbm4b:s7+s15], $0x10, s26, s15, $0xb8;
	[tilespmem:$0x1DC30] =	vst v63  }
0x56: {  	_ =	swait.ge [sflag:s19], $0x1388  }
0x57: {  	[sflag:s19] =	ssyncset.done $0x0  }
0x58: {  	[sflag:s19] =	ssyncadd.s32 $0xFFFFEC78  }
0x59: {  	_ =	swait.ge [sflag:s20], $0x1388  }
0x5a: {  	[sflag:s20] =	ssyncset.done $0x0  }
0x5b: {  	s26 =	simm.s32 $0x0;
	[sflag:s20] =	ssyncadd.s32 $0xFFFFEC78  }
0x5c: {  	s28 =	simm.s32 $0x40;
	v1 =	vld [tilespmem:s26+$0x3AA0]  }
.LBB2_4:
0x5d: {  	p0 =	sne.s32 s28, $0x4E00;
	v2 =	vld [tilespmem:s26+$0x2710];
	_ =	sdelay $0x4  }
0x5e: {  	v1 =	vadd.f32 v1, v2;
	_ =	sdelay $0x1  }
0x5f: {  	v2 =	vmul.f32 $2.000000030e-01, v1  }
0x60: {  	vm0 =	vgt.f32 v1, $0.0e+00  }
0x61: {  	v1 =	vsel vm0, v1, v2  }
0x62: {  	v1 =	vmul.f32 $1.442695020e+00, v1;
	_ =	sdelay $0x1  }
0x63: {  	(erf) = vpow2.f32 v1;
	_ =	sdelay $0x5  }
.Ltmp1:
0x64: {  	(pc) =	sbr.rel @p0 .LBB2_4-.Ltmp1, $3  }
0x65: {  	_ =	sdelay $0x1  }
0x66: {  	s29 =	sshra.s32 s28, $0x2;
	v2 =	vpop (erf)  }
0x67: {  	s28 =	sadd.s32 $0x40, s28;
	v1 =	vld [tilespmem:s29+$0x3AA0];
	[tilespmem:s26+$0x2710] =	vst v2;
	s26 =	smov.u32 s29  }
0x68: {  	v2 =	vld [tilespmem:s26+$0x2710];
	_ =	sdelay $0x4  }
0x69: {  	v1 =	vadd.f32 v1, v2;
	_ =	sdelay $0x1  }
0x6a: {  	v2 =	vmul.f32 $2.000000030e-01, v1  }
0x6b: {  	vm0 =	vgt.f32 v1, $0.0e+00  }
0x6c: {  	v1 =	vsel vm0, v1, v2  }
0x6d: {  	v1 =	vmul.f32 $1.442695020e+00, v1;
	_ =	sdelay $0x1  }
0x6e: {  	(erf) = vpow2.f32 v1;
	_ =	sdelay $0x8  }
0x6f: {  	v1 =	vpop (erf)  }
0x70: {  	[tilespmem:s26+$0x2710] =	vst v1  }
0x71: {  	[spmem:s3] =	stream.indirect.scatter.add.f32 [tilespmem:s21], [sflag:$0x4], $0x1, s15, s15, $0xb8;
	[tilespmem:$0x1DC30] =	vst v63  }
0x72: {  	_ =	swait.ge [sflag:s17], $0x1388  }
0x73: {  	[sflag:s17] =	ssyncset.done $0x0  }
0x74: {  	[sflag:s17] =	ssyncadd.s32 $0xFFFFEC78  }
0x75: {  	_ =	swait.ge [sflag:s24], $0x13880  }
0x76: {  	[sflag:s24] =	ssyncset.done $0x0  }
0x77: {  	s26 =	simm.s32 $0x4EB0;
	[sflag:s24] =	ssyncadd.s32 $0xFFFEC780  }
0x78: {  	s30 =	simm.s32 $0x0;
	s29 =	simm.s32 $0x40;
	s28 =	simm.s32 $0x4EB0;
	v1 =	vld [tilespmem:s26+$0xFFFFFFB0]  }
.LBB2_6:
0x79: {  	p0 =	sne.s32 s29, $0x4E00;
	v2 =	vld [tilespmem:s30+$0x2710]  }
0x7a: {  	v3 =	vld [tilespmem:s26+$0xFFFFFF90]  }
0x7b: {  	v4 =	vld [tilespmem:s26+$0xFFFFFF80]  }
0x7c: {  	v5 =	vld [tilespmem:s26+$0xFFFFFFA0]  }
0x7d: {  	v6 =	vld [tilespmem:s26+$0xFFFFFFF0]  }
0x7e: {  	v7 =	vbroadcast v2, $0x0;
	v8 =	vbroadcast v2, $0x1;
	v9 =	vld [tilespmem:s26+$0xFFFFFFD0]  }
0x7f: {  	v10 =	vbroadcast v2, $0x2;
	v11 =	vbroadcast v2, $0x3;
	v12 =	vld [tilespmem:s26+$0xFFFFFFC0]  }
0x80: {  	v4 =	vmul.f32 v7, v4;
	v3 =	vmul.f32 v3, v8;
	v7 =	vld [tilespmem:s26+$0xFFFFFFE0]  }
0x81: {  	v1 =	vmul.f32 v1, v11;
	v5 =	vmul.f32 v5, v10;
	v8 =	vld [tilespmem:s26+$0x30]  }
0x82: {  	v10 =	vbroadcast v2, $0x5;
	[tilespmem:s26+$0xFFFFFF80] =	vst v4;
	v4 =	vbroadcast v2, $0x4;
	v11 =	vld [tilespmem:s26+$0x10]  }
0x83: {  	v13 =	vbroadcast v2, $0x7;
	[tilespmem:s26+$0xFFFFFF90] =	vst v3;
	v3 =	vbroadcast v2, $0x6;
	v14 =	vld [tilespmem:s26+$0x0]  }
0x84: {  	[tilespmem:s26+$0xFFFFFFA0] =	vst v5;
	v4 =	vmul.f32 v12, v4;
	v5 =	vmul.f32 v9, v10;
	v9 =	vld [tilespmem:s26+$0x20]  }
0x85: {  	[tilespmem:s26+$0xFFFFFFB0] =	vst v1;
	v1 =	vmul.f32 v7, v3;
	v3 =	vmul.f32 v6, v13;
	v6 =	vld [tilespmem:s26+$0x70]  }
0x86: {  	v7 =	vbroadcast v2, $0x9;
	[tilespmem:s26+$0xFFFFFFC0] =	vst v4;
	v4 =	vbroadcast v2, $0x8;
	v10 =	vld [tilespmem:s26+$0x50]  }
0x87: {  	v12 =	vbroadcast v2, $0xB;
	[tilespmem:s26+$0xFFFFFFD0] =	vst v5;
	v5 =	vbroadcast v2, $0xA;
	v13 =	vld [tilespmem:s26+$0x40]  }
0x88: {  	[tilespmem:s26+$0xFFFFFFE0] =	vst v1;
	v1 =	vmul.f32 v14, v4;
	v4 =	vmul.f32 v11, v7;
	v7 =	vld [tilespmem:s26+$0x60]  }
0x89: {  	[tilespmem:s26+$0xFFFFFFF0] =	vst v3;
	v3 =	vmul.f32 v9, v5;
	v5 =	vmul.f32 v8, v12  }
0x8a: {  	v8 =	vbroadcast v2, $0xD;
	[tilespmem:s26+$0x0] =	vst v1;
	v1 =	vbroadcast v2, $0xC  }
0x8b: {  	[tilespmem:s26+$0x10] =	vst v4;
	v4 =	vbroadcast v2, $0xE;
	v2 =	vbroadcast v2, $0xF  }
0x8c: {  	[tilespmem:s26+$0x20] =	vst v3;
	v1 =	vmul.f32 v13, v1;
	v3 =	vmul.f32 v10, v8  }
.Ltmp2:
0x8d: {  	[tilespmem:s26+$0x30] =	vst v5;
	v4 =	vmul.f32 v7, v4;
	v2 =	vmul.f32 v6, v2;
	(pc) =	sbr.rel @p0 .LBB2_6-.Ltmp2, $4  }
0x8e: {  	[tilespmem:s26+$0x40] =	vst v1  }
0x8f: {  	[tilespmem:s26+$0x50] =	vst v3  }
0x90: {  	s26 =	sadd.s32 $0x100, s26;
	[tilespmem:s28+$0x60] =	vst v4  }
0x91: {  	s30 =	sshra.s32 s29, $0x2;
	s29 =	sadd.s32 $0x40, s29;
	v1 =	vld [tilespmem:s26+$0xFFFFFFB0];
	[tilespmem:s28+$0x70] =	vst v2;
	s28 =	smov.u32 s26  }
0x92: {  	v2 =	vld [tilespmem:s30+$0x2710];
	_ =	sdelay $0x1  }
0x93: {  	v3 =	vld [tilespmem:s26+$0xFFFFFF80]  }
0x94: {  	v4 =	vld [tilespmem:s26+$0xFFFFFF90]  }
0x95: {  	v5 =	vld [tilespmem:s26+$0xFFFFFFA0]  }
0x96: {  	v6 =	vbroadcast v2, $0x0  }
0x97: {  	v9 =	vld [tilespmem:s26+$0xFFFFFFD0];
	v7 =	vbroadcast v2, $0x1  }
0x98: {  	v8 =	vld [tilespmem:s26+$0xFFFFFFC0];
	v10 =	vbroadcast v2, $0x2;
	v3 =	vmul.f32 v6, v3  }
0x99: {  	v48 =	vld [tilespmem:s26+$0xFFFFFFE0];
	v47 =	vbroadcast v2, $0x3;
	v4 =	vmul.f32 v4, v7  }
0x9a: {  	v51 =	vld [tilespmem:s26+$0x10];
	v49 =	vbroadcast v2, $0x5;
	v5 =	vmul.f32 v5, v10;
	[tilespmem:s26+$0xFFFFFF80] =	vst v3  }
0x9b: {  	v11 =	vld [tilespmem:s26+$0xFFFFFFF0];
	v1 =	vmul.f32 v1, v47;
	v3 =	vbroadcast v2, $0x4;
	[tilespmem:s26+$0xFFFFFF90] =	vst v4  }
0x9c: {  	v50 =	vld [tilespmem:s26+$0x0];
	v12 =	vbroadcast v2, $0x6;
	v6 =	vmul.f32 v9, v49;
	[tilespmem:s26+$0xFFFFFFA0] =	vst v5  }
0x9d: {  	v56 =	vld [tilespmem:s26+$0x50];
	v54 =	vbroadcast v2, $0x9;
	[tilespmem:s26+$0xFFFFFFB0] =	vst v1;
	v3 =	vmul.f32 v8, v3  }
0x9e: {  	v53 =	vld [tilespmem:s26+$0x20];
	v52 =	vbroadcast v2, $0x7;
	v7 =	vmul.f32 v48, v12;
	[tilespmem:s26+$0xFFFFFFD0] =	vst v6  }
0x9f: {  	v59 =	vmul.f32 v51, v54;
	v1 =	vld [tilespmem:s26+$0x30];
	[tilespmem:s26+$0xFFFFFFC0] =	vst v3;
	v3 =	vbroadcast v2, $0x8  }
0xa0: {  	v55 =	vld [tilespmem:s26+$0x40];
	v62 =	vbroadcast v2, $0xD;
	v5 =	vmul.f32 v11, v52;
	[tilespmem:s26+$0xFFFFFFE0] =	vst v7  }
0xa1: {  	v60 =	vld [tilespmem:s26+$0x60];
	v57 =	vbroadcast v2, $0xA;
	[tilespmem:s26+$0x10] =	vst v59;
	v3 =	vmul.f32 v50, v3  }
0xa2: {  	v61 =	vld [tilespmem:s26+$0x70];
	v58 =	vbroadcast v2, $0xB;
	v4 =	vmul.f32 v56, v62;
	[tilespmem:s26+$0xFFFFFFF0] =	vst v5  }
0xa3: {  	v8 =	vmul.f32 v53, v57;
	[tilespmem:s26+$0x0] =	vst v3;
	v3 =	vbroadcast v2, $0xC  }
0xa4: {  	v63 =	vbroadcast v2, $0xE;
	[tilespmem:s26+$0x50] =	vst v4;
	v1 =	vmul.f32 v1, v58  }
0xa5: {  	[tilespmem:s26+$0x20] =	vst v8;
	v2 =	vbroadcast v2, $0xF;
	v3 =	vmul.f32 v55, v3  }
0xa6: {  	[tilespmem:s26+$0x30] =	vst v1;
	v1 =	vmul.f32 v60, v63  }
0xa7: {  	v2 =	vmul.f32 v61, v2;
	[tilespmem:s26+$0x40] =	vst v3  }
0xa8: {  	[tilespmem:s28+$0x60] =	vst v1  }
0xa9: {  	[tilespmem:s28+$0x70] =	vst v2  }
0xaa: {  	[spmem:s2] =	stream.indirect.scatter.add.f32 [tilespmem:s23], [sflag:$0x4], $0x10, s15, s15, $0xb8;
	[tilespmem:$0x1DC30] =	vst v63  }
0xab: {  	_ =	swait.ge [sflag:s17], $0x13880  }
0xac: {  	[sflag:s17] =	ssyncset.done $0x0  }
0xad: {  	s29 =	sshll.u32 s0, $0x6;
	[sflag:s17] =	ssyncadd.s32 $0xFFFEC780  }
0xae: {  	s30 =	sshrl.u32 s10, $0x3;
	s26 =	sor.u32 $0x1C04, s29;
	[bflag:$0x0] =	sbarrier.arrive $0xFFFF  }
0xaf: {  	[hbm:s12], [sflag:s26] =	dma.local [spmem:s30], $0x500  }
0xb0: {  	s25 =	sadd.s32 $0x1, s25;
	_ =	swait.ge [sflag:s17], $0x500  }
0xb1: {  	p0 =	sne.s32 s25, s14;
	[sflag:s17] =	ssyncset.done $0x0  }
.Ltmp3:
0xb2: {  	s31 =	sshrl.u32 s11, $0x3;
	[sflag:s17] =	ssyncadd.s32 $0xFFFFFB00;
	(pc) =	sbr.rel @p0 .LBB2_1-.Ltmp3, $4  }
0xb3: {  	[hbm:s13], [sflag:s26] =	dma.local [spmem:s31], $0x50  }
0xb4: {  	_ =	swait.ge [sflag:s17], $0x50  }
0xb5: {  	[sflag:s17] =	ssyncset.done $0x0  }
0xb6: {  	[sflag:s17] =	ssyncadd.s32 $0xFFFFFFB0  }
0xb7: {  	_ =	sfence.sel $0x180000  }
0xb8: {  	[bflag:$0x0] =	sbarrier.arrive $0xFFFF  }
0xb9: {  	p0 =	sne.s32 s0, $0x0;
	_ =	strace $0x9000004D  }
0xba: {  	s0 =	sadd.s32 @!p0 $0x100000, s1;
	[bflag:$0x2] =	sbarrier.arrive $0xFFFF  }
0xbb: {  	[sflag:s0] =	ssyncadd.tile.s32 @!p0 $0x1;
	_ =	shalt  }
.Lfunc_end2:
_tile_overlayer_lowered:
.L_overlay_start_2:
0xbc: {  	(tag) =	ssettag $0x2  }
0xbd: {  	s0 =	rddreg [dreg:$0x0];
	s2 =	stileid.u32  }
0xbe: {  	s1 =	rddreg [dreg:$0x1];
	p0 =	sne.s32 s2, $0x0  }
0xbf: {  	s3 =	rddreg [dreg:$0x2];
	[bflag:$0x3] =	sbarrier.arrive $0xFFFF;
	s2 =	simm.s32 @!p0 $0x1C04  }
0xc0: {  	[timem:s3], [sflag:s2] =	dma.local @!p0 [hbm:s0], s1  }
0xc1: {  	s0 =	simm.s32 @!p0 $0x4  }
0xc2: {  	_ =	swait.ge @!p0 [sflag:s0], s1  }
0xc3: {  	s1 =	ssub.s32 @!p0 $0x0, s1;
	[sflag:s0] =	ssyncset.done @!p0 $0x0  }
0xc4: {  	[sflag:s0] =	ssyncadd.s32 @!p0 s1  }
0xc5: {  	[bflag:$0x3] =	sbarrier.arrive $0xFFFF  }
0xc6: {  	_ =	shalt  }

// kernel: kernel.8.cloned.1.call-start
scs
__scs_entry_jumppad:
0x0: {  	(pc) =	sbr.rel $0x88, $3  }
0x1: {  	(tag) =	ssettag $0x0;
	lr =	simm.s32 $0x1  }
0x2: {  	[smem:$0x3F8D] =	sst lr;
	_ =	strace $0xD0000000  }
0x3: {  	_ = 	snop  }
0x4: {  	_ = 	snop  }
0x5: {  	_ = 	snop  }
0x6: {  	_ = 	snop  }
0x7: {  	_ = 	snop  }
__scs_overlays_trampoline_lowered:
0x8: {  	[smem:$0x3F9C] =	sst s0  }
0x9: {  	[smem:$0x3F9D] =	sst s1  }
0xa: {  	[smem:$0x3F9E] =	sst s2  }
0xb: {  	[smem:$0x3F9F] =	sst s3  }
0xc: {  	[smem:$0x3FA0] =	sst s4  }
0xd: {  	[smem:$0x3FA1] =	sst s5  }
0xe: {  	[smem:$0x3FA2] =	sst s6  }
0xf: {  	[smem:$0x3FA3] =	sst s7  }
0x10: {  	[smem:$0x3FA4] =	sst s8  }
0x11: {  	[smem:$0x3FA5] =	sst s9;
	s0 =	simm.s32 @!p0 $0x0  }
0x12: {  	s1 =	sld [smem:$0x3F8B];
	s0 =	simm.s32 @p0 $0x1  }
0x13: {  	[smem:$0x3FA6] =	sst s0;
	s0 =	simm.s32 @!p1 $0x0  }
0x14: {  	s2 =	sld [smem:$0x3F8A];
	s0 =	simm.s32 @p1 $0x1  }
0x15: {  	[smem:$0x3FA7] =	sst s0;
	s0 =	simm.s32 @!p2 $0x0  }
0x16: {  	s3 =	sld [smem:$0x3FDB];
	s0 =	simm.s32 @p2 $0x1  }
0x17: {  	s4 =	simm.s32 $0x1BF5;
	[smem:$0x3FA9] =	sst s0  }
0x18: {  	s0 =	sld [smem:$0x3F8C];
	_ =	swait.ge [sflag:s4], $0x0  }
0x19: {  	s7 =	sld [smem:$0x3F8D]  }
0x1a: {  	s8 =	sadd.s32 $0xFFFFE003, lr  }
0x1b: {  	s9 =	sadd.s32 $0xFFFFFEF7, lr;
	s5 =	simm.s32 $0xFFFFFFFF;
	p2 =	slt.u32 s8, $0xFFFFF086  }
0x1c: {  	p1 =	slt.u32 s9, $0xF7A;
	s5 =	simm.s32 @!p2 $0x0  }
0x1d: {  	s5 =	simm.s32 @p1 $0x1;
	p0 =	seq.s32 s7, s2  }
0x1e: {  	s7 =	smul.u32 @!p0 $0xF7A, s2;
	p2 =	seq.s32 @!p0 s5, $0x0  }
0x1f: {  	s9 =	smul.u32 $0xF7A, s1;
	s8 =	simm.s32 @!p0 $0x1BF5;
	p2 =	por !p2, p0  }
0x20: {  	[sflag:s8] =	ssyncset.s32 @!p0 $0xFFFFF086;
	s6 =	sadd.s32 @!p0 s3, s7;
	s7 =	simm.s32 @!p0 $0x108  }
0x21: {  	s3 =	sadd.s32 s3, s9;
	s6 =	sadd.s32 @!p0 $0x88, s6;
	s7 =	simm.s32 @p2 $0x1082  }
0x22: {  	[simem:s7], [sflag:s8] =	dma.local @!p0 [hbm:s6], $0xF7A  }
0x23: {  	s9 =	sor.u32 $0xD0000000, s2;
	s6 =	simm.s32 $0x108;
	_ =	swait.ge @!p0 [sflag:s8], $0x0  }
0x24: {  	s3 =	sadd.s32 $0x88, s3;
	s6 =	simm.s32 @!p1 $0x1082;
	[sflag:s4] =	ssyncset.s32 $0xFFFFF086  }
0x25: {  	[simem:s6], [sflag:s4] =	dma.local [hbm:s3], $0xF7A  }
0x26: {  	[smem:$0x3F8D] =	sst s1;
	(tag) =	ssettag s2;
	_ =	strace s9  }
0x27: {  	s1 =	sld [smem:$0x3F9D]  }
0x28: {  	s2 =	sld [smem:$0x3F9E]  }
0x29: {  	s4 =	sld [smem:$0x3FA0]  }
0x2a: {  	p0 =	seq.s32 s5, $0x0;
	s5 =	sld [smem:$0x3FA1]  }
0x2b: {  	s6 =	sld [smem:$0x3FA2]  }
0x2c: {  	s7 =	sld [smem:$0x3FA3]  }
0x2d: {  	s3 =	simm.s32 $0x108;
	s8 =	sld [smem:$0x3FA4]  }
0x2e: {  	s3 =	simm.s32 @!p0 $0x1082;
	s9 =	sld [smem:$0x3FA5]  }
0x2f: {  	lr =	sadd.s32 s0, s3;
	s0 =	sld [smem:$0x3F9C]  }
0x30: {  	s3 =	sld [smem:$0x3F9F]  }
0x31: {  	[smem:$0x3FA8] =	sst s10  }
0x32: {  	s10 =	sld [smem:$0x3FA6];
	_ =	sdelay $0x3  }
0x33: {  	p0 =	seq.s32 s10, $0x1;
	s10 =	sld [smem:$0x3FA8];
	_ =	sdelay $0x3  }
0x34: {  	[smem:$0x3FA8] =	sst s10  }
0x35: {  	s10 =	sld [smem:$0x3FA7];
	_ =	sdelay $0x3  }
0x36: {  	p1 =	seq.s32 s10, $0x1;
	s10 =	sld [smem:$0x3FA8];
	_ =	sdelay $0x3  }
0x37: {  	[smem:$0x3FA8] =	sst s10  }
0x38: {  	s10 =	sld [smem:$0x3FA9]  }
0x39: {  	_ = 	snop;
	(pc) =	sbr.ind lr, $3  }
0x3a: {  	_ = 	snop  }
0x3b: {  	_ = 	snop  }
0x3c: {  	p2 =	seq.s32 s10, $0x1;
	s10 =	sld [smem:$0x3FA8]  }
0x3d: {  	_ =	shalt  }
0x3e: {  	_ =	shalt  }
0x3f: {  	_ =	shalt  }
0x40: {  	_ =	shalt  }
0x41: {  	_ =	shalt  }
0x42: {  	_ =	shalt  }
0x43: {  	_ =	shalt  }
0x44: {  	_ =	shalt  }
0x45: {  	_ =	shalt  }
0x46: {  	_ =	shalt  }
0x47: {  	_ =	shalt  }
0x48: {  	_ =	shalt  }
0x49: {  	_ =	shalt  }
0x4a: {  	_ =	shalt  }
0x4b: {  	_ =	shalt  }
0x4c: {  	_ =	shalt  }
0x4d: {  	_ =	shalt  }
0x4e: {  	_ =	shalt  }
0x4f: {  	_ =	shalt  }
0x50: {  	_ =	shalt  }
0x51: {  	_ =	shalt  }
0x52: {  	_ =	shalt  }
0x53: {  	_ =	shalt  }
0x54: {  	_ =	shalt  }
0x55: {  	_ =	shalt  }
0x56: {  	_ =	shalt  }
0x57: {  	_ =	shalt  }
0x58: {  	_ =	shalt  }
0x59: {  	_ =	shalt  }
0x5a: {  	_ =	shalt  }
0x5b: {  	_ =	shalt  }
0x5c: {  	_ =	shalt  }
0x5d: {  	_ =	shalt  }
0x5e: {  	_ =	shalt  }
0x5f: {  	_ =	shalt  }
0x60: {  	_ =	shalt  }
0x61: {  	_ =	shalt  }
0x62: {  	_ =	shalt  }
0x63: {  	_ =	shalt  }
0x64: {  	_ =	shalt  }
0x65: {  	_ =	shalt  }
0x66: {  	_ =	shalt  }
0x67: {  	_ =	shalt  }
0x68: {  	_ =	shalt  }
0x69: {  	_ =	shalt  }
0x6a: {  	_ =	shalt  }
0x6b: {  	_ =	shalt  }
0x6c: {  	_ =	shalt  }
0x6d: {  	_ =	shalt  }
0x6e: {  	_ =	shalt  }
0x6f: {  	_ =	shalt  }
0x70: {  	_ =	shalt  }
0x71: {  	_ =	shalt  }
0x72: {  	_ =	shalt  }
0x73: {  	_ =	shalt  }
0x74: {  	_ =	shalt  }
0x75: {  	_ =	shalt  }
0x76: {  	_ =	shalt  }
0x77: {  	_ =	shalt  }
0x78: {  	_ =	shalt  }
0x79: {  	_ =	shalt  }
0x7a: {  	_ =	shalt  }
0x7b: {  	_ =	shalt  }
0x7c: {  	_ =	shalt  }
0x7d: {  	_ =	shalt  }
0x7e: {  	_ =	shalt  }
0x7f: {  	_ =	shalt  }
0x80: {  	_ =	shalt  }
0x81: {  	_ =	shalt  }
0x82: {  	_ =	shalt  }
0x83: {  	_ =	shalt  }
0x84: {  	_ =	shalt  }
0x85: {  	_ =	shalt  }
0x86: {  	_ =	shalt  }
0x87: {  	_ =	shalt  }
.Lfunc_end0:
.L_simem_size_0:
called_computation_lowered:
.L_overlay_start_0:
0x88: {  	s2 =	sld [smem:$0x3FD9]  }
0x89: {  	s3 =	sld [smem:$0x3FFE];
	_ =	sdelay $0x1  }
0x8a: {  	s1 =	srdreg.scid  }
0x8b: {  	s0 =	sand.u32 $0x1, s1  }
0x8c: {  	s16 =	sshll.u32 s0, $0xA;
	s2 =	sadd.s32 s3, s2  }
0x8d: {  	s2 =	sadd.s32 s2, s16  }
0x8e: {  	[smem:$0x3FB4] =	sst s2  }
0x8f: {  	_ = 	snop  }
0x90: {  	(tm) =	ssettm $0x1  }
0x91: {  	s17 =	sld [smem:$0x3FFB];
	_ =	sdelay $0x3  }
0x92: {  	_ =	strace s17  }
0x93: {  	s2 =	sld [smem:$0x3FFC];
	_ =	sdelay $0x3  }
0x94: {  	_ =	strace s2  }
0x95: {  	s2 =	sld [smem:$0x3FFD];
	_ =	sdelay $0x3  }
0x96: {  	_ =	strace s2  }
0x97: {  	_ =	strace $0x8FFFFFFF  }
0x98: {  	s18 =	sld [smem:$0x3FDB];
	_ =	sdelay $0x1  }
0x99: {  	s19 =	simm.s32 $_scs_section_size  }
0x9a: {  	s4 =	simm.s32 $_size__tile_overlayer_lowered;
	s5 =	simm.s32 $_tile_overlayer_lowered  }
0x9b: {  	s22 =	simm.s32 $0x1BFF;
	s21 =	sshll.u32 s5, $0x1;
	s2 =	sadd.s32 s19, s18  }
0x9c: {  	s6 =	simm.s32 $0x0;
	s20 =	sshll.u32 s4, $0x1;
	s4 =	sadd.s32 s21, s2  }
0x9d: {  	[timem:s6], [sflag:s22] =	dma.local [hbm:s4], s20  }
0x9e: {  	_ =	swait.ge [sflag:s22], s20  }
0x9f: {  	s3 =	ssub.s32 $0x0, s20;
	[sflag:s22] =	ssyncset.done $0x0  }
0xa0: {  	[sflag:s22] =	ssyncadd.s32 s3;
	_ =	sdelay $0x1  }
0xa1: {  	s23 =	simm.s32 $0x1B8B  }
0xa2: {  	_ =	swait.ge [sflag:s23], $0x1  }
0xa3: {  	[sflag:s23] =	ssyncset.done $0x0  }
0xa4: {  	s25 =	simm.s32 $0x1B8E;
	s24 =	sld [smem:$0x3FFE];
	[sflag:s23] =	ssyncadd.s32 $0xFFFFFFFF  }
0xa5: {  	s26 =	simm.s32 $execute0_lowered;
	[smem:$0x3FD2] =	sst s25  }
0xa6: {  	s4 =	sshll.u32 s26, $0x1;
	_ =	strace $0x80000046;
	[dreg:$0x1] =	wrdreg $0xFFFFFFFF  }
0xa7: {  	s28 =	simm.s32 $_size_execute0_lowered;
	s2 =	sadd.s32 s2, s4;
	[dreg:$0x0] =	wrdreg $0x0  }
0xa8: {  	s4 =	sshll.u32 s28, $0x1;
	[dreg:$0x2] =	wrdreg s2  }
0xa9: {  	[dreg:$0x3] =	wrdreg s4  }
0xaa: {  	[dreg:$0x4] =	wrdreg $0xC0  }
0xab: {  	_ =	task [dreg:s6], $0x5FFFF  }
0xac: {  	[dreg:$0x1] =	wrdreg $0xFFFFFFFF  }
0xad: {  	[dreg:$0x0] =	wrdreg $0x60  }
0xae: {  	[dreg:$0x2] =	wrdreg s24  }
0xaf: {  	[dreg:$0x3] =	wrdreg $0x9  }
0xb0: {  	_ =	task.clear_ibuf [dreg:s6], $0x4FFFF;
	_ =	strace $0x90000046  }
0xb1: {  	s29 =	simm.s32 $0x9;
	_ =	strace $0x80000048  }
0xb2: {  	_ =	swait.ge [sflag:s29], $0x1  }
0xb3: {  	[sflag:s29] =	ssyncadd.s32 $0xFFFFFFFF  }
0xb4: {  	_ =	strace $0x90000048  }
0xb5: {  	_ =	sfence  }
0xb6: {  	s30 =	sld [smem:$0x0];
	_ =	sdelay $0x2  }
0xb7: {  	s31 =	sshll.u32 s1, $0xD;
	s1 =	sshrl.u32 s1, $0x2  }
0xb8: {  	s3 =	sand.u32 $0x4000, s31;
	s1 =	sadd.s32 s1, s30  }
0xb9: {  	s0 =	sor.u32 s3, s0;
	s1 =	sshll.u32 s1, $0x11  }
0xba: {  	s0 =	sor.u32 s1, s0  }
0xbb: {  	s0 =	sadd.s32 $0x8F2B, s0  }
0xbc: {  	[sflag:s0] =	ssyncadd.remote.s32 $0x1  }
0xbd: {  	_ =	sfence.sel $0xFFFF  }
0xbe: {  	[dreg:$0x0] =	wrdreg $0xFFFFFFFF;
	(pc) =	sbr.abs _section_cstart, $3  }
0xbf: {  	[dreg:$0x1] =	wrdreg $0xFFFFFFFF  }
0xc0: {  	_ =	task.clear_ibuf [dreg:s6], $0x2FFFF;
	_ =	strace $0x9FFFFFFF  }
0xc1: {  	(tm) =	ssettm $0x7FFFFFFF  }
tec
execute0_lowered:
.L_overlay_start_1:
0x0: {  	(tag) =	ssettag $0x1  }
0x1: {  	s4 =	rddreg [dreg:$0x0]  }
0x2: {  	s0 =	rddreg [dreg:$0x1];
	s3 =	srdreg.scid  }
0x3: {  	s1 =	stileid.u32;
	s2 =	simm.s32 $0x0;
	s12 =	simm.s32 $0x1388  }
0x4: {  	s13 =	simm.s32 $0x1;
	s5 =	sand.u32 $0x1, s3;
	s31 =	sshll.u32 s1, $0x1  }
0x5: {  	s14 =	simm.s32 $0x14C08;
	s15 =	simm.s32 $0x0;
	s6 =	sor.u32 s5, s31  }
0x6: {  	[smem:$0x7FF] =	sst s2;
	s3 =	sadd.s32 $0x3C00, s4;
	s7 =	smul.u32 $0x13880, s6  }
0x7: {  	s9 =	sadd.s32 $0x12C00, s4;
	s5 =	ssub.s32 $0x2, s5;
	s8 =	smul.u32 $0x271, s6  }
0x8: {  	_ =	strace $0x80000047;
	s10 =	sshrl.u32 s5, $0x1;
	s6 =	smul.u32 $0x2710, s6  }
0x9: {  	s10 =	ssub.s32 s5, s10;
	s7 =	sshrl.u32 s7, $0x3;
	s4 =	sadd.s32 s8, s4  }
0xa: {  	s5 =	sadd.s32 s9, s6;
	s10 =	smax.u32 s10, $0x1;
	s11 =	sadd.s32 s9, s7  }
0xb: {  	s4 =	sadd.s32 $0xDC00, s4;
	s6 =	sadd.s32 $0x7D0, s11;
	s7 =	sadd.s32 $0xFA0, s11  }
0xc: {  	s8 =	sadd.s32 $0x1770, s11;
	s9 =	sadd.s32 $0x1F40, s11;
	s11 =	simm.s32 $0x2  }
.LBB2_1:
0xd: {  	[tilespmem:s2], [sflag:$0x2] =	stream.linear.gather [hbm4b:s4+s2], $0x1388, $0x38;
	[tilespmem:$0x18A88] =	vst v63  }
0xe: {  	_ =	swait.ge [sflag:s11], $0x1388  }
0xf: {  	[sflag:s11] =	ssyncset.done $0x0  }
0x10: {  	[sflag:s11] =	ssyncadd.s32 $0xFFFFEC78  }
0x11: {  	[tilespmem:s12], [sflag:$0x1] =	stream.indirect.gather [hbm4b:s3+s12], $0x10, s2, s12, $0xb8;
	[tilespmem:$0x18A88] =	vst v63  }
0x12: {  	_ =	swait.ge [sflag:s13], $0x13880  }
0x13: {  	[sflag:s13] =	ssyncset.done $0x0  }
0x14: {  	s16 =	simm.s32 $0x0;
	[sflag:s13] =	ssyncadd.s32 $0xFFFEC780  }
0x15: {  	v3 =	vld [tilespmem:s16+$0x13F8]  }
0x16: {  	v4 =	vld [tilespmem:s16+$0x1388]  }
0x17: {  	v5 =	vld [tilespmem:s16+$0x1398]  }
0x18: {  	v2 =	vld [tilespmem:s16+$0x13A8]  }
0x19: {  	v0 =	vld [tilespmem:s16+$0x13B8]  }
0x1a: {  	v1 =	vld [tilespmem:s16+$0x13C8];
	[tilespmem:s16+$0x14C78] =	vst v3  }
0x1b: {  	[tilespmem:s16+$0x14C08] =	vst v4;
	v3 =	vld [tilespmem:s16+$0x13D8]  }
0x1c: {  	s17 =	simm.s32 $0x80;
	s18 =	simm.s32 $0x400;
	[tilespmem:s16+$0x14C18] =	vst v5;
	v4 =	vld [tilespmem:s16+$0x13E8]  }
.LBB2_2:
0x1d: {  	p0 =	sne.s32 s18, $0xF800;
	v5 =	vld [tilespmem:s17+$0x13F8];
	[tilespmem:s16+$0x14C28] =	vst v2  }
0x1e: {  	v6 =	vld [tilespmem:s17+$0x1388];
	[tilespmem:s16+$0x14C38] =	vst v0  }
0x1f: {  	v7 =	vld [tilespmem:s17+$0x1398];
	[tilespmem:s16+$0x14C48] =	vst v1  }
.Ltmp0:
0x20: {  	v2 =	vld [tilespmem:s17+$0x13A8];
	[tilespmem:s16+$0x14C58] =	vst v3;
	(pc) =	sbr.rel @p0 .LBB2_2-.Ltmp0, $4  }
0x21: {  	v0 =	vld [tilespmem:s17+$0x13B8];
	[tilespmem:s16+$0x14C68] =	vst v4;
	s16 =	smov.u32 s17  }
0x22: {  	v1 =	vld [tilespmem:s16+$0x13C8];
	[tilespmem:s16+$0x14C78] =	vst v5  }
0x23: {  	[tilespmem:s16+$0x14C08] =	vst v6;
	v3 =	vld [tilespmem:s16+$0x13D8]  }
0x24: {  	s17 =	sshra.s32 s18, $0x2;
	s18 =	sadd.s32 $0x200, s18;
	[tilespmem:s16+$0x14C18] =	vst v7;
	v4 =	vld [tilespmem:s16+$0x13E8]  }
0x25: {  	v5 =	vld [tilespmem:s17+$0x13F8];
	[tilespmem:s16+$0x14C28] =	vst v2  }
0x26: {  	v2 =	vld [tilespmem:s17+$0x1388];
	[tilespmem:s16+$0x14C38] =	vst v0  }
0x27: {  	v0 =	vld [tilespmem:s17+$0x1398];
	[tilespmem:s16+$0x14C48] =	vst v1  }
0x28: {  	v1 =	vld [tilespmem:s17+$0x13A8];
	[tilespmem:s16+$0x14C58] =	vst v3  }
0x29: {  	v3 =	vld [tilespmem:s17+$0x13B8];
	[tilespmem:s16+$0x14C68] =	vst v4  }
0x2a: {  	v4 =	vld [tilespmem:s17+$0x13C8];
	[tilespmem:s17+$0x14C78] =	vst v5  }
0x2b: {  	[tilespmem:s17+$0x14C08] =	vst v2;
	v2 =	vld [tilespmem:s17+$0x13D8]  }
0x2c: {  	[tilespmem:s17+$0x14C18] =	vst v0;
	v0 =	vld [tilespmem:s17+$0x13E8]  }
0x2d: {  	[tilespmem:s17+$0x14C28] =	vst v1  }
0x2e: {  	[tilespmem:s17+$0x14C38] =	vst v3  }
0x2f: {  	[tilespmem:s17+$0x14C48] =	vst v4  }
0x30: {  	[tilespmem:s17+$0x14C58] =	vst v2  }
0x31: {  	s31 =	simm.s32 $0x0;
	[tilespmem:s17+$0x14C68] =	vst v0  }
0x32: {  	[hbm4b:s5+s31] =	stream.linear.scatter [tilespmem:s14], [sflag:$0x2], $0x3E80, $0x38;
	[tilespmem:$0x18A88] =	vst v63  }
0x33: {  	_ =	swait.ge [sflag:s11], $0x3E80  }
0x34: {  	[sflag:s11] =	ssyncset.done $0x0  }
0x35: {  	s16 =	simm.s32 $0x0;
	[sflag:s11] =	ssyncadd.s32 $0xFFFFC180  }
0x36: {  	v3 =	vld [tilespmem:s16+$0x5278]  }
0x37: {  	v4 =	vld [tilespmem:s16+$0x5208]  }
0x38: {  	v5 =	vld [tilespmem:s16+$0x5218]  }
0x39: {  	v2 =	vld [tilespmem:s16+$0x5228]  }
0x3a: {  	v0 =	vld [tilespmem:s16+$0x5238]  }
0x3b: {  	v1 =	vld [tilespmem:s16+$0x5248];
	[tilespmem:s16+$0x14C78] =	vst v3  }
0x3c: {  	[tilespmem:s16+$0x14C08] =	vst v4;
	v3 =	vld [tilespmem:s16+$0x5258]  }
0x3d: {  	s18 =	simm.s32 $0x400;
	s17 =	simm.s32 $0x80;
	[tilespmem:s16+$0x14C18] =	vst v5;
	v4 =	vld [tilespmem:s16+$0x5268]  }
.LBB2_4:
0x3e: {  	p0 =	sne.s32 s18, $0xF800;
	v5 =	vld [tilespmem:s17+$0x5278];
	[tilespmem:s16+$0x14C28] =	vst v2  }
0x3f: {  	v6 =	vld [tilespmem:s17+$0x5208];
	[tilespmem:s16+$0x14C38] =	vst v0  }
0x40: {  	v7 =	vld [tilespmem:s17+$0x5218];
	[tilespmem:s16+$0x14C48] =	vst v1  }
.Ltmp1:
0x41: {  	v2 =	vld [tilespmem:s17+$0x5228];
	[tilespmem:s16+$0x14C58] =	vst v3;
	(pc) =	sbr.rel @p0 .LBB2_4-.Ltmp1, $4  }
0x42: {  	v0 =	vld [tilespmem:s17+$0x5238];
	[tilespmem:s16+$0x14C68] =	vst v4;
	s16 =	smov.u32 s17  }
0x43: {  	v1 =	vld [tilespmem:s16+$0x5248];
	[tilespmem:s16+$0x14C78] =	vst v5  }
0x44: {  	[tilespmem:s16+$0x14C08] =	vst v6;
	v3 =	vld [tilespmem:s16+$0x5258]  }
0x45: {  	s17 =	sshra.s32 s18, $0x2;
	s18 =	sadd.s32 $0x200, s18;
	[tilespmem:s16+$0x14C18] =	vst v7;
	v4 =	vld [tilespmem:s16+$0x5268]  }
0x46: {  	v5 =	vld [tilespmem:s17+$0x5278];
	[tilespmem:s16+$0x14C28] =	vst v2  }
0x47: {  	v2 =	vld [tilespmem:s17+$0x5208];
	[tilespmem:s16+$0x14C38] =	vst v0  }
0x48: {  	v0 =	vld [tilespmem:s17+$0x5218];
	[tilespmem:s16+$0x14C48] =	vst v1  }
0x49: {  	v1 =	vld [tilespmem:s17+$0x5228];
	[tilespmem:s16+$0x14C58] =	vst v3  }
0x4a: {  	v3 =	vld [tilespmem:s17+$0x5238];
	[tilespmem:s16+$0x14C68] =	vst v4  }
0x4b: {  	v4 =	vld [tilespmem:s17+$0x5248];
	[tilespmem:s17+$0x14C78] =	vst v5  }
0x4c: {  	[tilespmem:s17+$0x14C08] =	vst v2;
	v2 =	vld [tilespmem:s17+$0x5258]  }
0x4d: {  	[tilespmem:s17+$0x14C18] =	vst v0;
	v0 =	vld [tilespmem:s17+$0x5268]  }
0x4e: {  	[tilespmem:s17+$0x14C28] =	vst v1  }
0x4f: {  	[tilespmem:s17+$0x14C38] =	vst v3  }
0x50: {  	[tilespmem:s17+$0x14C48] =	vst v4  }
0x51: {  	[tilespmem:s17+$0x14C58] =	vst v2  }
0x52: {  	s31 =	simm.s32 $0x0;
	[tilespmem:s17+$0x14C68] =	vst v0  }
0x53: {  	[hbm4b:s6+s31] =	stream.linear.scatter [tilespmem:s14], [sflag:$0x2], $0x3E80, $0x38;
	[tilespmem:$0x18A88] =	vst v63  }
0x54: {  	_ =	swait.ge [sflag:s11], $0x3E80  }
0x55: {  	[sflag:s11] =	ssyncset.done $0x0  }
0x56: {  	s16 =	simm.s32 $0x0;
	[sflag:s11] =	ssyncadd.s32 $0xFFFFC180  }
0x57: {  	v3 =	vld [tilespmem:s16+$0x90F8]  }
0x58: {  	v4 =	vld [tilespmem:s16+$0x9088]  }
0x59: {  	v5 =	vld [tilespmem:s16+$0x9098]  }
0x5a: {  	v2 =	vld [tilespmem:s16+$0x90A8]  }
0x5b: {  	v0 =	vld [tilespmem:s16+$0x90B8]  }
0x5c: {  	v1 =	vld [tilespmem:s16+$0x90C8];
	[tilespmem:s16+$0x14C78] =	vst v3  }
0x5d: {  	[tilespmem:s16+$0x14C08] =	vst v4;
	v3 =	vld [tilespmem:s16+$0x90D8]  }
0x5e: {  	s18 =	simm.s32 $0x400;
	s17 =	simm.s32 $0x80;
	[tilespmem:s16+$0x14C18] =	vst v5;
	v4 =	vld [tilespmem:s16+$0x90E8]  }
.LBB2_6:
0x5f: {  	p0 =	sne.s32 s18, $0xF800;
	v5 =	vld [tilespmem:s17+$0x90F8];
	[tilespmem:s16+$0x14C28] =	vst v2  }
0x60: {  	v6 =	vld [tilespmem:s17+$0x9088];
	[tilespmem:s16+$0x14C38] =	vst v0  }
0x61: {  	v7 =	vld [tilespmem:s17+$0x9098];
	[tilespmem:s16+$0x14C48] =	vst v1  }
.Ltmp2:
0x62: {  	v2 =	vld [tilespmem:s17+$0x90A8];
	[tilespmem:s16+$0x14C58] =	vst v3;
	(pc) =	sbr.rel @p0 .LBB2_6-.Ltmp2, $4  }
0x63: {  	v0 =	vld [tilespmem:s17+$0x90B8];
	[tilespmem:s16+$0x14C68] =	vst v4;
	s16 =	smov.u32 s17  }
0x64: {  	v1 =	vld [tilespmem:s16+$0x90C8];
	[tilespmem:s16+$0x14C78] =	vst v5  }
0x65: {  	[tilespmem:s16+$0x14C08] =	vst v6;
	v3 =	vld [tilespmem:s16+$0x90D8]  }
0x66: {  	s17 =	sshra.s32 s18, $0x2;
	s18 =	sadd.s32 $0x200, s18;
	[tilespmem:s16+$0x14C18] =	vst v7;
	v4 =	vld [tilespmem:s16+$0x90E8]  }
0x67: {  	v5 =	vld [tilespmem:s17+$0x90F8];
	[tilespmem:s16+$0x14C28] =	vst v2  }
0x68: {  	v2 =	vld [tilespmem:s17+$0x9088];
	[tilespmem:s16+$0x14C38] =	vst v0  }
0x69: {  	v0 =	vld [tilespmem:s17+$0x9098];
	[tilespmem:s16+$0x14C48] =	vst v1  }
0x6a: {  	v1 =	vld [tilespmem:s17+$0x90A8];
	[tilespmem:s16+$0x14C58] =	vst v3  }
0x6b: {  	v3 =	vld [tilespmem:s17+$0x90B8];
	[tilespmem:s16+$0x14C68] =	vst v4  }
0x6c: {  	v4 =	vld [tilespmem:s17+$0x90C8];
	[tilespmem:s17+$0x14C78] =	vst v5  }
0x6d: {  	[tilespmem:s17+$0x14C08] =	vst v2;
	v2 =	vld [tilespmem:s17+$0x90D8]  }
0x6e: {  	[tilespmem:s17+$0x14C18] =	vst v0;
	v0 =	vld [tilespmem:s17+$0x90E8]  }
0x6f: {  	[tilespmem:s17+$0x14C28] =	vst v1  }
0x70: {  	[tilespmem:s17+$0x14C38] =	vst v3  }
0x71: {  	[tilespmem:s17+$0x14C48] =	vst v4  }
0x72: {  	[tilespmem:s17+$0x14C58] =	vst v2  }
0x73: {  	s31 =	simm.s32 $0x0;
	[tilespmem:s17+$0x14C68] =	vst v0  }
0x74: {  	[hbm4b:s7+s31] =	stream.linear.scatter [tilespmem:s14], [sflag:$0x2], $0x3E80, $0x38;
	[tilespmem:$0x18A88] =	vst v63  }
0x75: {  	_ =	swait.ge [sflag:s11], $0x3E80  }
0x76: {  	[sflag:s11] =	ssyncset.done $0x0  }
0x77: {  	s16 =	simm.s32 $0x0;
	[sflag:s11] =	ssyncadd.s32 $0xFFFFC180  }
0x78: {  	v3 =	vld [tilespmem:s16+$0xCF78]  }
0x79: {  	v4 =	vld [tilespmem:s16+$0xCF08]  }
0x7a: {  	v5 =	vld [tilespmem:s16+$0xCF18]  }
0x7b: {  	v2 =	vld [tilespmem:s16+$0xCF28]  }
0x7c: {  	v0 =	vld [tilespmem:s16+$0xCF38]  }
0x7d: {  	v1 =	vld [tilespmem:s16+$0xCF48];
	[tilespmem:s16+$0x14C78] =	vst v3  }
0x7e: {  	[tilespmem:s16+$0x14C08] =	vst v4;
	v3 =	vld [tilespmem:s16+$0xCF58]  }
0x7f: {  	s18 =	simm.s32 $0x400;
	s17 =	simm.s32 $0x80;
	[tilespmem:s16+$0x14C18] =	vst v5;
	v4 =	vld [tilespmem:s16+$0xCF68]  }
.LBB2_8:
0x80: {  	p0 =	sne.s32 s18, $0xF800;
	v5 =	vld [tilespmem:s17+$0xCF78];
	[tilespmem:s16+$0x14C28] =	vst v2  }
0x81: {  	v6 =	vld [tilespmem:s17+$0xCF08];
	[tilespmem:s16+$0x14C38] =	vst v0  }
0x82: {  	v7 =	vld [tilespmem:s17+$0xCF18];
	[tilespmem:s16+$0x14C48] =	vst v1  }
.Ltmp3:
0x83: {  	v2 =	vld [tilespmem:s17+$0xCF28];
	[tilespmem:s16+$0x14C58] =	vst v3;
	(pc) =	sbr.rel @p0 .LBB2_8-.Ltmp3, $4  }
0x84: {  	v0 =	vld [tilespmem:s17+$0xCF38];
	[tilespmem:s16+$0x14C68] =	vst v4;
	s16 =	smov.u32 s17  }
0x85: {  	v1 =	vld [tilespmem:s16+$0xCF48];
	[tilespmem:s16+$0x14C78] =	vst v5  }
0x86: {  	[tilespmem:s16+$0x14C08] =	vst v6;
	v3 =	vld [tilespmem:s16+$0xCF58]  }
0x87: {  	s17 =	sshra.s32 s18, $0x2;
	s18 =	sadd.s32 $0x200, s18;
	[tilespmem:s16+$0x14C18] =	vst v7;
	v4 =	vld [tilespmem:s16+$0xCF68]  }
0x88: {  	v5 =	vld [tilespmem:s17+$0xCF78];
	[tilespmem:s16+$0x14C28] =	vst v2  }
0x89: {  	v2 =	vld [tilespmem:s17+$0xCF08];
	[tilespmem:s16+$0x14C38] =	vst v0  }
0x8a: {  	v0 =	vld [tilespmem:s17+$0xCF18];
	[tilespmem:s16+$0x14C48] =	vst v1  }
0x8b: {  	v1 =	vld [tilespmem:s17+$0xCF28];
	[tilespmem:s16+$0x14C58] =	vst v3  }
0x8c: {  	v3 =	vld [tilespmem:s17+$0xCF38];
	[tilespmem:s16+$0x14C68] =	vst v4  }
0x8d: {  	v4 =	vld [tilespmem:s17+$0xCF48];
	[tilespmem:s17+$0x14C78] =	vst v5  }
0x8e: {  	[tilespmem:s17+$0x14C08] =	vst v2;
	v2 =	vld [tilespmem:s17+$0xCF58]  }
0x8f: {  	[tilespmem:s17+$0x14C18] =	vst v0;
	v0 =	vld [tilespmem:s17+$0xCF68]  }
0x90: {  	[tilespmem:s17+$0x14C28] =	vst v1  }
0x91: {  	[tilespmem:s17+$0x14C38] =	vst v3  }
0x92: {  	[tilespmem:s17+$0x14C48] =	vst v4  }
0x93: {  	[tilespmem:s17+$0x14C58] =	vst v2  }
0x94: {  	s31 =	simm.s32 $0x0;
	[tilespmem:s17+$0x14C68] =	vst v0  }
0x95: {  	[hbm4b:s8+s31] =	stream.linear.scatter [tilespmem:s14], [sflag:$0x2], $0x3E80, $0x38;
	[tilespmem:$0x18A88] =	vst v63  }
0x96: {  	_ =	swait.ge [sflag:s11], $0x3E80  }
0x97: {  	[sflag:s11] =	ssyncset.done $0x0  }
0x98: {  	s16 =	simm.s32 $0x0;
	[sflag:s11] =	ssyncadd.s32 $0xFFFFC180  }
0x99: {  	v3 =	vld [tilespmem:s16+$0x10DF8]  }
0x9a: {  	v4 =	vld [tilespmem:s16+$0x10D88]  }
0x9b: {  	v5 =	vld [tilespmem:s16+$0x10D98]  }
0x9c: {  	v2 =	vld [tilespmem:s16+$0x10DA8]  }
0x9d: {  	v0 =	vld [tilespmem:s16+$0x10DB8]  }
0x9e: {  	v1 =	vld [tilespmem:s16+$0x10DC8];
	[tilespmem:s16+$0x14C78] =	vst v3  }
0x9f: {  	[tilespmem:s16+$0x14C08] =	vst v4;
	v3 =	vld [tilespmem:s16+$0x10DD8]  }
0xa0: {  	s18 =	simm.s32 $0x400;
	s17 =	simm.s32 $0x80;
	[tilespmem:s16+$0x14C18] =	vst v5;
	v4 =	vld [tilespmem:s16+$0x10DE8]  }
.LBB2_10:
0xa1: {  	p0 =	sne.s32 s18, $0xF800;
	v5 =	vld [tilespmem:s17+$0x10DF8];
	[tilespmem:s16+$0x14C28] =	vst v2  }
0xa2: {  	v6 =	vld [tilespmem:s17+$0x10D88];
	[tilespmem:s16+$0x14C38] =	vst v0  }
0xa3: {  	v7 =	vld [tilespmem:s17+$0x10D98];
	[tilespmem:s16+$0x14C48] =	vst v1  }
.Ltmp4:
0xa4: {  	v2 =	vld [tilespmem:s17+$0x10DA8];
	[tilespmem:s16+$0x14C58] =	vst v3;
	(pc) =	sbr.rel @p0 .LBB2_10-.Ltmp4, $4  }
0xa5: {  	v0 =	vld [tilespmem:s17+$0x10DB8];
	[tilespmem:s16+$0x14C68] =	vst v4;
	s16 =	smov.u32 s17  }
0xa6: {  	v1 =	vld [tilespmem:s16+$0x10DC8];
	[tilespmem:s16+$0x14C78] =	vst v5  }
0xa7: {  	[tilespmem:s16+$0x14C08] =	vst v6;
	v3 =	vld [tilespmem:s16+$0x10DD8]  }
0xa8: {  	s17 =	sshra.s32 s18, $0x2;
	s18 =	sadd.s32 $0x200, s18;
	[tilespmem:s16+$0x14C18] =	vst v7;
	v4 =	vld [tilespmem:s16+$0x10DE8]  }
0xa9: {  	v5 =	vld [tilespmem:s17+$0x10DF8];
	[tilespmem:s16+$0x14C28] =	vst v2  }
0xaa: {  	v2 =	vld [tilespmem:s17+$0x10D88];
	[tilespmem:s16+$0x14C38] =	vst v0  }
0xab: {  	v0 =	vld [tilespmem:s17+$0x10D98];
	[tilespmem:s16+$0x14C48] =	vst v1  }
0xac: {  	v1 =	vld [tilespmem:s17+$0x10DA8];
	[tilespmem:s16+$0x14C58] =	vst v3  }
0xad: {  	v3 =	vld [tilespmem:s17+$0x10DB8];
	[tilespmem:s16+$0x14C68] =	vst v4  }
0xae: {  	v4 =	vld [tilespmem:s17+$0x10DC8];
	[tilespmem:s17+$0x14C78] =	vst v5  }
0xaf: {  	v62 =	vld [tilespmem:s17+$0x10DD8];
	[tilespmem:s17+$0x14C08] =	vst v2  }
0xb0: {  	v63 =	vld [tilespmem:s17+$0x10DE8];
	[tilespmem:s17+$0x14C18] =	vst v0  }
0xb1: {  	[tilespmem:s17+$0x14C28] =	vst v1  }
0xb2: {  	[tilespmem:s17+$0x14C38] =	vst v3  }
0xb3: {  	s15 =	sadd.s32 $0x1, s15;
	[tilespmem:s17+$0x14C48] =	vst v4  }
0xb4: {  	p0 =	sne.s32 s15, s10;
	[tilespmem:s17+$0x14C58] =	vst v62  }
.Ltmp5:
0xb5: {  	[tilespmem:s17+$0x14C68] =	vst v63;
	(pc) =	sbr.rel @p0 .LBB2_1-.Ltmp5, $4  }
0xb6: {  	[hbm4b:s9+s2] =	stream.linear.scatter [tilespmem:s14], [sflag:$0x2], $0x3E80, $0x38;
	[tilespmem:$0x18A88] =	vst v63  }
0xb7: {  	_ =	swait.ge [sflag:s11], $0x3E80  }
0xb8: {  	[sflag:s11] =	ssyncset.done $0x0  }
0xb9: {  	[sflag:s11] =	ssyncadd.s32 $0xFFFFC180  }
0xba: {  	_ =	sfence.sel $0x180000  }
0xbb: {  	[bflag:$0x0] =	sbarrier.arrive $0xFFFF  }
0xbc: {  	p0 =	sne.s32 s1, $0x0;
	_ =	strace $0x90000047  }
0xbd: {  	s0 =	sadd.s32 @!p0 $0x100000, s0;
	[bflag:$0x2] =	sbarrier.arrive $0xFFFF  }
0xbe: {  	[sflag:s0] =	ssyncadd.tile.s32 @!p0 $0x1;
	_ =	shalt  }
.Lfunc_end2:
_tile_overlayer_lowered:
.L_overlay_start_2:
0xbf: {  	(tag) =	ssettag $0x2  }
0xc0: {  	s0 =	rddreg [dreg:$0x0];
	s2 =	stileid.u32  }
0xc1: {  	s1 =	rddreg [dreg:$0x1];
	p0 =	sne.s32 s2, $0x0  }
0xc2: {  	s3 =	rddreg [dreg:$0x2];
	[bflag:$0x3] =	sbarrier.arrive $0xFFFF;
	s2 =	simm.s32 @!p0 $0x1C02  }
0xc3: {  	[timem:s3], [sflag:s2] =	dma.local @!p0 [hbm:s0], s1  }
0xc4: {  	s0 =	simm.s32 @!p0 $0x2  }
0xc5: {  	_ =	swait.ge @!p0 [sflag:s0], s1  }
0xc6: {  	s1 =	ssub.s32 @!p0 $0x0, s1;
	[sflag:s0] =	ssyncset.done @!p0 $0x0  }
0xc7: {  	[sflag:s0] =	ssyncadd.s32 @!p0 s1  }
0xc8: {  	[bflag:$0x3] =	sbarrier.arrive $0xFFFF  }
0xc9: {  	_ =	shalt  }

</sc_bundles>
